<compile_context>
chip_gen: v7x
topology: tpu7x:2x2x1
jax: 0.10.2.dev20260603
libtpu: 0.0.44.dev20260713+nightly
codegen_flags: <defaults>
</compile_context>

<pallas_src>
import jax
import jax.numpy as jnp
import numpy as np
from jax.experimental import pallas as pl
from jax.experimental.pallas import tpu as pltpu

_ANCHORS = np.array(
    [[10, 13], [16, 30], [33, 23], [30, 61], [62, 45], [59, 119],
     [116, 90], [156, 198], [373, 326]], dtype=np.float32)
_NUM_CLASSES = 80
_NA = 9
_IMG_DIM = 416.0
_IGNORE_THRES = 0.5
_OBJ_SCALE = 1.0
_NOOBJ_SCALE = 100.0
_B = 16
_G = 52
_S = _G * _G
_C = _NUM_CLASSES + 5
_CH = _NA * _C
_NT = 64
_SA = _NA * _S
_STRIDE = _IMG_DIM / _G


def _sig(v):
    return jax.nn.sigmoid(v)


def _clip(p):
    return jnp.clip(p, 1e-7, 1.0 - 1e-7)


def _iou_row(gw_row, gh_row):
    sa_w = _ANCHORS[:, 0] / _STRIDE
    sa_h = _ANCHORS[:, 1] / _STRIDE
    it = jax.lax.broadcasted_iota(jnp.int32, (_NA, 1), 0)
    saw = jnp.zeros((_NA, 1), jnp.float32)
    sah = jnp.zeros((_NA, 1), jnp.float32)
    for i in range(_NA):
        saw = jnp.where(it == i, jnp.float32(sa_w[i]), saw)
        sah = jnp.where(it == i, jnp.float32(sa_h[i]), sah)
    inter = jnp.minimum(saw, gw_row) * jnp.minimum(sah, gh_row)
    return inter / (saw * sah + gw_row * gh_row - inter + 1e-16)


def _best_anchor_row(iou_ra):
    bn = jnp.zeros((1, _NT), jnp.float32)
    best = iou_ra[0:1, :]
    for j in range(1, _NA):
        upd = iou_ra[j:j + 1, :] > best
        bn = jnp.where(upd, jnp.float32(j), bn)
        best = jnp.maximum(best, iou_ra[j:j + 1, :])
    return bn


def _body_a(*refs):
    x_refs = refs[:_NA]
    out_ref, loss_ref = refs[_NA], refs[_NA + 1]
    c = pl.program_id(0)

    s_in = jax.lax.broadcasted_iota(jnp.int32, (1, _S), 1)
    vs = [x_refs[j][0] for j in range(_NA)]

    @pl.when(c == 0)
    def _():
        gx = (s_in - (s_in // _G) * _G).astype(jnp.float32)
        for j in range(_NA):
            out_ref[0, :, _S * j:_S * (j + 1)] = (_sig(vs[j]) + gx) * _STRIDE

    @pl.when(c == 1)
    def _():
        gy = (s_in // _G).astype(jnp.float32)
        for j in range(_NA):
            out_ref[0, :, _S * j:_S * (j + 1)] = (_sig(vs[j]) + gy) * _STRIDE

    @pl.when(c == 2)
    def _():
        for j in range(_NA):
            out_ref[0, :, _S * j:_S * (j + 1)] = \
                jnp.exp(vs[j]) * jnp.float32(_ANCHORS[j, 0])

    @pl.when(c == 3)
    def _():
        for j in range(_NA):
            out_ref[0, :, _S * j:_S * (j + 1)] = \
                jnp.exp(vs[j]) * jnp.float32(_ANCHORS[j, 1])

    @pl.when(c >= 4)
    def _():
        for j in range(_NA):
            out_ref[0, :, _S * j:_S * (j + 1)] = _sig(vs[j])

    @pl.when(c == 4)
    def _():
        acc = jnp.float32(0.0)
        for j in range(_NA):
            pc = _clip(_sig(vs[j]))
            acc = acc + jnp.sum(-jnp.log(1.0 - pc))
        loss_ref[0, 0] = _NOOBJ_SCALE * acc


def _body_g(gj_ref, gi_ref, b_ref, cell_ref, out_ref):
    t = pl.program_id(0)
    cell = cell_ref[0, 0]
    b_t = b_ref[t]
    mask = (jax.lax.broadcasted_iota(jnp.int32, (_B, _CH), 0) == b_t
            ).astype(jnp.float32)
    out_ref[...] = jnp.sum(cell * mask, axis=0,
                           keepdims=True).reshape(1, 1, _CH)


def _body_b(gf_ref, tgt_ref, tgtT_ref, corr_ref):
    b_row = tgtT_ref[0:1, :]
    lab_row = tgtT_ref[1:2, :]
    cx = tgtT_ref[2:3, :] * _G
    cy = tgtT_ref[3:4, :] * _G
    gw = tgtT_ref[4:5, :] * _G
    gh = tgtT_ref[5:6, :] * _G
    gi_row = jnp.clip(jnp.floor(cx), 0.0, _G - 1.0)
    gj_row = jnp.clip(jnp.floor(cy), 0.0, _G - 1.0)
    s_row = gj_row * _G + gi_row

    b_col = tgt_ref[:, 0:1]
    lab_col = tgt_ref[:, 1:2]
    cx_col = tgt_ref[:, 2:3] * _G
    cy_col = tgt_ref[:, 3:4] * _G
    gw_col = tgt_ref[:, 4:5] * _G
    gh_col = tgt_ref[:, 5:6] * _G
    gi_col = jnp.clip(jnp.floor(cx_col), 0.0, _G - 1.0)
    gj_col = jnp.clip(jnp.floor(cy_col), 0.0, _G - 1.0)
    s_col = gj_col * _G + gi_col

    sa_w = list(_ANCHORS[:, 0] / _STRIDE)
    sa_h = list(_ANCHORS[:, 1] / _STRIDE)

    iou_ra = _iou_row(gw, gh)
    bn_row = _best_anchor_row(iou_ra)
    saw_r = jnp.zeros((1, _NA), jnp.float32)
    sah_r = jnp.zeros((1, _NA), jnp.float32)
    it9 = jax.lax.broadcasted_iota(jnp.int32, (1, _NA), 1)
    for i in range(_NA):
        saw_r = jnp.where(it9 == i, jnp.float32(sa_w[i]), saw_r)
        sah_r = jnp.where(it9 == i, jnp.float32(sa_h[i]), sah_r)
    inter_ar = jnp.minimum(saw_r, gw_col) * jnp.minimum(sah_r, gh_col)
    iou_ar = inter_ar / (saw_r * sah_r + gw_col * gh_col - inter_ar + 1e-16)
    bn_col = jnp.zeros((_NT, 1), jnp.float32)
    best_col = iou_ar[:, 0:1]
    for j in range(1, _NA):
        upd = iou_ar[:, j:j + 1] > best_col
        bn_col = jnp.where(upd, jnp.float32(j), bn_col)
        best_col = jnp.maximum(best_col, iou_ar[:, j:j + 1])

    gf = gf_ref[:, 0, :]

    g_sel = jnp.zeros((_NT, _C), jnp.float32)
    for a in range(_NA):
        g_sel = g_sel + (bn_col == a).astype(jnp.float32) \
            * gf[:, _C * a:_C * (a + 1)]
    g = g_sel.T
    g2_col = jnp.concatenate(
        [gf[:, _C * a + 4:_C * a + 5] for a in range(_NA)], axis=1)
    g2 = g2_col.T

    key_row = b_row * jnp.float32(_S) + s_row
    key_col = b_col * jnp.float32(_S) + s_col
    it0_tt = jax.lax.broadcasted_iota(jnp.int32, (_NT, _NT), 0)
    it1_tt = jax.lax.broadcasted_iota(jnp.int32, (_NT, _NT), 1)
    lower = it0_tt < it1_tt
    upper = it0_tt > it1_tt
    same_cell = key_col == key_row

    pc2 = _clip(_sig(g2))
    bce0_2 = -jnp.log(1.0 - pc2)
    noobj_sub = jnp.float32(0.0)
    for a in range(_NA):
        zer_row = (bn_row == a) | (iou_ra[a:a + 1, :] > _IGNORE_THRES)
        zer_col = (bn_col == a) | (iou_ar[:, a:a + 1] > _IGNORE_THRES)
        dup = jnp.sum((same_cell & lower & zer_col).astype(jnp.float32),
                      axis=0, keepdims=True) > 0.0
        mask = (zer_row & (~dup)).astype(jnp.float32)
        noobj_sub = noobj_sub + jnp.sum(bce0_2[a:a + 1, :] * mask)

    bn_eq = bn_col == bn_row
    lose = jnp.sum((same_cell & upper & bn_eq).astype(jnp.float32),
                   axis=0, keepdims=True) > 0.0
    win = (~lose).astype(jnp.float32)

    px = _sig(g[0:1])
    py = _sig(g[1:2])
    pw = g[2:3]
    ph = g[3:4]
    pc = _clip(_sig(g[4:5]))
    bce1_pc = -jnp.log(pc)
    saw_t = jnp.zeros((1, _NT), jnp.float32)
    sah_t = jnp.zeros((1, _NT), jnp.float32)
    for i in range(_NA):
        saw_t = jnp.where(bn_row == i, jnp.float32(sa_w[i]), saw_t)
        sah_t = jnp.where(bn_row == i, jnp.float32(sa_h[i]), sah_t)
    tx = cx - jnp.floor(cx)
    ty = cy - jnp.floor(cy)
    tw = jnp.log(gw / saw_t + 1e-16)
    th = jnp.log(gh / sah_t + 1e-16)
    sq = (px - tx) ** 2 + (py - ty) ** 2 + (pw - tw) ** 2 + (ph - th) ** 2

    pcls = _clip(_sig(g[5:85]))
    cls0 = jnp.sum(-jnp.log(1.0 - pcls), axis=0, keepdims=True)
    itc = jax.lax.broadcasted_iota(jnp.int32, (_NUM_CLASSES, _NT), 0)
    oh_lab = (itc == jnp.broadcast_to(lab_row.astype(jnp.int32),
                                      (_NUM_CLASSES, _NT))
              ).astype(jnp.float32)
    p_lab = _clip(jnp.sum(pcls * oh_lab, axis=0, keepdims=True))

    lab_eq = lab_col == lab_row
    dup_lab = jnp.sum((same_cell & lower & bn_eq & lab_eq)
                      .astype(jnp.float32), axis=0, keepdims=True) > 0.0
    first_lab = (~dup_lab).astype(jnp.float32)

    obj_add = jnp.sum(win * (sq + _OBJ_SCALE * bce1_pc + cls0))
    lab_add = jnp.sum(first_lab * (-jnp.log(p_lab) + jnp.log(1.0 - p_lab)))

    corr_ref[0, 0] = obj_add + lab_add - _NOOBJ_SCALE * noobj_sub


@jax.jit
def kernel(x, target):
    xv = x.transpose(2, 3, 0, 1)
    tgtT = target.T

    gj_idx = jnp.clip(jnp.floor(target[:, 3] * _G), 0.0,
                      _G - 1.0).astype(jnp.int32)
    gi_idx = jnp.clip(jnp.floor(target[:, 2] * _G), 0.0,
                      _G - 1.0).astype(jnp.int32)
    b_idx = target[:, 0].astype(jnp.int32)

    gfull = pl.pallas_call(
        _body_g,
        grid_spec=pltpu.PrefetchScalarGridSpec(
            num_scalar_prefetch=3,
            grid=(_NT,),
            in_specs=[
                pl.BlockSpec((1, 1, _B, _CH),
                             lambda t, gj, gi, b: (gj[t], gi[t], 0, 0)),
            ],
            out_specs=pl.BlockSpec((1, 1, _CH), lambda t, gj, gi, b: (t, 0, 0)),
        ),
        out_shape=jax.ShapeDtypeStruct((_NT, 1, _CH), jnp.float32),
        compiler_params=pltpu.CompilerParams(
            dimension_semantics=("arbitrary",)),
    )(gj_idx, gi_idx, b_idx, xv)

    corr = pl.pallas_call(
        _body_b,
        out_specs=pl.BlockSpec(memory_space=pltpu.SMEM),
        out_shape=jax.ShapeDtypeStruct((1, 1), jnp.float32),
    )(gfull, target, tgtT)

    t1 = xv.reshape(_S, _B, _CH).transpose(2, 1, 0)

    def _mk_spec(j):
        return pl.BlockSpec((1, _B, _S), lambda c, j=j: (_C * j + c, 0, 0))

    out, loss = pl.pallas_call(
        _body_a,
        grid=(_C,),
        in_specs=[_mk_spec(j) for j in range(_NA)],
        out_specs=[
            pl.BlockSpec((1, _B, _SA), lambda c: (c, 0, 0)),
            pl.BlockSpec((1, 1), lambda c: (0, 0), memory_space=pltpu.SMEM),
        ],
        out_shape=[
            jax.ShapeDtypeStruct((_C, _B, _SA), jnp.float32),
            jax.ShapeDtypeStruct((1, 1), jnp.float32),
        ],
        compiler_params=pltpu.CompilerParams(
            dimension_semantics=("arbitrary",)),
    )(*([t1] * _NA))

    output = out.transpose(1, 2, 0)
    total_loss = (loss + corr).reshape(())
    return output, total_loss

# --- scband reference (transcript-rebuilt; emitter-appended) ---
"""Pipeline reference for scband-yolov3-loss-38190849196727 (READ-ONLY COPY).

The authoritative reference and input builder live on the scoring server;
editing this copy changes nothing except your own understanding.
"""

import jax, jax.numpy as jnp
import numpy as np

ANCHORS = np.array([[10,13],[16,30],[33,23],[30,61],[62,45],[59,119],[116,90],[156,198],[373,326]], dtype=np.float32)
NUM_CLASSES = 80
NUM_ANCHORS = 9
IMG_DIM = 416.0
IGNORE_THRES = 0.5
OBJ_SCALE = 1.0
NOOBJ_SCALE = 100.0


def _bce(p, t):
    p = jnp.clip(p, 1e-7, 1.0 - 1e-7)
    return -(t * jnp.log(p) + (1.0 - t) * jnp.log(1.0 - p))


def setup_inputs(seed: int = 0):
    key = jax.random.key(seed)
    k1, k2, k3, k4, k5 = jax.random.split(key, 5)
    x = jax.random.normal(k1, (16, NUM_ANCHORS * (NUM_CLASSES + 5), 52, 52), dtype=jnp.float32) * 0.5
    nT = 64
    b = jax.random.randint(k2, (nT,), 0, 16).astype(jnp.float32)
    lab = jax.random.randint(k3, (nT,), 0, NUM_CLASSES).astype(jnp.float32)
    cxy = jax.random.uniform(k4, (nT, 2), minval=0.02, maxval=0.98)
    wh = jax.random.uniform(k5, (nT, 2), minval=0.05, maxval=0.4)
    target = jnp.concatenate([b[:, None], lab[:, None], cxy, wh], axis=1).astype(jnp.float32)
    return {"x": x, "target": target}


def _forward(x, target):
    B = x.shape[0]
    G = x.shape[2]
    stride = IMG_DIM / G
    preds = x.reshape(B, NUM_ANCHORS, NUM_CLASSES + 5, G, G).transpose(0, 1, 3, 4, 2)
    px = jax.nn.sigmoid(preds[..., 0])
    py = jax.nn.sigmoid(preds[..., 1])
    pw = preds[..., 2]
    ph = preds[..., 3]
    pred_conf = jax.nn.sigmoid(preds[..., 4])
    pred_cls = jax.nn.sigmoid(preds[..., 5:])
    grid_x = jnp.arange(G, dtype=jnp.float32).reshape(1, 1, 1, G)
    grid_y = jnp.arange(G, dtype=jnp.float32).reshape(1, 1, G, 1)
    sa = jnp.asarray(ANCHORS) / stride
    aw = sa[:, 0].reshape(1, NUM_ANCHORS, 1, 1)
    ah = sa[:, 1].reshape(1, NUM_ANCHORS, 1, 1)
    sg = jax.lax.stop_gradient
    pb = jnp.stack([sg(px) + grid_x, sg(py) + grid_y, jnp.exp(sg(pw)) * aw, jnp.exp(sg(ph)) * ah], axis=-1)
    # build_targets
    tb = target[:, 2:6] * G
    gxy = tb[:, :2]
    gwh = tb[:, 2:]
    inter = jnp.minimum(sa[:, None, 0], gwh[None, :, 0]) * jnp.minimum(sa[:, None, 1], gwh[None, :, 1])
    union = sa[:, None, 0] * sa[:, None, 1] + gwh[None, :, 0] * gwh[None, :, 1] - inter + 1e-16
    ious = inter / union  # [nA, nT]
    best_n = jnp.argmax(ious, axis=0)
    bidx = target[:, 0].astype(jnp.int32)
    labels = target[:, 1].astype(jnp.int32)
    gi = jnp.clip(jnp.floor(gxy[:, 0]), 0, G - 1).astype(jnp.int32)
    gj = jnp.clip(jnp.floor(gxy[:, 1]), 0, G - 1).astype(jnp.int32)
    Z = jnp.zeros((B, NUM_ANCHORS, G, G), dtype=jnp.float32)
    obj = Z.at[bidx, best_n, gj, gi].set(1.0)
    noobj = jnp.ones_like(Z).at[bidx, best_n, gj, gi].set(0.0)
    a_idx = jnp.arange(NUM_ANCHORS)
    cand = jnp.where(ious.T > IGNORE_THRES, 0.0, 1.0)  # [nT, nA]
    noobj = noobj.at[bidx[:, None], a_idx[None, :], gj[:, None], gi[:, None]].min(cand)
    tx = Z.at[bidx, best_n, gj, gi].set(gxy[:, 0] - jnp.floor(gxy[:, 0]))
    ty = Z.at[bidx, best_n, gj, gi].set(gxy[:, 1] - jnp.floor(gxy[:, 1]))
    tw = Z.at[bidx, best_n, gj, gi].set(jnp.log(gwh[:, 0] / sa[best_n, 0] + 1e-16))
    th = Z.at[bidx, best_n, gj, gi].set(jnp.log(gwh[:, 1] / sa[best_n, 1] + 1e-16))
    tcls = jnp.zeros((B, NUM_ANCHORS, G, G, NUM_CLASSES), dtype=jnp.float32).at[bidx, best_n, gj, gi, labels].set(1.0)
    tconf = obj
    # iou_scores (metrics; detached boxes)
    pbs = pb[bidx, best_n, gj, gi]
    b1x1 = pbs[:, 0] - pbs[:, 2] / 2
    b1x2 = pbs[:, 0] + pbs[:, 2] / 2
    b1y1 = pbs[:, 1] - pbs[:, 3] / 2
    b1y2 = pbs[:, 1] + pbs[:, 3] / 2
    b2x1 = tb[:, 0] - tb[:, 2] / 2
    b2x2 = tb[:, 0] + tb[:, 2] / 2
    b2y1 = tb[:, 1] - tb[:, 3] / 2
    b2y2 = tb[:, 1] + tb[:, 3] / 2
    iw = jnp.clip(jnp.minimum(b1x2, b2x2) - jnp.maximum(b1x1, b2x1), 0.0)
    ih = jnp.clip(jnp.minimum(b1y2, b2y2) - jnp.maximum(b1y1, b2y1), 0.0)
    inter_a = iw * ih
    iou_t = inter_a / ((b1x2 - b1x1) * (b1y2 - b1y1) + (b2x2 - b2x1) * (b2y2 - b2y1) - inter_a + 1e-16)
    iou_scores = Z.at[bidx, best_n, gj, gi].set(iou_t)
    # masked losses (MSE/BCE with reduction='sum' over masked elements)
    loss_x = jnp.sum(((px - tx) ** 2) * obj)
    loss_y = jnp.sum(((py - ty) ** 2) * obj)
    loss_w = jnp.sum(((pw - tw) ** 2) * obj)
    loss_h = jnp.sum(((ph - th) ** 2) * obj)
    loss_conf = OBJ_SCALE * jnp.sum(_bce(pred_conf, tconf) * obj) + NOOBJ_SCALE * jnp.sum(_bce(pred_conf, tconf) * noobj)
    loss_cls = jnp.sum(_bce(pred_cls, tcls) * obj[..., None])
    total_loss = loss_x + loss_y + loss_w + loss_h + loss_conf + loss_cls
    output = jnp.concatenate([pb.reshape(B, -1, 4) * stride, pred_conf.reshape(B, -1, 1), pred_cls.reshape(B, -1, NUM_CLASSES)], axis=-1)
    return output, total_loss, iou_scores


def reference(x, target):
    output, total_loss, _ = _forward(x, target)
    return output, total_loss

if __name__ == "__main__":
    import jax
    _d = setup_inputs()
    print(jax.jit(kernel)(*tuple(_d.values())))

</pallas_src>

<mosaic_0001>
module attributes {stable_mosaic.version = 14 : i64} {
  func.func @_body_g(%arg0: i32, %arg1: memref<64xi32, #tpu.memory_space<smem>>, %arg2: memref<64xi32, #tpu.memory_space<smem>>, %arg3: memref<64xi32, #tpu.memory_space<smem>>, %arg4: memref<1x1x16x765xf32, #tpu.memory_space<vmem>>, %arg5: memref<1x1x765xf32, #tpu.memory_space<vmem>>) attributes {dimension_semantics = [#tpu.dimension_semantics<arbitrary>], iteration_bounds = array<i64: 64>, scalar_prefetch = 3 : i64, scratch_operands = 0 : i64, tpu.core_type = #tpu.core_type<tc>, window_params = [{transform_indices = @transform_0, window_bounds = array<i64: 1, 1, 16, 765>}, {transform_indices = @transform_1, window_bounds = array<i64: 1, 1, 765>}]} {
    %get3A = arith.constant 0 : index
    %get3A_0 = arith.constant 0 : index
    %get3A_1 = arith.constant 0 : index
    %get3A_2 = arith.constant 0 : index
    %get3A_3 = vector.load %arg4[%get3A, %get3A_0, %get3A_1, %get3A_2] : memref<1x1x16x765xf32, #tpu.memory_space<vmem>>, vector<1x1x16x765xf32>
    %get3A_4 = vector.shape_cast %get3A_3 : vector<1x1x16x765xf32> to vector<16x765xf32>
    %get3A_5 = arith.index_cast %arg0 : i32 to index
    %get3A_6 = memref.load %arg3[%get3A_5] : memref<64xi32, #tpu.memory_space<smem>>
    %iota3A = tpu.iota {dimensions = array<i32: 0>} : vector<16x765xi32>
    %eq3A = vector.broadcast %get3A_6 : i32 to vector<16x765xi32>
    %eq3A_7 = arith.cmpi eq, %iota3A, %eq3A : vector<16x765xi32>
    %convert_element_type3A = arith.extui %eq3A_7 : vector<16x765xi1> to vector<16x765xi32>
    %convert_element_type3A_8 = arith.sitofp %convert_element_type3A : vector<16x765xi32> to vector<16x765xf32>
    %mul3A = arith.mulf %get3A_4, %convert_element_type3A_8 : vector<16x765xf32>
    %reduce_sum3A = arith.constant dense<0.000000e+00> : vector<765xf32>
    %reduce_sum3A_9 = vector.multi_reduction <add>, %mul3A, %reduce_sum3A [0] : vector<16x765xf32> to vector<765xf32>
    %broadcast_in_dim3A = vector.shape_cast %reduce_sum3A_9 : vector<765xf32> to vector<1x765xf32>
    %reshape3A = vector.shape_cast %broadcast_in_dim3A : vector<1x765xf32> to vector<1x1x765xf32>
    %swap3A = arith.constant 0 : index
    %swap3A_10 = arith.constant 0 : index
    %swap3A_11 = arith.constant 0 : index
    %swap3A_12 = vector.load %arg5[%swap3A, %swap3A_10, %swap3A_11] : memref<1x1x765xf32, #tpu.memory_space<vmem>>, vector<1x1x765xf32>
    tpu.vector_store %arg5[%swap3A, %swap3A_10, %swap3A_11], %reshape3A {strides = array<i32>} : memref<1x1x765xf32, #tpu.memory_space<vmem>>, vector<1x1x765xf32>,
    return
  }
  func.func @transform_0(%arg0: i32, %arg1: memref<64xi32, #tpu.memory_space<smem>>, %arg2: memref<64xi32, #tpu.memory_space<smem>>, %arg3: memref<64xi32, #tpu.memory_space<smem>>) -> (i32, i32, i32, i32) {
    %get3A = arith.index_cast %arg0 : i32 to index
    %get3A_0 = memref.load %arg1[%get3A] : memref<64xi32, #tpu.memory_space<smem>>
    %get3A_1 = arith.index_cast %arg0 : i32 to index
    %get3A_2 = memref.load %arg2[%get3A_1] : memref<64xi32, #tpu.memory_space<smem>>
    %c0_i32 = arith.constant 0 : i32
    %c0_i32_3 = arith.constant 0 : i32
    %c0_i32_4 = arith.constant 0 : i32
    return %get3A_0, %get3A_2, %c0_i32, %c0_i32_3 : i32, i32, i32, i32
  }
  func.func @transform_1(%arg0: i32, %arg1: memref<64xi32, #tpu.memory_space<smem>>, %arg2: memref<64xi32, #tpu.memory_space<smem>>, %arg3: memref<64xi32, #tpu.memory_space<smem>>) -> (i32, i32, i32) {
    %c0_i32 = arith.constant 0 : i32
    %c0_i32_0 = arith.constant 0 : i32
    %c0_i32_1 = arith.constant 0 : i32
    return %arg0, %c0_i32, %c0_i32_0 : i32, i32, i32
  }
}

module attributes {stable_mosaic.version = 14 : i64} {
  func.func @_body_b(%arg0: memref<64x1x765xf32, #tpu.memory_space<vmem>>, %arg1: memref<64x6xf32, #tpu.memory_space<vmem>>, %arg2: memref<6x64xf32, #tpu.memory_space<vmem>>, %arg3: memref<1x1xf32, #tpu.memory_space<smem>>) attributes {dimension_semantics = [], scalar_prefetch = 0 : i64, scratch_operands = 0 : i64, tpu.core_type = #tpu.core_type<tc>} {
    %get3A = arith.constant 0 : index
    %get3A_0 = arith.constant 0 : index
    %get3A_1 = vector.load %arg2[%get3A, %get3A_0] : memref<6x64xf32, #tpu.memory_space<vmem>>, vector<1x64xf32>
    %get3A_2 = arith.constant 1 : index
    %get3A_3 = arith.constant 0 : index
    %get3A_4 = vector.load %arg2[%get3A_2, %get3A_3] : memref<6x64xf32, #tpu.memory_space<vmem>>, vector<1x64xf32>
    %get3A_5 = arith.constant 2 : index
    %get3A_6 = arith.constant 0 : index
    %get3A_7 = vector.load %arg2[%get3A_5, %get3A_6] : memref<6x64xf32, #tpu.memory_space<vmem>>, vector<1x64xf32>
    %mul3A = arith.constant 5.200000e+01 : f32
    %mul3A_8 = vector.broadcast %mul3A : f32 to vector<1x64xf32>
    %mul3A_9 = arith.mulf %get3A_7, %mul3A_8 : vector<1x64xf32>
    %get3A_10 = arith.constant 3 : index
    %get3A_11 = arith.constant 0 : index
    %get3A_12 = vector.load %arg2[%get3A_10, %get3A_11] : memref<6x64xf32, #tpu.memory_space<vmem>>, vector<1x64xf32>
    %mul3A_13 = arith.constant 5.200000e+01 : f32
    %mul3A_14 = vector.broadcast %mul3A_13 : f32 to vector<1x64xf32>
    %mul3A_15 = arith.mulf %get3A_12, %mul3A_14 : vector<1x64xf32>
    %get3A_16 = arith.constant 4 : index
    %get3A_17 = arith.constant 0 : index
    %get3A_18 = vector.load %arg2[%get3A_16, %get3A_17] : memref<6x64xf32, #tpu.memory_space<vmem>>, vector<1x64xf32>
    %mul3A_19 = arith.constant 5.200000e+01 : f32
    %mul3A_20 = vector.broadcast %mul3A_19 : f32 to vector<1x64xf32>
    %mul3A_21 = arith.mulf %get3A_18, %mul3A_20 : vector<1x64xf32>
    %get3A_22 = arith.constant 5 : index
    %get3A_23 = arith.constant 0 : index
    %get3A_24 = vector.load %arg2[%get3A_22, %get3A_23] : memref<6x64xf32, #tpu.memory_space<vmem>>, vector<1x64xf32>
    %mul3A_25 = arith.constant 5.200000e+01 : f32
    %mul3A_26 = vector.broadcast %mul3A_25 : f32 to vector<1x64xf32>
    %mul3A_27 = arith.mulf %get3A_24, %mul3A_26 : vector<1x64xf32>
    %floor3A = math.floor %mul3A_9 : vector<1x64xf32>
    %jit3A = arith.constant 0.000000e+00 : f32
    %jit3A_28 = arith.constant 5.100000e+01 : f32
    %max3A = vector.broadcast %jit3A : f32 to vector<1x64xf32>
    %max3A_29 = arith.maximumf %max3A, %floor3A : vector<1x64xf32>
    %min3A = vector.broadcast %jit3A_28 : f32 to vector<1x64xf32>
    %min3A_30 = arith.minimumf %min3A, %max3A_29 : vector<1x64xf32>
    %floor3A_31 = math.floor %mul3A_15 : vector<1x64xf32>
    %jit3A_32 = arith.constant 0.000000e+00 : f32
    %jit3A_33 = arith.constant 5.100000e+01 : f32
    %max3A_34 = vector.broadcast %jit3A_32 : f32 to vector<1x64xf32>
    %max3A_35 = arith.maximumf %max3A_34, %floor3A_31 : vector<1x64xf32>
    %min3A_36 = vector.broadcast %jit3A_33 : f32 to vector<1x64xf32>
    %min3A_37 = arith.minimumf %min3A_36, %max3A_35 : vector<1x64xf32>
    %mul3A_38 = arith.constant 5.200000e+01 : f32
    %mul3A_39 = vector.broadcast %mul3A_38 : f32 to vector<1x64xf32>
    %mul3A_40 = arith.mulf %min3A_37, %mul3A_39 : vector<1x64xf32>
    %add3A = arith.addf %mul3A_40, %min3A_30 : vector<1x64xf32>
    %get3A_41 = arith.constant 0 : index
    %get3A_42 = arith.constant 0 : index
    %get3A_43 = vector.load %arg1[%get3A_41, %get3A_42] : memref<64x6xf32, #tpu.memory_space<vmem>>, vector<64x1xf32>
    %get3A_44 = arith.constant 0 : index
    %get3A_45 = arith.constant 1 : index
    %get3A_46 = vector.load %arg1[%get3A_44, %get3A_45] : memref<64x6xf32, #tpu.memory_space<vmem>>, vector<64x1xf32>
    %get3A_47 = arith.constant 0 : index
    %get3A_48 = arith.constant 2 : index
    %get3A_49 = vector.load %arg1[%get3A_47, %get3A_48] : memref<64x6xf32, #tpu.memory_space<vmem>>, vector<64x1xf32>
    %mul3A_50 = arith.constant 5.200000e+01 : f32
    %mul3A_51 = vector.broadcast %mul3A_50 : f32 to vector<64x1xf32>
    %mul3A_52 = arith.mulf %get3A_49, %mul3A_51 : vector<64x1xf32>
    %get3A_53 = arith.constant 0 : index
    %get3A_54 = arith.constant 3 : index
    %get3A_55 = vector.load %arg1[%get3A_53, %get3A_54] : memref<64x6xf32, #tpu.memory_space<vmem>>, vector<64x1xf32>
    %mul3A_56 = arith.constant 5.200000e+01 : f32
    %mul3A_57 = vector.broadcast %mul3A_56 : f32 to vector<64x1xf32>
    %mul3A_58 = arith.mulf %get3A_55, %mul3A_57 : vector<64x1xf32>
    %get3A_59 = arith.constant 0 : index
    %get3A_60 = arith.constant 4 : index
    %get3A_61 = vector.load %arg1[%get3A_59, %get3A_60] : memref<64x6xf32, #tpu.memory_space<vmem>>, vector<64x1xf32>
    %mul3A_62 = arith.constant 5.200000e+01 : f32
    %mul3A_63 = vector.broadcast %mul3A_62 : f32 to vector<64x1xf32>
    %mul3A_64 = arith.mulf %get3A_61, %mul3A_63 : vector<64x1xf32>
    %get3A_65 = arith.constant 0 : index
    %get3A_66 = arith.constant 5 : index
    %get3A_67 = vector.load %arg1[%get3A_65, %get3A_66] : memref<64x6xf32, #tpu.memory_space<vmem>>, vector<64x1xf32>
    %mul3A_68 = arith.constant 5.200000e+01 : f32
    %mul3A_69 = vector.broadcast %mul3A_68 : f32 to vector<64x1xf32>
    %mul3A_70 = arith.mulf %get3A_67, %mul3A_69 : vector<64x1xf32>
    %floor3A_71 = math.floor %mul3A_52 : vector<64x1xf32>
    %jit3A_72 = arith.constant 0.000000e+00 : f32
    %jit3A_73 = arith.constant 5.100000e+01 : f32
    %max3A_74 = vector.broadcast %jit3A_72 : f32 to vector<64x1xf32>
    %max3A_75 = arith.maximumf %max3A_74, %floor3A_71 : vector<64x1xf32>
    %min3A_76 = vector.broadcast %jit3A_73 : f32 to vector<64x1xf32>
    %min3A_77 = arith.minimumf %min3A_76, %max3A_75 : vector<64x1xf32>
    %floor3A_78 = math.floor %mul3A_58 : vector<64x1xf32>
    %jit3A_79 = arith.constant 0.000000e+00 : f32
    %jit3A_80 = arith.constant 5.100000e+01 : f32
    %max3A_81 = vector.broadcast %jit3A_79 : f32 to vector<64x1xf32>
    %max3A_82 = arith.maximumf %max3A_81, %floor3A_78 : vector<64x1xf32>
    %min3A_83 = vector.broadcast %jit3A_80 : f32 to vector<64x1xf32>
    %min3A_84 = arith.minimumf %min3A_83, %max3A_82 : vector<64x1xf32>
    %mul3A_85 = arith.constant 5.200000e+01 : f32
    %mul3A_86 = vector.broadcast %mul3A_85 : f32 to vector<64x1xf32>
    %mul3A_87 = arith.mulf %min3A_84, %mul3A_86 : vector<64x1xf32>
    %add3A_88 = arith.addf %mul3A_87, %min3A_77 : vector<64x1xf32>
    %iota3A = tpu.iota {dimensions = array<i32: 0>} : vector<9x1xi32>
    %broadcast_in_dim3A = arith.constant 0.000000e+00 : f32
    %broadcast_in_dim3A_89 = vector.broadcast %broadcast_in_dim3A : f32 to vector<9x1xf32>
    %broadcast_in_dim3A_90 = arith.constant 0.000000e+00 : f32
    %broadcast_in_dim3A_91 = vector.broadcast %broadcast_in_dim3A_90 : f32 to vector<9x1xf32>
    %eq3A = arith.constant 0 : i32
    %eq3A_92 = vector.broadcast %eq3A : i32 to vector<9x1xi32>
    %eq3A_93 = arith.cmpi eq, %iota3A, %eq3A_92 : vector<9x1xi32>
    %jit3A_94 = arith.constant 1.250000e+00 : f32
    %broadcast_in_dim3A_95 = vector.broadcast %jit3A_94 : f32 to vector<9x1xf32>
    %select_n3A = arith.select %eq3A_93, %broadcast_in_dim3A_95, %broadcast_in_dim3A_89 : vector<9x1xi1>, vector<9x1xf32>
    %eq3A_96 = arith.constant 0 : i32
    %eq3A_97 = vector.broadcast %eq3A_96 : i32 to vector<9x1xi32>
    %eq3A_98 = arith.cmpi eq, %iota3A, %eq3A_97 : vector<9x1xi32>
    %jit3A_99 = arith.constant 1.625000e+00 : f32
    %broadcast_in_dim3A_100 = vector.broadcast %jit3A_99 : f32 to vector<9x1xf32>
    %select_n3A_101 = arith.select %eq3A_98, %broadcast_in_dim3A_100, %broadcast_in_dim3A_91 : vector<9x1xi1>, vector<9x1xf32>
    %eq3A_102 = arith.constant 1 : i32
    %eq3A_103 = vector.broadcast %eq3A_102 : i32 to vector<9x1xi32>
    %eq3A_104 = arith.cmpi eq, %iota3A, %eq3A_103 : vector<9x1xi32>
    %jit3A_105 = arith.constant 2.000000e+00 : f32
    %broadcast_in_dim3A_106 = vector.broadcast %jit3A_105 : f32 to vector<9x1xf32>
    %select_n3A_107 = arith.select %eq3A_104, %broadcast_in_dim3A_106, %select_n3A : vector<9x1xi1>, vector<9x1xf32>
    %eq3A_108 = arith.constant 1 : i32
    %eq3A_109 = vector.broadcast %eq3A_108 : i32 to vector<9x1xi32>
    %eq3A_110 = arith.cmpi eq, %iota3A, %eq3A_109 : vector<9x1xi32>
    %jit3A_111 = arith.constant 3.750000e+00 : f32
    %broadcast_in_dim3A_112 = vector.broadcast %jit3A_111 : f32 to vector<9x1xf32>
    %select_n3A_113 = arith.select %eq3A_110, %broadcast_in_dim3A_112, %select_n3A_101 : vector<9x1xi1>, vector<9x1xf32>
    %eq3A_114 = arith.constant 2 : i32
    %eq3A_115 = vector.broadcast %eq3A_114 : i32 to vector<9x1xi32>
    %eq3A_116 = arith.cmpi eq, %iota3A, %eq3A_115 : vector<9x1xi32>
    %jit3A_117 = arith.constant 4.125000e+00 : f32
    %broadcast_in_dim3A_118 = vector.broadcast %jit3A_117 : f32 to vector<9x1xf32>
    %select_n3A_119 = arith.select %eq3A_116, %broadcast_in_dim3A_118, %select_n3A_107 : vector<9x1xi1>, vector<9x1xf32>
    %eq3A_120 = arith.constant 2 : i32
    %eq3A_121 = vector.broadcast %eq3A_120 : i32 to vector<9x1xi32>
    %eq3A_122 = arith.cmpi eq, %iota3A, %eq3A_121 : vector<9x1xi32>
    %jit3A_123 = arith.constant 2.875000e+00 : f32
    %broadcast_in_dim3A_124 = vector.broadcast %jit3A_123 : f32 to vector<9x1xf32>
    %select_n3A_125 = arith.select %eq3A_122, %broadcast_in_dim3A_124, %select_n3A_113 : vector<9x1xi1>, vector<9x1xf32>
    %eq3A_126 = arith.constant 3 : i32
    %eq3A_127 = vector.broadcast %eq3A_126 : i32 to vector<9x1xi32>
    %eq3A_128 = arith.cmpi eq, %iota3A, %eq3A_127 : vector<9x1xi32>
    %jit3A_129 = arith.constant 3.750000e+00 : f32
    %broadcast_in_dim3A_130 = vector.broadcast %jit3A_129 : f32 to vector<9x1xf32>
    %select_n3A_131 = arith.select %eq3A_128, %broadcast_in_dim3A_130, %select_n3A_119 : vector<9x1xi1>, vector<9x1xf32>
    %eq3A_132 = arith.constant 3 : i32
    %eq3A_133 = vector.broadcast %eq3A_132 : i32 to vector<9x1xi32>
    %eq3A_134 = arith.cmpi eq, %iota3A, %eq3A_133 : vector<9x1xi32>
    %jit3A_135 = arith.constant 7.625000e+00 : f32
    %broadcast_in_dim3A_136 = vector.broadcast %jit3A_135 : f32 to vector<9x1xf32>
    %select_n3A_137 = arith.select %eq3A_134, %broadcast_in_dim3A_136, %select_n3A_125 : vector<9x1xi1>, vector<9x1xf32>
    %eq3A_138 = arith.constant 4 : i32
    %eq3A_139 = vector.broadcast %eq3A_138 : i32 to vector<9x1xi32>
    %eq3A_140 = arith.cmpi eq, %iota3A, %eq3A_139 : vector<9x1xi32>
    %jit3A_141 = arith.constant 7.750000e+00 : f32
    %broadcast_in_dim3A_142 = vector.broadcast %jit3A_141 : f32 to vector<9x1xf32>
    %select_n3A_143 = arith.select %eq3A_140, %broadcast_in_dim3A_142, %select_n3A_131 : vector<9x1xi1>, vector<9x1xf32>
    %eq3A_144 = arith.constant 4 : i32
    %eq3A_145 = vector.broadcast %eq3A_144 : i32 to vector<9x1xi32>
    %eq3A_146 = arith.cmpi eq, %iota3A, %eq3A_145 : vector<9x1xi32>
    %jit3A_147 = arith.constant 5.625000e+00 : f32
    %broadcast_in_dim3A_148 = vector.broadcast %jit3A_147 : f32 to vector<9x1xf32>
    %select_n3A_149 = arith.select %eq3A_146, %broadcast_in_dim3A_148, %select_n3A_137 : vector<9x1xi1>, vector<9x1xf32>
    %eq3A_150 = arith.constant 5 : i32
    %eq3A_151 = vector.broadcast %eq3A_150 : i32 to vector<9x1xi32>
    %eq3A_152 = arith.cmpi eq, %iota3A, %eq3A_151 : vector<9x1xi32>
    %jit3A_153 = arith.constant 7.375000e+00 : f32
    %broadcast_in_dim3A_154 = vector.broadcast %jit3A_153 : f32 to vector<9x1xf32>
    %select_n3A_155 = arith.select %eq3A_152, %broadcast_in_dim3A_154, %select_n3A_143 : vector<9x1xi1>, vector<9x1xf32>
    %eq3A_156 = arith.constant 5 : i32
    %eq3A_157 = vector.broadcast %eq3A_156 : i32 to vector<9x1xi32>
    %eq3A_158 = arith.cmpi eq, %iota3A, %eq3A_157 : vector<9x1xi32>
    %jit3A_159 = arith.constant 1.487500e+01 : f32
    %broadcast_in_dim3A_160 = vector.broadcast %jit3A_159 : f32 to vector<9x1xf32>
    %select_n3A_161 = arith.select %eq3A_158, %broadcast_in_dim3A_160, %select_n3A_149 : vector<9x1xi1>, vector<9x1xf32>
    %eq3A_162 = arith.constant 6 : i32
    %eq3A_163 = vector.broadcast %eq3A_162 : i32 to vector<9x1xi32>
    %eq3A_164 = arith.cmpi eq, %iota3A, %eq3A_163 : vector<9x1xi32>
    %jit3A_165 = arith.constant 1.450000e+01 : f32
    %broadcast_in_dim3A_166 = vector.broadcast %jit3A_165 : f32 to vector<9x1xf32>
    %select_n3A_167 = arith.select %eq3A_164, %broadcast_in_dim3A_166, %select_n3A_155 : vector<9x1xi1>, vector<9x1xf32>
    %eq3A_168 = arith.constant 6 : i32
    %eq3A_169 = vector.broadcast %eq3A_168 : i32 to vector<9x1xi32>
    %eq3A_170 = arith.cmpi eq, %iota3A, %eq3A_169 : vector<9x1xi32>
    %jit3A_171 = arith.constant 1.125000e+01 : f32
    %broadcast_in_dim3A_172 = vector.broadcast %jit3A_171 : f32 to vector<9x1xf32>
    %select_n3A_173 = arith.select %eq3A_170, %broadcast_in_dim3A_172, %select_n3A_161 : vector<9x1xi1>, vector<9x1xf32>
    %eq3A_174 = arith.constant 7 : i32
    %eq3A_175 = vector.broadcast %eq3A_174 : i32 to vector<9x1xi32>
    %eq3A_176 = arith.cmpi eq, %iota3A, %eq3A_175 : vector<9x1xi32>
    %jit3A_177 = arith.constant 1.950000e+01 : f32
    %broadcast_in_dim3A_178 = vector.broadcast %jit3A_177 : f32 to vector<9x1xf32>
    %select_n3A_179 = arith.select %eq3A_176, %broadcast_in_dim3A_178, %select_n3A_167 : vector<9x1xi1>, vector<9x1xf32>
    %eq3A_180 = arith.constant 7 : i32
    %eq3A_181 = vector.broadcast %eq3A_180 : i32 to vector<9x1xi32>
    %eq3A_182 = arith.cmpi eq, %iota3A, %eq3A_181 : vector<9x1xi32>
    %jit3A_183 = arith.constant 2.475000e+01 : f32
    %broadcast_in_dim3A_184 = vector.broadcast %jit3A_183 : f32 to vector<9x1xf32>
    %select_n3A_185 = arith.select %eq3A_182, %broadcast_in_dim3A_184, %select_n3A_173 : vector<9x1xi1>, vector<9x1xf32>
    %eq3A_186 = arith.constant 8 : i32
    %eq3A_187 = vector.broadcast %eq3A_186 : i32 to vector<9x1xi32>
    %eq3A_188 = arith.cmpi eq, %iota3A, %eq3A_187 : vector<9x1xi32>
    %jit3A_189 = arith.constant 4.662500e+01 : f32
    %broadcast_in_dim3A_190 = vector.broadcast %jit3A_189 : f32 to vector<9x1xf32>
    %select_n3A_191 = arith.select %eq3A_188, %broadcast_in_dim3A_190, %select_n3A_179 : vector<9x1xi1>, vector<9x1xf32>
    %eq3A_192 = arith.constant 8 : i32
    %eq3A_193 = vector.broadcast %eq3A_192 : i32 to vector<9x1xi32>
    %eq3A_194 = arith.cmpi eq, %iota3A, %eq3A_193 : vector<9x1xi32>
    %jit3A_195 = arith.constant 4.075000e+01 : f32
    %broadcast_in_dim3A_196 = vector.broadcast %jit3A_195 : f32 to vector<9x1xf32>
    %select_n3A_197 = arith.select %eq3A_194, %broadcast_in_dim3A_196, %select_n3A_185 : vector<9x1xi1>, vector<9x1xf32>
    %min3A_198 = vector.broadcast %select_n3A_191 : vector<9x1xf32> to vector<9x64xf32>
    %min3A_199 = vector.broadcast %mul3A_21 : vector<1x64xf32> to vector<9x64xf32>
    %min3A_200 = arith.minimumf %min3A_198, %min3A_199 : vector<9x64xf32>
    %min3A_201 = vector.broadcast %select_n3A_197 : vector<9x1xf32> to vector<9x64xf32>
    %min3A_202 = vector.broadcast %mul3A_27 : vector<1x64xf32> to vector<9x64xf32>
    %min3A_203 = arith.minimumf %min3A_201, %min3A_202 : vector<9x64xf32>
    %mul3A_204 = arith.mulf %min3A_200, %min3A_203 : vector<9x64xf32>
    %mul3A_205 = arith.mulf %select_n3A_191, %select_n3A_197 : vector<9x1xf32>
    %mul3A_206 = arith.mulf %mul3A_21, %mul3A_27 : vector<1x64xf32>
    %add3A_207 = vector.broadcast %mul3A_205 : vector<9x1xf32> to vector<9x64xf32>
    %add3A_208 = vector.broadcast %mul3A_206 : vector<1x64xf32> to vector<9x64xf32>
    %add3A_209 = arith.addf %add3A_207, %add3A_208 : vector<9x64xf32>
    %sub3A = arith.subf %add3A_209, %mul3A_204 : vector<9x64xf32>
    %add3A_210 = arith.constant 1.000000e-16 : f32
    %add3A_211 = vector.broadcast %add3A_210 : f32 to vector<9x64xf32>
    %add3A_212 = arith.addf %sub3A, %add3A_211 : vector<9x64xf32>
    %div3A = arith.divf %mul3A_204, %add3A_212 : vector<9x64xf32>
    %broadcast_in_dim3A_213 = arith.constant 0.000000e+00 : f32
    %broadcast_in_dim3A_214 = vector.broadcast %broadcast_in_dim3A_213 : f32 to vector<1x64xf32>
    %slice3A = vector.extract_strided_slice %div3A {offsets = [0, 0], sizes = [1, 64], strides = [1, 1]} : vector<9x64xf32> to vector<1x64xf32>
    %slice3A_215 = vector.extract_strided_slice %div3A {offsets = [1, 0], sizes = [1, 64], strides = [1, 1]} : vector<9x64xf32> to vector<1x64xf32>
    %gt3A = arith.cmpf ogt, %slice3A_215, %slice3A : vector<1x64xf32>
    %jit3A_216 = arith.constant 1.000000e+00 : f32
    %broadcast_in_dim3A_217 = vector.broadcast %jit3A_216 : f32 to vector<1x64xf32>
    %select_n3A_218 = arith.select %gt3A, %broadcast_in_dim3A_217, %broadcast_in_dim3A_214 : vector<1x64xi1>, vector<1x64xf32>
    %slice3A_219 = vector.extract_strided_slice %div3A {offsets = [1, 0], sizes = [1, 64], strides = [1, 1]} : vector<9x64xf32> to vector<1x64xf32>
    %max3A_220 = arith.maximumf %slice3A, %slice3A_219 : vector<1x64xf32>
    %slice3A_221 = vector.extract_strided_slice %div3A {offsets = [2, 0], sizes = [1, 64], strides = [1, 1]} : vector<9x64xf32> to vector<1x64xf32>
    %gt3A_222 = arith.cmpf ogt, %slice3A_221, %max3A_220 : vector<1x64xf32>
    %jit3A_223 = arith.constant 2.000000e+00 : f32
    %broadcast_in_dim3A_224 = vector.broadcast %jit3A_223 : f32 to vector<1x64xf32>
    %select_n3A_225 = arith.select %gt3A_222, %broadcast_in_dim3A_224, %select_n3A_218 : vector<1x64xi1>, vector<1x64xf32>
    %slice3A_226 = vector.extract_strided_slice %div3A {offsets = [2, 0], sizes = [1, 64], strides = [1, 1]} : vector<9x64xf32> to vector<1x64xf32>
    %max3A_227 = arith.maximumf %max3A_220, %slice3A_226 : vector<1x64xf32>
    %slice3A_228 = vector.extract_strided_slice %div3A {offsets = [3, 0], sizes = [1, 64], strides = [1, 1]} : vector<9x64xf32> to vector<1x64xf32>
    %gt3A_229 = arith.cmpf ogt, %slice3A_228, %max3A_227 : vector<1x64xf32>
    %jit3A_230 = arith.constant 3.000000e+00 : f32
    %broadcast_in_dim3A_231 = vector.broadcast %jit3A_230 : f32 to vector<1x64xf32>
    %select_n3A_232 = arith.select %gt3A_229, %broadcast_in_dim3A_231, %select_n3A_225 : vector<1x64xi1>, vector<1x64xf32>
    %slice3A_233 = vector.extract_strided_slice %div3A {offsets = [3, 0], sizes = [1, 64], strides = [1, 1]} : vector<9x64xf32> to vector<1x64xf32>
    %max3A_234 = arith.maximumf %max3A_227, %slice3A_233 : vector<1x64xf32>
    %slice3A_235 = vector.extract_strided_slice %div3A {offsets = [4, 0], sizes = [1, 64], strides = [1, 1]} : vector<9x64xf32> to vector<1x64xf32>
    %gt3A_236 = arith.cmpf ogt, %slice3A_235, %max3A_234 : vector<1x64xf32>
    %jit3A_237 = arith.constant 4.000000e+00 : f32
    %broadcast_in_dim3A_238 = vector.broadcast %jit3A_237 : f32 to vector<1x64xf32>
    %select_n3A_239 = arith.select %gt3A_236, %broadcast_in_dim3A_238, %select_n3A_232 : vector<1x64xi1>, vector<1x64xf32>
    %slice3A_240 = vector.extract_strided_slice %div3A {offsets = [4, 0], sizes = [1, 64], strides = [1, 1]} : vector<9x64xf32> to vector<1x64xf32>
    %max3A_241 = arith.maximumf %max3A_234, %slice3A_240 : vector<1x64xf32>
    %slice3A_242 = vector.extract_strided_slice %div3A {offsets = [5, 0], sizes = [1, 64], strides = [1, 1]} : vector<9x64xf32> to vector<1x64xf32>
    %gt3A_243 = arith.cmpf ogt, %slice3A_242, %max3A_241 : vector<1x64xf32>
    %jit3A_244 = arith.constant 5.000000e+00 : f32
    %broadcast_in_dim3A_245 = vector.broadcast %jit3A_244 : f32 to vector<1x64xf32>
    %select_n3A_246 = arith.select %gt3A_243, %broadcast_in_dim3A_245, %select_n3A_239 : vector<1x64xi1>, vector<1x64xf32>
    %slice3A_247 = vector.extract_strided_slice %div3A {offsets = [5, 0], sizes = [1, 64], strides = [1, 1]} : vector<9x64xf32> to vector<1x64xf32>
    %max3A_248 = arith.maximumf %max3A_241, %slice3A_247 : vector<1x64xf32>
    %slice3A_249 = vector.extract_strided_slice %div3A {offsets = [6, 0], sizes = [1, 64], strides = [1, 1]} : vector<9x64xf32> to vector<1x64xf32>
    %gt3A_250 = arith.cmpf ogt, %slice3A_249, %max3A_248 : vector<1x64xf32>
    %jit3A_251 = arith.constant 6.000000e+00 : f32
    %broadcast_in_dim3A_252 = vector.broadcast %jit3A_251 : f32 to vector<1x64xf32>
    %select_n3A_253 = arith.select %gt3A_250, %broadcast_in_dim3A_252, %select_n3A_246 : vector<1x64xi1>, vector<1x64xf32>
    %slice3A_254 = vector.extract_strided_slice %div3A {offsets = [6, 0], sizes = [1, 64], strides = [1, 1]} : vector<9x64xf32> to vector<1x64xf32>
    %max3A_255 = arith.maximumf %max3A_248, %slice3A_254 : vector<1x64xf32>
    %slice3A_256 = vector.extract_strided_slice %div3A {offsets = [7, 0], sizes = [1, 64], strides = [1, 1]} : vector<9x64xf32> to vector<1x64xf32>
    %gt3A_257 = arith.cmpf ogt, %slice3A_256, %max3A_255 : vector<1x64xf32>
    %jit3A_258 = arith.constant 7.000000e+00 : f32
    %broadcast_in_dim3A_259 = vector.broadcast %jit3A_258 : f32 to vector<1x64xf32>
    %select_n3A_260 = arith.select %gt3A_257, %broadcast_in_dim3A_259, %select_n3A_253 : vector<1x64xi1>, vector<1x64xf32>
    %slice3A_261 = vector.extract_strided_slice %div3A {offsets = [7, 0], sizes = [1, 64], strides = [1, 1]} : vector<9x64xf32> to vector<1x64xf32>
    %max3A_262 = arith.maximumf %max3A_255, %slice3A_261 : vector<1x64xf32>
    %slice3A_263 = vector.extract_strided_slice %div3A {offsets = [8, 0], sizes = [1, 64], strides = [1, 1]} : vector<9x64xf32> to vector<1x64xf32>
    %gt3A_264 = arith.cmpf ogt, %slice3A_263, %max3A_262 : vector<1x64xf32>
    %jit3A_265 = arith.constant 8.000000e+00 : f32
    %broadcast_in_dim3A_266 = vector.broadcast %jit3A_265 : f32 to vector<1x64xf32>
    %select_n3A_267 = arith.select %gt3A_264, %broadcast_in_dim3A_266, %select_n3A_260 : vector<1x64xi1>, vector<1x64xf32>
    %broadcast_in_dim3A_268 = arith.constant 0.000000e+00 : f32
    %broadcast_in_dim3A_269 = vector.broadcast %broadcast_in_dim3A_268 : f32 to vector<1x9xf32>
    %broadcast_in_dim3A_270 = arith.constant 0.000000e+00 : f32
    %broadcast_in_dim3A_271 = vector.broadcast %broadcast_in_dim3A_270 : f32 to vector<1x9xf32>
    %iota3A_272 = tpu.iota {dimensions = array<i32: 1>} : vector<1x9xi32>
    %eq3A_273 = arith.constant 0 : i32
    %eq3A_274 = vector.broadcast %eq3A_273 : i32 to vector<1x9xi32>
    %eq3A_275 = arith.cmpi eq, %iota3A_272, %eq3A_274 : vector<1x9xi32>
    %jit3A_276 = arith.constant 1.250000e+00 : f32
    %broadcast_in_dim3A_277 = vector.broadcast %jit3A_276 : f32 to vector<1x9xf32>
    %select_n3A_278 = arith.select %eq3A_275, %broadcast_in_dim3A_277, %broadcast_in_dim3A_269 : vector<1x9xi1>, vector<1x9xf32>
    %eq3A_279 = arith.constant 0 : i32
    %eq3A_280 = vector.broadcast %eq3A_279 : i32 to vector<1x9xi32>
    %eq3A_281 = arith.cmpi eq, %iota3A_272, %eq3A_280 : vector<1x9xi32>
    %jit3A_282 = arith.constant 1.625000e+00 : f32
    %broadcast_in_dim3A_283 = vector.broadcast %jit3A_282 : f32 to vector<1x9xf32>
    %select_n3A_284 = arith.select %eq3A_281, %broadcast_in_dim3A_283, %broadcast_in_dim3A_271 : vector<1x9xi1>, vector<1x9xf32>
    %eq3A_285 = arith.constant 1 : i32
    %eq3A_286 = vector.broadcast %eq3A_285 : i32 to vector<1x9xi32>
    %eq3A_287 = arith.cmpi eq, %iota3A_272, %eq3A_286 : vector<1x9xi32>
    %jit3A_288 = arith.constant 2.000000e+00 : f32
    %broadcast_in_dim3A_289 = vector.broadcast %jit3A_288 : f32 to vector<1x9xf32>
    %select_n3A_290 = arith.select %eq3A_287, %broadcast_in_dim3A_289, %select_n3A_278 : vector<1x9xi1>, vector<1x9xf32>
    %eq3A_291 = arith.constant 1 : i32
    %eq3A_292 = vector.broadcast %eq3A_291 : i32 to vector<1x9xi32>
    %eq3A_293 = arith.cmpi eq, %iota3A_272, %eq3A_292 : vector<1x9xi32>
    %jit3A_294 = arith.constant 3.750000e+00 : f32
    %broadcast_in_dim3A_295 = vector.broadcast %jit3A_294 : f32 to vector<1x9xf32>
    %select_n3A_296 = arith.select %eq3A_293, %broadcast_in_dim3A_295, %select_n3A_284 : vector<1x9xi1>, vector<1x9xf32>
    %eq3A_297 = arith.constant 2 : i32
    %eq3A_298 = vector.broadcast %eq3A_297 : i32 to vector<1x9xi32>
    %eq3A_299 = arith.cmpi eq, %iota3A_272, %eq3A_298 : vector<1x9xi32>
    %jit3A_300 = arith.constant 4.125000e+00 : f32
    %broadcast_in_dim3A_301 = vector.broadcast %jit3A_300 : f32 to vector<1x9xf32>
    %select_n3A_302 = arith.select %eq3A_299, %broadcast_in_dim3A_301, %select_n3A_290 : vector<1x9xi1>, vector<1x9xf32>
    %eq3A_303 = arith.constant 2 : i32
    %eq3A_304 = vector.broadcast %eq3A_303 : i32 to vector<1x9xi32>
    %eq3A_305 = arith.cmpi eq, %iota3A_272, %eq3A_304 : vector<1x9xi32>
    %jit3A_306 = arith.constant 2.875000e+00 : f32
    %broadcast_in_dim3A_307 = vector.broadcast %jit3A_306 : f32 to vector<1x9xf32>
    %select_n3A_308 = arith.select %eq3A_305, %broadcast_in_dim3A_307, %select_n3A_296 : vector<1x9xi1>, vector<1x9xf32>
    %eq3A_309 = arith.constant 3 : i32
    %eq3A_310 = vector.broadcast %eq3A_309 : i32 to vector<1x9xi32>
    %eq3A_311 = arith.cmpi eq, %iota3A_272, %eq3A_310 : vector<1x9xi32>
    %jit3A_312 = arith.constant 3.750000e+00 : f32
    %broadcast_in_dim3A_313 = vector.broadcast %jit3A_312 : f32 to vector<1x9xf32>
    %select_n3A_314 = arith.select %eq3A_311, %broadcast_in_dim3A_313, %select_n3A_302 : vector<1x9xi1>, vector<1x9xf32>
    %eq3A_315 = arith.constant 3 : i32
    %eq3A_316 = vector.broadcast %eq3A_315 : i32 to vector<1x9xi32>
    %eq3A_317 = arith.cmpi eq, %iota3A_272, %eq3A_316 : vector<1x9xi32>
    %jit3A_318 = arith.constant 7.625000e+00 : f32
    %broadcast_in_dim3A_319 = vector.broadcast %jit3A_318 : f32 to vector<1x9xf32>
    %select_n3A_320 = arith.select %eq3A_317, %broadcast_in_dim3A_319, %select_n3A_308 : vector<1x9xi1>, vector<1x9xf32>
    %eq3A_321 = arith.constant 4 : i32
    %eq3A_322 = vector.broadcast %eq3A_321 : i32 to vector<1x9xi32>
    %eq3A_323 = arith.cmpi eq, %iota3A_272, %eq3A_322 : vector<1x9xi32>
    %jit3A_324 = arith.constant 7.750000e+00 : f32
    %broadcast_in_dim3A_325 = vector.broadcast %jit3A_324 : f32 to vector<1x9xf32>
    %select_n3A_326 = arith.select %eq3A_323, %broadcast_in_dim3A_325, %select_n3A_314 : vector<1x9xi1>, vector<1x9xf32>
    %eq3A_327 = arith.constant 4 : i32
    %eq3A_328 = vector.broadcast %eq3A_327 : i32 to vector<1x9xi32>
    %eq3A_329 = arith.cmpi eq, %iota3A_272, %eq3A_328 : vector<1x9xi32>
    %jit3A_330 = arith.constant 5.625000e+00 : f32
    %broadcast_in_dim3A_331 = vector.broadcast %jit3A_330 : f32 to vector<1x9xf32>
    %select_n3A_332 = arith.select %eq3A_329, %broadcast_in_dim3A_331, %select_n3A_320 : vector<1x9xi1>, vector<1x9xf32>
    %eq3A_333 = arith.constant 5 : i32
    %eq3A_334 = vector.broadcast %eq3A_333 : i32 to vector<1x9xi32>
    %eq3A_335 = arith.cmpi eq, %iota3A_272, %eq3A_334 : vector<1x9xi32>
    %jit3A_336 = arith.constant 7.375000e+00 : f32
    %broadcast_in_dim3A_337 = vector.broadcast %jit3A_336 : f32 to vector<1x9xf32>
    %select_n3A_338 = arith.select %eq3A_335, %broadcast_in_dim3A_337, %select_n3A_326 : vector<1x9xi1>, vector<1x9xf32>
    %eq3A_339 = arith.constant 5 : i32
    %eq3A_340 = vector.broadcast %eq3A_339 : i32 to vector<1x9xi32>
    %eq3A_341 = arith.cmpi eq, %iota3A_272, %eq3A_340 : vector<1x9xi32>
    %jit3A_342 = arith.constant 1.487500e+01 : f32
    %broadcast_in_dim3A_343 = vector.broadcast %jit3A_342 : f32 to vector<1x9xf32>
    %select_n3A_344 = arith.select %eq3A_341, %broadcast_in_dim3A_343, %select_n3A_332 : vector<1x9xi1>, vector<1x9xf32>
    %eq3A_345 = arith.constant 6 : i32
    %eq3A_346 = vector.broadcast %eq3A_345 : i32 to vector<1x9xi32>
    %eq3A_347 = arith.cmpi eq, %iota3A_272, %eq3A_346 : vector<1x9xi32>
    %jit3A_348 = arith.constant 1.450000e+01 : f32
    %broadcast_in_dim3A_349 = vector.broadcast %jit3A_348 : f32 to vector<1x9xf32>
    %select_n3A_350 = arith.select %eq3A_347, %broadcast_in_dim3A_349, %select_n3A_338 : vector<1x9xi1>, vector<1x9xf32>
    %eq3A_351 = arith.constant 6 : i32
    %eq3A_352 = vector.broadcast %eq3A_351 : i32 to vector<1x9xi32>
    %eq3A_353 = arith.cmpi eq, %iota3A_272, %eq3A_352 : vector<1x9xi32>
    %jit3A_354 = arith.constant 1.125000e+01 : f32
    %broadcast_in_dim3A_355 = vector.broadcast %jit3A_354 : f32 to vector<1x9xf32>
    %select_n3A_356 = arith.select %eq3A_353, %broadcast_in_dim3A_355, %select_n3A_344 : vector<1x9xi1>, vector<1x9xf32>
    %eq3A_357 = arith.constant 7 : i32
    %eq3A_358 = vector.broadcast %eq3A_357 : i32 to vector<1x9xi32>
    %eq3A_359 = arith.cmpi eq, %iota3A_272, %eq3A_358 : vector<1x9xi32>
    %jit3A_360 = arith.constant 1.950000e+01 : f32
    %broadcast_in_dim3A_361 = vector.broadcast %jit3A_360 : f32 to vector<1x9xf32>
    %select_n3A_362 = arith.select %eq3A_359, %broadcast_in_dim3A_361, %select_n3A_350 : vector<1x9xi1>, vector<1x9xf32>
    %eq3A_363 = arith.constant 7 : i32
    %eq3A_364 = vector.broadcast %eq3A_363 : i32 to vector<1x9xi32>
    %eq3A_365 = arith.cmpi eq, %iota3A_272, %eq3A_364 : vector<1x9xi32>
    %jit3A_366 = arith.constant 2.475000e+01 : f32
    %broadcast_in_dim3A_367 = vector.broadcast %jit3A_366 : f32 to vector<1x9xf32>
    %select_n3A_368 = arith.select %eq3A_365, %broadcast_in_dim3A_367, %select_n3A_356 : vector<1x9xi1>, vector<1x9xf32>
    %eq3A_369 = arith.constant 8 : i32
    %eq3A_370 = vector.broadcast %eq3A_369 : i32 to vector<1x9xi32>
    %eq3A_371 = arith.cmpi eq, %iota3A_272, %eq3A_370 : vector<1x9xi32>
    %jit3A_372 = arith.constant 4.662500e+01 : f32
    %broadcast_in_dim3A_373 = vector.broadcast %jit3A_372 : f32 to vector<1x9xf32>
    %select_n3A_374 = arith.select %eq3A_371, %broadcast_in_dim3A_373, %select_n3A_362 : vector<1x9xi1>, vector<1x9xf32>
    %eq3A_375 = arith.constant 8 : i32
    %eq3A_376 = vector.broadcast %eq3A_375 : i32 to vector<1x9xi32>
    %eq3A_377 = arith.cmpi eq, %iota3A_272, %eq3A_376 : vector<1x9xi32>
    %jit3A_378 = arith.constant 4.075000e+01 : f32
    %broadcast_in_dim3A_379 = vector.broadcast %jit3A_378 : f32 to vector<1x9xf32>
    %select_n3A_380 = arith.select %eq3A_377, %broadcast_in_dim3A_379, %select_n3A_368 : vector<1x9xi1>, vector<1x9xf32>
    %min3A_381 = vector.broadcast %select_n3A_374 : vector<1x9xf32> to vector<64x9xf32>
    %min3A_382 = vector.broadcast %mul3A_64 : vector<64x1xf32> to vector<64x9xf32>
    %min3A_383 = arith.minimumf %min3A_381, %min3A_382 : vector<64x9xf32>
    %min3A_384 = vector.broadcast %select_n3A_380 : vector<1x9xf32> to vector<64x9xf32>
    %min3A_385 = vector.broadcast %mul3A_70 : vector<64x1xf32> to vector<64x9xf32>
    %min3A_386 = arith.minimumf %min3A_384, %min3A_385 : vector<64x9xf32>
    %mul3A_387 = arith.mulf %min3A_383, %min3A_386 : vector<64x9xf32>
    %mul3A_388 = arith.mulf %select_n3A_374, %select_n3A_380 : vector<1x9xf32>
    %mul3A_389 = arith.mulf %mul3A_64, %mul3A_70 : vector<64x1xf32>
    %add3A_390 = vector.broadcast %mul3A_388 : vector<1x9xf32> to vector<64x9xf32>
    %add3A_391 = vector.broadcast %mul3A_389 : vector<64x1xf32> to vector<64x9xf32>
    %add3A_392 = arith.addf %add3A_390, %add3A_391 : vector<64x9xf32>
    %sub3A_393 = arith.subf %add3A_392, %mul3A_387 : vector<64x9xf32>
    %add3A_394 = arith.constant 1.000000e-16 : f32
    %add3A_395 = vector.broadcast %add3A_394 : f32 to vector<64x9xf32>
    %add3A_396 = arith.addf %sub3A_393, %add3A_395 : vector<64x9xf32>
    %div3A_397 = arith.divf %mul3A_387, %add3A_396 : vector<64x9xf32>
    %broadcast_in_dim3A_398 = arith.constant 0.000000e+00 : f32
    %broadcast_in_dim3A_399 = vector.broadcast %broadcast_in_dim3A_398 : f32 to vector<64x1xf32>
    %slice3A_400 = vector.extract_strided_slice %div3A_397 {offsets = [0, 0], sizes = [64, 1], strides = [1, 1]} : vector<64x9xf32> to vector<64x1xf32>
    %slice3A_401 = vector.extract_strided_slice %div3A_397 {offsets = [0, 1], sizes = [64, 1], strides = [1, 1]} : vector<64x9xf32> to vector<64x1xf32>
    %gt3A_402 = arith.cmpf ogt, %slice3A_401, %slice3A_400 : vector<64x1xf32>
    %jit3A_403 = arith.constant 1.000000e+00 : f32
    %broadcast_in_dim3A_404 = vector.broadcast %jit3A_403 : f32 to vector<64x1xf32>
    %select_n3A_405 = arith.select %gt3A_402, %broadcast_in_dim3A_404, %broadcast_in_dim3A_399 : vector<64x1xi1>, vector<64x1xf32>
    %slice3A_406 = vector.extract_strided_slice %div3A_397 {offsets = [0, 1], sizes = [64, 1], strides = [1, 1]} : vector<64x9xf32> to vector<64x1xf32>
    %max3A_407 = arith.maximumf %slice3A_400, %slice3A_406 : vector<64x1xf32>
    %slice3A_408 = vector.extract_strided_slice %div3A_397 {offsets = [0, 2], sizes = [64, 1], strides = [1, 1]} : vector<64x9xf32> to vector<64x1xf32>
    %gt3A_409 = arith.cmpf ogt, %slice3A_408, %max3A_407 : vector<64x1xf32>
    %jit3A_410 = arith.constant 2.000000e+00 : f32
    %broadcast_in_dim3A_411 = vector.broadcast %jit3A_410 : f32 to vector<64x1xf32>
    %select_n3A_412 = arith.select %gt3A_409, %broadcast_in_dim3A_411, %select_n3A_405 : vector<64x1xi1>, vector<64x1xf32>
    %slice3A_413 = vector.extract_strided_slice %div3A_397 {offsets = [0, 2], sizes = [64, 1], strides = [1, 1]} : vector<64x9xf32> to vector<64x1xf32>
    %max3A_414 = arith.maximumf %max3A_407, %slice3A_413 : vector<64x1xf32>
    %slice3A_415 = vector.extract_strided_slice %div3A_397 {offsets = [0, 3], sizes = [64, 1], strides = [1, 1]} : vector<64x9xf32> to vector<64x1xf32>
    %gt3A_416 = arith.cmpf ogt, %slice3A_415, %max3A_414 : vector<64x1xf32>
    %jit3A_417 = arith.constant 3.000000e+00 : f32
    %broadcast_in_dim3A_418 = vector.broadcast %jit3A_417 : f32 to vector<64x1xf32>
    %select_n3A_419 = arith.select %gt3A_416, %broadcast_in_dim3A_418, %select_n3A_412 : vector<64x1xi1>, vector<64x1xf32>
    %slice3A_420 = vector.extract_strided_slice %div3A_397 {offsets = [0, 3], sizes = [64, 1], strides = [1, 1]} : vector<64x9xf32> to vector<64x1xf32>
    %max3A_421 = arith.maximumf %max3A_414, %slice3A_420 : vector<64x1xf32>
    %slice3A_422 = vector.extract_strided_slice %div3A_397 {offsets = [0, 4], sizes = [64, 1], strides = [1, 1]} : vector<64x9xf32> to vector<64x1xf32>
    %gt3A_423 = arith.cmpf ogt, %slice3A_422, %max3A_421 : vector<64x1xf32>
    %jit3A_424 = arith.constant 4.000000e+00 : f32
    %broadcast_in_dim3A_425 = vector.broadcast %jit3A_424 : f32 to vector<64x1xf32>
    %select_n3A_426 = arith.select %gt3A_423, %broadcast_in_dim3A_425, %select_n3A_419 : vector<64x1xi1>, vector<64x1xf32>
    %slice3A_427 = vector.extract_strided_slice %div3A_397 {offsets = [0, 4], sizes = [64, 1], strides = [1, 1]} : vector<64x9xf32> to vector<64x1xf32>
    %max3A_428 = arith.maximumf %max3A_421, %slice3A_427 : vector<64x1xf32>
    %slice3A_429 = vector.extract_strided_slice %div3A_397 {offsets = [0, 5], sizes = [64, 1], strides = [1, 1]} : vector<64x9xf32> to vector<64x1xf32>
    %gt3A_430 = arith.cmpf ogt, %slice3A_429, %max3A_428 : vector<64x1xf32>
    %jit3A_431 = arith.constant 5.000000e+00 : f32
    %broadcast_in_dim3A_432 = vector.broadcast %jit3A_431 : f32 to vector<64x1xf32>
    %select_n3A_433 = arith.select %gt3A_430, %broadcast_in_dim3A_432, %select_n3A_426 : vector<64x1xi1>, vector<64x1xf32>
    %slice3A_434 = vector.extract_strided_slice %div3A_397 {offsets = [0, 5], sizes = [64, 1], strides = [1, 1]} : vector<64x9xf32> to vector<64x1xf32>
    %max3A_435 = arith.maximumf %max3A_428, %slice3A_434 : vector<64x1xf32>
    %slice3A_436 = vector.extract_strided_slice %div3A_397 {offsets = [0, 6], sizes = [64, 1], strides = [1, 1]} : vector<64x9xf32> to vector<64x1xf32>
    %gt3A_437 = arith.cmpf ogt, %slice3A_436, %max3A_435 : vector<64x1xf32>
    %jit3A_438 = arith.constant 6.000000e+00 : f32
    %broadcast_in_dim3A_439 = vector.broadcast %jit3A_438 : f32 to vector<64x1xf32>
    %select_n3A_440 = arith.select %gt3A_437, %broadcast_in_dim3A_439, %select_n3A_433 : vector<64x1xi1>, vector<64x1xf32>
    %slice3A_441 = vector.extract_strided_slice %div3A_397 {offsets = [0, 6], sizes = [64, 1], strides = [1, 1]} : vector<64x9xf32> to vector<64x1xf32>
    %max3A_442 = arith.maximumf %max3A_435, %slice3A_441 : vector<64x1xf32>
    %slice3A_443 = vector.extract_strided_slice %div3A_397 {offsets = [0, 7], sizes = [64, 1], strides = [1, 1]} : vector<64x9xf32> to vector<64x1xf32>
    %gt3A_444 = arith.cmpf ogt, %slice3A_443, %max3A_442 : vector<64x1xf32>
    %jit3A_445 = arith.constant 7.000000e+00 : f32
    %broadcast_in_dim3A_446 = vector.broadcast %jit3A_445 : f32 to vector<64x1xf32>
    %select_n3A_447 = arith.select %gt3A_444, %broadcast_in_dim3A_446, %select_n3A_440 : vector<64x1xi1>, vector<64x1xf32>
    %slice3A_448 = vector.extract_strided_slice %div3A_397 {offsets = [0, 7], sizes = [64, 1], strides = [1, 1]} : vector<64x9xf32> to vector<64x1xf32>
    %max3A_449 = arith.maximumf %max3A_442, %slice3A_448 : vector<64x1xf32>
    %slice3A_450 = vector.extract_strided_slice %div3A_397 {offsets = [0, 8], sizes = [64, 1], strides = [1, 1]} : vector<64x9xf32> to vector<64x1xf32>
    %gt3A_451 = arith.cmpf ogt, %slice3A_450, %max3A_449 : vector<64x1xf32>
    %jit3A_452 = arith.constant 8.000000e+00 : f32
    %broadcast_in_dim3A_453 = vector.broadcast %jit3A_452 : f32 to vector<64x1xf32>
    %select_n3A_454 = arith.select %gt3A_451, %broadcast_in_dim3A_453, %select_n3A_447 : vector<64x1xi1>, vector<64x1xf32>
    %get3A_455 = arith.constant 0 : index
    %get3A_456 = arith.constant 0 : index
    %get3A_457 = arith.constant 0 : index
    %get3A_458 = vector.load %arg0[%get3A_455, %get3A_456, %get3A_457] : memref<64x1x765xf32, #tpu.memory_space<vmem>>, vector<64x1x765xf32>
    %get3A_459 = vector.shape_cast %get3A_458 : vector<64x1x765xf32> to vector<64x765xf32>
    %broadcast_in_dim3A_460 = arith.constant 0.000000e+00 : f32
    %broadcast_in_dim3A_461 = vector.broadcast %broadcast_in_dim3A_460 : f32 to vector<64x85xf32>
    %eq3A_462 = arith.constant 0.000000e+00 : f32
    %eq3A_463 = vector.broadcast %eq3A_462 : f32 to vector<64x1xf32>
    %eq3A_464 = arith.cmpf oeq, %select_n3A_454, %eq3A_463 : vector<64x1xf32>
    %convert_element_type3A = arith.extui %eq3A_464 : vector<64x1xi1> to vector<64x1xi32>
    %convert_element_type3A_465 = arith.sitofp %convert_element_type3A : vector<64x1xi32> to vector<64x1xf32>
    %slice3A_466 = vector.extract_strided_slice %get3A_459 {offsets = [0, 0], sizes = [64, 85], strides = [1, 1]} : vector<64x765xf32> to vector<64x85xf32>
    %mul3A_467 = vector.broadcast %convert_element_type3A_465 : vector<64x1xf32> to vector<64x85xf32>
    %mul3A_468 = arith.mulf %mul3A_467, %slice3A_466 : vector<64x85xf32>
    %add3A_469 = arith.addf %broadcast_in_dim3A_461, %mul3A_468 : vector<64x85xf32>
    %eq3A_470 = arith.constant 1.000000e+00 : f32
    %eq3A_471 = vector.broadcast %eq3A_470 : f32 to vector<64x1xf32>
    %eq3A_472 = arith.cmpf oeq, %select_n3A_454, %eq3A_471 : vector<64x1xf32>
    %convert_element_type3A_473 = arith.extui %eq3A_472 : vector<64x1xi1> to vector<64x1xi32>
    %convert_element_type3A_474 = arith.sitofp %convert_element_type3A_473 : vector<64x1xi32> to vector<64x1xf32>
    %slice3A_475 = vector.extract_strided_slice %get3A_459 {offsets = [0, 85], sizes = [64, 85], strides = [1, 1]} : vector<64x765xf32> to vector<64x85xf32>
    %mul3A_476 = vector.broadcast %convert_element_type3A_474 : vector<64x1xf32> to vector<64x85xf32>
    %mul3A_477 = arith.mulf %mul3A_476, %slice3A_475 : vector<64x85xf32>
    %add3A_478 = arith.addf %add3A_469, %mul3A_477 : vector<64x85xf32>
    %eq3A_479 = arith.constant 2.000000e+00 : f32
    %eq3A_480 = vector.broadcast %eq3A_479 : f32 to vector<64x1xf32>
    %eq3A_481 = arith.cmpf oeq, %select_n3A_454, %eq3A_480 : vector<64x1xf32>
    %convert_element_type3A_482 = arith.extui %eq3A_481 : vector<64x1xi1> to vector<64x1xi32>
    %convert_element_type3A_483 = arith.sitofp %convert_element_type3A_482 : vector<64x1xi32> to vector<64x1xf32>
    %slice3A_484 = vector.extract_strided_slice %get3A_459 {offsets = [0, 170], sizes = [64, 85], strides = [1, 1]} : vector<64x765xf32> to vector<64x85xf32>
    %mul3A_485 = vector.broadcast %convert_element_type3A_483 : vector<64x1xf32> to vector<64x85xf32>
    %mul3A_486 = arith.mulf %mul3A_485, %slice3A_484 : vector<64x85xf32>
    %add3A_487 = arith.addf %add3A_478, %mul3A_486 : vector<64x85xf32>
    %eq3A_488 = arith.constant 3.000000e+00 : f32
    %eq3A_489 = vector.broadcast %eq3A_488 : f32 to vector<64x1xf32>
    %eq3A_490 = arith.cmpf oeq, %select_n3A_454, %eq3A_489 : vector<64x1xf32>
    %convert_element_type3A_491 = arith.extui %eq3A_490 : vector<64x1xi1> to vector<64x1xi32>
    %convert_element_type3A_492 = arith.sitofp %convert_element_type3A_491 : vector<64x1xi32> to vector<64x1xf32>
    %slice3A_493 = vector.extract_strided_slice %get3A_459 {offsets = [0, 255], sizes = [64, 85], strides = [1, 1]} : vector<64x765xf32> to vector<64x85xf32>
    %mul3A_494 = vector.broadcast %convert_element_type3A_492 : vector<64x1xf32> to vector<64x85xf32>
    %mul3A_495 = arith.mulf %mul3A_494, %slice3A_493 : vector<64x85xf32>
    %add3A_496 = arith.addf %add3A_487, %mul3A_495 : vector<64x85xf32>
    %eq3A_497 = arith.constant 4.000000e+00 : f32
    %eq3A_498 = vector.broadcast %eq3A_497 : f32 to vector<64x1xf32>
    %eq3A_499 = arith.cmpf oeq, %select_n3A_454, %eq3A_498 : vector<64x1xf32>
    %convert_element_type3A_500 = arith.extui %eq3A_499 : vector<64x1xi1> to vector<64x1xi32>
    %convert_element_type3A_501 = arith.sitofp %convert_element_type3A_500 : vector<64x1xi32> to vector<64x1xf32>
    %slice3A_502 = vector.extract_strided_slice %get3A_459 {offsets = [0, 340], sizes = [64, 85], strides = [1, 1]} : vector<64x765xf32> to vector<64x85xf32>
    %mul3A_503 = vector.broadcast %convert_element_type3A_501 : vector<64x1xf32> to vector<64x85xf32>
    %mul3A_504 = arith.mulf %mul3A_503, %slice3A_502 : vector<64x85xf32>
    %add3A_505 = arith.addf %add3A_496, %mul3A_504 : vector<64x85xf32>
    %eq3A_506 = arith.constant 5.000000e+00 : f32
    %eq3A_507 = vector.broadcast %eq3A_506 : f32 to vector<64x1xf32>
    %eq3A_508 = arith.cmpf oeq, %select_n3A_454, %eq3A_507 : vector<64x1xf32>
    %convert_element_type3A_509 = arith.extui %eq3A_508 : vector<64x1xi1> to vector<64x1xi32>
    %convert_element_type3A_510 = arith.sitofp %convert_element_type3A_509 : vector<64x1xi32> to vector<64x1xf32>
    %slice3A_511 = vector.extract_strided_slice %get3A_459 {offsets = [0, 425], sizes = [64, 85], strides = [1, 1]} : vector<64x765xf32> to vector<64x85xf32>
    %mul3A_512 = vector.broadcast %convert_element_type3A_510 : vector<64x1xf32> to vector<64x85xf32>
    %mul3A_513 = arith.mulf %mul3A_512, %slice3A_511 : vector<64x85xf32>
    %add3A_514 = arith.addf %add3A_505, %mul3A_513 : vector<64x85xf32>
    %eq3A_515 = arith.constant 6.000000e+00 : f32
    %eq3A_516 = vector.broadcast %eq3A_515 : f32 to vector<64x1xf32>
    %eq3A_517 = arith.cmpf oeq, %select_n3A_454, %eq3A_516 : vector<64x1xf32>
    %convert_element_type3A_518 = arith.extui %eq3A_517 : vector<64x1xi1> to vector<64x1xi32>
    %convert_element_type3A_519 = arith.sitofp %convert_element_type3A_518 : vector<64x1xi32> to vector<64x1xf32>
    %slice3A_520 = vector.extract_strided_slice %get3A_459 {offsets = [0, 510], sizes = [64, 85], strides = [1, 1]} : vector<64x765xf32> to vector<64x85xf32>
    %mul3A_521 = vector.broadcast %convert_element_type3A_519 : vector<64x1xf32> to vector<64x85xf32>
    %mul3A_522 = arith.mulf %mul3A_521, %slice3A_520 : vector<64x85xf32>
    %add3A_523 = arith.addf %add3A_514, %mul3A_522 : vector<64x85xf32>
    %eq3A_524 = arith.constant 7.000000e+00 : f32
    %eq3A_525 = vector.broadcast %eq3A_524 : f32 to vector<64x1xf32>
    %eq3A_526 = arith.cmpf oeq, %select_n3A_454, %eq3A_525 : vector<64x1xf32>
    %convert_element_type3A_527 = arith.extui %eq3A_526 : vector<64x1xi1> to vector<64x1xi32>
    %convert_element_type3A_528 = arith.sitofp %convert_element_type3A_527 : vector<64x1xi32> to vector<64x1xf32>
    %slice3A_529 = vector.extract_strided_slice %get3A_459 {offsets = [0, 595], sizes = [64, 85], strides = [1, 1]} : vector<64x765xf32> to vector<64x85xf32>
    %mul3A_530 = vector.broadcast %convert_element_type3A_528 : vector<64x1xf32> to vector<64x85xf32>
    %mul3A_531 = arith.mulf %mul3A_530, %slice3A_529 : vector<64x85xf32>
    %add3A_532 = arith.addf %add3A_523, %mul3A_531 : vector<64x85xf32>
    %eq3A_533 = arith.constant 8.000000e+00 : f32
    %eq3A_534 = vector.broadcast %eq3A_533 : f32 to vector<64x1xf32>
    %eq3A_535 = arith.cmpf oeq, %select_n3A_454, %eq3A_534 : vector<64x1xf32>
    %convert_element_type3A_536 = arith.extui %eq3A_535 : vector<64x1xi1> to vector<64x1xi32>
    %convert_element_type3A_537 = arith.sitofp %convert_element_type3A_536 : vector<64x1xi32> to vector<64x1xf32>
    %slice3A_538 = vector.extract_strided_slice %get3A_459 {offsets = [0, 680], sizes = [64, 85], strides = [1, 1]} : vector<64x765xf32> to vector<64x85xf32>
    %mul3A_539 = vector.broadcast %convert_element_type3A_537 : vector<64x1xf32> to vector<64x85xf32>
    %mul3A_540 = arith.mulf %mul3A_539, %slice3A_538 : vector<64x85xf32>
    %add3A_541 = arith.addf %add3A_532, %mul3A_540 : vector<64x85xf32>
    %transpose3A = tpu.transpose %add3A_541, [1, 0] : vector<64x85xf32> -> vector<85x64xf32>
    %slice3A_542 = vector.extract_strided_slice %get3A_459 {offsets = [0, 4], sizes = [64, 1], strides = [1, 1]} : vector<64x765xf32> to vector<64x1xf32>
    %slice3A_543 = vector.extract_strided_slice %get3A_459 {offsets = [0, 89], sizes = [64, 1], strides = [1, 1]} : vector<64x765xf32> to vector<64x1xf32>
    %slice3A_544 = vector.extract_strided_slice %get3A_459 {offsets = [0, 174], sizes = [64, 1], strides = [1, 1]} : vector<64x765xf32> to vector<64x1xf32>
    %slice3A_545 = vector.extract_strided_slice %get3A_459 {offsets = [0, 259], sizes = [64, 1], strides = [1, 1]} : vector<64x765xf32> to vector<64x1xf32>
    %slice3A_546 = vector.extract_strided_slice %get3A_459 {offsets = [0, 344], sizes = [64, 1], strides = [1, 1]} : vector<64x765xf32> to vector<64x1xf32>
    %slice3A_547 = vector.extract_strided_slice %get3A_459 {offsets = [0, 429], sizes = [64, 1], strides = [1, 1]} : vector<64x765xf32> to vector<64x1xf32>
    %slice3A_548 = vector.extract_strided_slice %get3A_459 {offsets = [0, 514], sizes = [64, 1], strides = [1, 1]} : vector<64x765xf32> to vector<64x1xf32>
    %slice3A_549 = vector.extract_strided_slice %get3A_459 {offsets = [0, 599], sizes = [64, 1], strides = [1, 1]} : vector<64x765xf32> to vector<64x1xf32>
    %slice3A_550 = vector.extract_strided_slice %get3A_459 {offsets = [0, 684], sizes = [64, 1], strides = [1, 1]} : vector<64x765xf32> to vector<64x1xf32>
    %concatenate3A = tpu.concatenate %slice3A_542, %slice3A_543, %slice3A_544, %slice3A_545, %slice3A_546, %slice3A_547, %slice3A_548, %slice3A_549, %slice3A_550 in 1 : vector<64x1xf32>, vector<64x1xf32>, vector<64x1xf32>, vector<64x1xf32>, vector<64x1xf32>, vector<64x1xf32>, vector<64x1xf32>, vector<64x1xf32>, vector<64x1xf32> -> vector<64x9xf32>
    %transpose3A_551 = tpu.transpose %concatenate3A, [1, 0] : vector<64x9xf32> -> vector<9x64xf32>
    %mul3A_552 = arith.constant 2.704000e+03 : f32
    %mul3A_553 = vector.broadcast %mul3A_552 : f32 to vector<1x64xf32>
    %mul3A_554 = arith.mulf %get3A_1, %mul3A_553 : vector<1x64xf32>
    %add3A_555 = arith.addf %mul3A_554, %add3A : vector<1x64xf32>
    %mul3A_556 = arith.constant 2.704000e+03 : f32
    %mul3A_557 = vector.broadcast %mul3A_556 : f32 to vector<64x1xf32>
    %mul3A_558 = arith.mulf %get3A_43, %mul3A_557 : vector<64x1xf32>
    %add3A_559 = arith.addf %mul3A_558, %add3A_88 : vector<64x1xf32>
    %iota3A_560 = tpu.iota {dimensions = array<i32: 0>} : vector<64x64xi32>
    %iota3A_561 = tpu.iota {dimensions = array<i32: 1>} : vector<64x64xi32>
    %lt3A = arith.cmpi slt, %iota3A_560, %iota3A_561 : vector<64x64xi32>
    %gt3A_562 = arith.cmpi sgt, %iota3A_560, %iota3A_561 : vector<64x64xi32>
    %eq3A_563 = vector.broadcast %add3A_559 : vector<64x1xf32> to vector<64x64xf32>
    %eq3A_564 = vector.broadcast %add3A_555 : vector<1x64xf32> to vector<64x64xf32>
    %eq3A_565 = arith.cmpf oeq, %eq3A_563, %eq3A_564 : vector<64x64xf32>
    %logistic3A = arith.negf %transpose3A_551 : vector<9x64xf32>
    %logistic3A_566 = math.exp %logistic3A : vector<9x64xf32>
    %logistic3A_567 = arith.constant 1.000000e+00 : f32
    %logistic3A_568 = vector.broadcast %logistic3A_567 : f32 to vector<9x64xf32>
    %logistic3A_569 = arith.addf %logistic3A_568, %logistic3A_566 : vector<9x64xf32>
    %logistic3A_570 = arith.divf %logistic3A_568, %logistic3A_569 : vector<9x64xf32>
    %jit3A_571 = arith.constant 1.000000e-07 : f32
    %jit3A_572 = arith.constant 0.99999988 : f32
    %max3A_573 = vector.broadcast %jit3A_571 : f32 to vector<9x64xf32>
    %max3A_574 = arith.maximumf %max3A_573, %logistic3A_570 : vector<9x64xf32>
    %min3A_575 = vector.broadcast %jit3A_572 : f32 to vector<9x64xf32>
    %min3A_576 = arith.minimumf %min3A_575, %max3A_574 : vector<9x64xf32>
    %sub3A_577 = arith.constant 1.000000e+00 : f32
    %sub3A_578 = vector.broadcast %sub3A_577 : f32 to vector<9x64xf32>
    %sub3A_579 = arith.subf %sub3A_578, %min3A_576 : vector<9x64xf32>
    %log3A = math.log %sub3A_579 : vector<9x64xf32>
    %neg3A = arith.constant 0.000000e+00 : f32
    %neg3A_580 = vector.broadcast %neg3A : f32 to vector<9x64xf32>
    %neg3A_581 = arith.subf %neg3A_580, %log3A : vector<9x64xf32>
    %eq3A_582 = arith.constant 0.000000e+00 : f32
    %eq3A_583 = vector.broadcast %eq3A_582 : f32 to vector<1x64xf32>
    %eq3A_584 = arith.cmpf oeq, %select_n3A_267, %eq3A_583 : vector<1x64xf32>
    %slice3A_585 = vector.extract_strided_slice %div3A {offsets = [0, 0], sizes = [1, 64], strides = [1, 1]} : vector<9x64xf32> to vector<1x64xf32>
    %gt3A_586 = arith.constant 5.000000e-01 : f32
    %gt3A_587 = vector.broadcast %gt3A_586 : f32 to vector<1x64xf32>
    %gt3A_588 = arith.cmpf ogt, %slice3A_585, %gt3A_587 : vector<1x64xf32>
    %or3A = arith.ori %eq3A_584, %gt3A_588 : vector<1x64xi1>
    %eq3A_589 = arith.constant 0.000000e+00 : f32
    %eq3A_590 = vector.broadcast %eq3A_589 : f32 to vector<64x1xf32>
    %eq3A_591 = arith.cmpf oeq, %select_n3A_454, %eq3A_590 : vector<64x1xf32>
    %slice3A_592 = vector.extract_strided_slice %div3A_397 {offsets = [0, 0], sizes = [64, 1], strides = [1, 1]} : vector<64x9xf32> to vector<64x1xf32>
    %gt3A_593 = arith.constant 5.000000e-01 : f32
    %gt3A_594 = vector.broadcast %gt3A_593 : f32 to vector<64x1xf32>
    %gt3A_595 = arith.cmpf ogt, %slice3A_592, %gt3A_594 : vector<64x1xf32>
    %or3A_596 = arith.ori %eq3A_591, %gt3A_595 : vector<64x1xi1>
    %and3A = arith.andi %eq3A_565, %lt3A : vector<64x64xi1>
    %and3A_597 = vector.broadcast %or3A_596 : vector<64x1xi1> to vector<64x64xi1>
    %and3A_598 = arith.andi %and3A, %and3A_597 : vector<64x64xi1>
    %convert_element_type3A_599 = arith.extui %and3A_598 : vector<64x64xi1> to vector<64x64xi32>
    %convert_element_type3A_600 = arith.sitofp %convert_element_type3A_599 : vector<64x64xi32> to vector<64x64xf32>
    %reduce_sum3A = arith.constant dense<0.000000e+00> : vector<64xf32>
    %reduce_sum3A_601 = vector.multi_reduction <add>, %convert_element_type3A_600, %reduce_sum3A [0] : vector<64x64xf32> to vector<64xf32>
    %broadcast_in_dim3A_602 = vector.shape_cast %reduce_sum3A_601 : vector<64xf32> to vector<1x64xf32>
    %gt3A_603 = arith.constant 0.000000e+00 : f32
    %gt3A_604 = vector.broadcast %gt3A_603 : f32 to vector<1x64xf32>
    %gt3A_605 = arith.cmpf ogt, %broadcast_in_dim3A_602, %gt3A_604 : vector<1x64xf32>
    %not3A = arith.constant dense<true> : vector<1x64xi1>
    %not3A_606 = arith.xori %gt3A_605, %not3A : vector<1x64xi1>
    %and3A_607 = arith.andi %or3A, %not3A_606 : vector<1x64xi1>
    %convert_element_type3A_608 = arith.extui %and3A_607 : vector<1x64xi1> to vector<1x64xi32>
    %convert_element_type3A_609 = arith.sitofp %convert_element_type3A_608 : vector<1x64xi32> to vector<1x64xf32>
    %slice3A_610 = vector.extract_strided_slice %neg3A_581 {offsets = [0, 0], sizes = [1, 64], strides = [1, 1]} : vector<9x64xf32> to vector<1x64xf32>
    %mul3A_611 = arith.mulf %slice3A_610, %convert_element_type3A_609 : vector<1x64xf32>
    %reduce_sum3A_612 = vector.shape_cast %mul3A_611 : vector<1x64xf32> to vector<1x1x64xf32>
    %reduce_sum3A_613 = arith.constant dense<0.000000e+00> : vector<1xf32>
    %reduce_sum3A_614 = vector.multi_reduction <add>, %reduce_sum3A_612, %reduce_sum3A_613 [1, 2] : vector<1x1x64xf32> to vector<1xf32>
    %reduce_sum3A_615 = vector.shape_cast %reduce_sum3A_614 : vector<1xf32> to vector<1x1x1xf32>
    %reduce_sum3A_616 = vector.extract %reduce_sum3A_615[0, 0, 0] : f32 from vector<1x1x1xf32>
    %add3A_617 = arith.constant 0.000000e+00 : f32
    %add3A_618 = arith.addf %add3A_617, %reduce_sum3A_616 : f32
    %eq3A_619 = arith.constant 1.000000e+00 : f32
    %eq3A_620 = vector.broadcast %eq3A_619 : f32 to vector<1x64xf32>
    %eq3A_621 = arith.cmpf oeq, %select_n3A_267, %eq3A_620 : vector<1x64xf32>
    %slice3A_622 = vector.extract_strided_slice %div3A {offsets = [1, 0], sizes = [1, 64], strides = [1, 1]} : vector<9x64xf32> to vector<1x64xf32>
    %gt3A_623 = arith.constant 5.000000e-01 : f32
    %gt3A_624 = vector.broadcast %gt3A_623 : f32 to vector<1x64xf32>
    %gt3A_625 = arith.cmpf ogt, %slice3A_622, %gt3A_624 : vector<1x64xf32>
    %or3A_626 = arith.ori %eq3A_621, %gt3A_625 : vector<1x64xi1>
    %eq3A_627 = arith.constant 1.000000e+00 : f32
    %eq3A_628 = vector.broadcast %eq3A_627 : f32 to vector<64x1xf32>
    %eq3A_629 = arith.cmpf oeq, %select_n3A_454, %eq3A_628 : vector<64x1xf32>
    %slice3A_630 = vector.extract_strided_slice %div3A_397 {offsets = [0, 1], sizes = [64, 1], strides = [1, 1]} : vector<64x9xf32> to vector<64x1xf32>
    %gt3A_631 = arith.constant 5.000000e-01 : f32
    %gt3A_632 = vector.broadcast %gt3A_631 : f32 to vector<64x1xf32>
    %gt3A_633 = arith.cmpf ogt, %slice3A_630, %gt3A_632 : vector<64x1xf32>
    %or3A_634 = arith.ori %eq3A_629, %gt3A_633 : vector<64x1xi1>
    %and3A_635 = arith.andi %eq3A_565, %lt3A : vector<64x64xi1>
    %and3A_636 = vector.broadcast %or3A_634 : vector<64x1xi1> to vector<64x64xi1>
    %and3A_637 = arith.andi %and3A_635, %and3A_636 : vector<64x64xi1>
    %convert_element_type3A_638 = arith.extui %and3A_637 : vector<64x64xi1> to vector<64x64xi32>
    %convert_element_type3A_639 = arith.sitofp %convert_element_type3A_638 : vector<64x64xi32> to vector<64x64xf32>
    %reduce_sum3A_640 = arith.constant dense<0.000000e+00> : vector<64xf32>
    %reduce_sum3A_641 = vector.multi_reduction <add>, %convert_element_type3A_639, %reduce_sum3A_640 [0] : vector<64x64xf32> to vector<64xf32>
    %broadcast_in_dim3A_642 = vector.shape_cast %reduce_sum3A_641 : vector<64xf32> to vector<1x64xf32>
    %gt3A_643 = arith.constant 0.000000e+00 : f32
    %gt3A_644 = vector.broadcast %gt3A_643 : f32 to vector<1x64xf32>
    %gt3A_645 = arith.cmpf ogt, %broadcast_in_dim3A_642, %gt3A_644 : vector<1x64xf32>
    %not3A_646 = arith.constant dense<true> : vector<1x64xi1>
    %not3A_647 = arith.xori %gt3A_645, %not3A_646 : vector<1x64xi1>
    %and3A_648 = arith.andi %or3A_626, %not3A_647 : vector<1x64xi1>
    %convert_element_type3A_649 = arith.extui %and3A_648 : vector<1x64xi1> to vector<1x64xi32>
    %convert_element_type3A_650 = arith.sitofp %convert_element_type3A_649 : vector<1x64xi32> to vector<1x64xf32>
    %slice3A_651 = vector.extract_strided_slice %neg3A_581 {offsets = [1, 0], sizes = [1, 64], strides = [1, 1]} : vector<9x64xf32> to vector<1x64xf32>
    %mul3A_652 = arith.mulf %slice3A_651, %convert_element_type3A_650 : vector<1x64xf32>
    %reduce_sum3A_653 = vector.shape_cast %mul3A_652 : vector<1x64xf32> to vector<1x1x64xf32>
    %reduce_sum3A_654 = arith.constant dense<0.000000e+00> : vector<1xf32>
    %reduce_sum3A_655 = vector.multi_reduction <add>, %reduce_sum3A_653, %reduce_sum3A_654 [1, 2] : vector<1x1x64xf32> to vector<1xf32>
    %reduce_sum3A_656 = vector.shape_cast %reduce_sum3A_655 : vector<1xf32> to vector<1x1x1xf32>
    %reduce_sum3A_657 = vector.extract %reduce_sum3A_656[0, 0, 0] : f32 from vector<1x1x1xf32>
    %add3A_658 = arith.addf %add3A_618, %reduce_sum3A_657 : f32
    %eq3A_659 = arith.constant 2.000000e+00 : f32
    %eq3A_660 = vector.broadcast %eq3A_659 : f32 to vector<1x64xf32>
    %eq3A_661 = arith.cmpf oeq, %select_n3A_267, %eq3A_660 : vector<1x64xf32>
    %slice3A_662 = vector.extract_strided_slice %div3A {offsets = [2, 0], sizes = [1, 64], strides = [1, 1]} : vector<9x64xf32> to vector<1x64xf32>
    %gt3A_663 = arith.constant 5.000000e-01 : f32
    %gt3A_664 = vector.broadcast %gt3A_663 : f32 to vector<1x64xf32>
    %gt3A_665 = arith.cmpf ogt, %slice3A_662, %gt3A_664 : vector<1x64xf32>
    %or3A_666 = arith.ori %eq3A_661, %gt3A_665 : vector<1x64xi1>
    %eq3A_667 = arith.constant 2.000000e+00 : f32
    %eq3A_668 = vector.broadcast %eq3A_667 : f32 to vector<64x1xf32>
    %eq3A_669 = arith.cmpf oeq, %select_n3A_454, %eq3A_668 : vector<64x1xf32>
    %slice3A_670 = vector.extract_strided_slice %div3A_397 {offsets = [0, 2], sizes = [64, 1], strides = [1, 1]} : vector<64x9xf32> to vector<64x1xf32>
    %gt3A_671 = arith.constant 5.000000e-01 : f32
    %gt3A_672 = vector.broadcast %gt3A_671 : f32 to vector<64x1xf32>
    %gt3A_673 = arith.cmpf ogt, %slice3A_670, %gt3A_672 : vector<64x1xf32>
    %or3A_674 = arith.ori %eq3A_669, %gt3A_673 : vector<64x1xi1>
    %and3A_675 = arith.andi %eq3A_565, %lt3A : vector<64x64xi1>
    %and3A_676 = vector.broadcast %or3A_674 : vector<64x1xi1> to vector<64x64xi1>
    %and3A_677 = arith.andi %and3A_675, %and3A_676 : vector<64x64xi1>
    %convert_element_type3A_678 = arith.extui %and3A_677 : vector<64x64xi1> to vector<64x64xi32>
    %convert_element_type3A_679 = arith.sitofp %convert_element_type3A_678 : vector<64x64xi32> to vector<64x64xf32>
    %reduce_sum3A_680 = arith.constant dense<0.000000e+00> : vector<64xf32>
    %reduce_sum3A_681 = vector.multi_reduction <add>, %convert_element_type3A_679, %reduce_sum3A_680 [0] : vector<64x64xf32> to vector<64xf32>
    %broadcast_in_dim3A_682 = vector.shape_cast %reduce_sum3A_681 : vector<64xf32> to vector<1x64xf32>
    %gt3A_683 = arith.constant 0.000000e+00 : f32
    %gt3A_684 = vector.broadcast %gt3A_683 : f32 to vector<1x64xf32>
    %gt3A_685 = arith.cmpf ogt, %broadcast_in_dim3A_682, %gt3A_684 : vector<1x64xf32>
    %not3A_686 = arith.constant dense<true> : vector<1x64xi1>
    %not3A_687 = arith.xori %gt3A_685, %not3A_686 : vector<1x64xi1>
    %and3A_688 = arith.andi %or3A_666, %not3A_687 : vector<1x64xi1>
    %convert_element_type3A_689 = arith.extui %and3A_688 : vector<1x64xi1> to vector<1x64xi32>
    %convert_element_type3A_690 = arith.sitofp %convert_element_type3A_689 : vector<1x64xi32> to vector<1x64xf32>
    %slice3A_691 = vector.extract_strided_slice %neg3A_581 {offsets = [2, 0], sizes = [1, 64], strides = [1, 1]} : vector<9x64xf32> to vector<1x64xf32>
    %mul3A_692 = arith.mulf %slice3A_691, %convert_element_type3A_690 : vector<1x64xf32>
    %reduce_sum3A_693 = vector.shape_cast %mul3A_692 : vector<1x64xf32> to vector<1x1x64xf32>
    %reduce_sum3A_694 = arith.constant dense<0.000000e+00> : vector<1xf32>
    %reduce_sum3A_695 = vector.multi_reduction <add>, %reduce_sum3A_693, %reduce_sum3A_694 [1, 2] : vector<1x1x64xf32> to vector<1xf32>
    %reduce_sum3A_696 = vector.shape_cast %reduce_sum3A_695 : vector<1xf32> to vector<1x1x1xf32>
    %reduce_sum3A_697 = vector.extract %reduce_sum3A_696[0, 0, 0] : f32 from vector<1x1x1xf32>
    %add3A_698 = arith.addf %add3A_658, %reduce_sum3A_697 : f32
    %eq3A_699 = arith.constant 3.000000e+00 : f32
    %eq3A_700 = vector.broadcast %eq3A_699 : f32 to vector<1x64xf32>
    %eq3A_701 = arith.cmpf oeq, %select_n3A_267, %eq3A_700 : vector<1x64xf32>
    %slice3A_702 = vector.extract_strided_slice %div3A {offsets = [3, 0], sizes = [1, 64], strides = [1, 1]} : vector<9x64xf32> to vector<1x64xf32>
    %gt3A_703 = arith.constant 5.000000e-01 : f32
    %gt3A_704 = vector.broadcast %gt3A_703 : f32 to vector<1x64xf32>
    %gt3A_705 = arith.cmpf ogt, %slice3A_702, %gt3A_704 : vector<1x64xf32>
    %or3A_706 = arith.ori %eq3A_701, %gt3A_705 : vector<1x64xi1>
    %eq3A_707 = arith.constant 3.000000e+00 : f32
    %eq3A_708 = vector.broadcast %eq3A_707 : f32 to vector<64x1xf32>
    %eq3A_709 = arith.cmpf oeq, %select_n3A_454, %eq3A_708 : vector<64x1xf32>
    %slice3A_710 = vector.extract_strided_slice %div3A_397 {offsets = [0, 3], sizes = [64, 1], strides = [1, 1]} : vector<64x9xf32> to vector<64x1xf32>
    %gt3A_711 = arith.constant 5.000000e-01 : f32
    %gt3A_712 = vector.broadcast %gt3A_711 : f32 to vector<64x1xf32>
    %gt3A_713 = arith.cmpf ogt, %slice3A_710, %gt3A_712 : vector<64x1xf32>
    %or3A_714 = arith.ori %eq3A_709, %gt3A_713 : vector<64x1xi1>
    %and3A_715 = arith.andi %eq3A_565, %lt3A : vector<64x64xi1>
    %and3A_716 = vector.broadcast %or3A_714 : vector<64x1xi1> to vector<64x64xi1>
    %and3A_717 = arith.andi %and3A_715, %and3A_716 : vector<64x64xi1>
    %convert_element_type3A_718 = arith.extui %and3A_717 : vector<64x64xi1> to vector<64x64xi32>
    %convert_element_type3A_719 = arith.sitofp %convert_element_type3A_718 : vector<64x64xi32> to vector<64x64xf32>
    %reduce_sum3A_720 = arith.constant dense<0.000000e+00> : vector<64xf32>
    %reduce_sum3A_721 = vector.multi_reduction <add>, %convert_element_type3A_719, %reduce_sum3A_720 [0] : vector<64x64xf32> to vector<64xf32>
    %broadcast_in_dim3A_722 = vector.shape_cast %reduce_sum3A_721 : vector<64xf32> to vector<1x64xf32>
    %gt3A_723 = arith.constant 0.000000e+00 : f32
    %gt3A_724 = vector.broadcast %gt3A_723 : f32 to vector<1x64xf32>
    %gt3A_725 = arith.cmpf ogt, %broadcast_in_dim3A_722, %gt3A_724 : vector<1x64xf32>
    %not3A_726 = arith.constant dense<true> : vector<1x64xi1>
    %not3A_727 = arith.xori %gt3A_725, %not3A_726 : vector<1x64xi1>
    %and3A_728 = arith.andi %or3A_706, %not3A_727 : vector<1x64xi1>
    %convert_element_type3A_729 = arith.extui %and3A_728 : vector<1x64xi1> to vector<1x64xi32>
    %convert_element_type3A_730 = arith.sitofp %convert_element_type3A_729 : vector<1x64xi32> to vector<1x64xf32>
    %slice3A_731 = vector.extract_strided_slice %neg3A_581 {offsets = [3, 0], sizes = [1, 64], strides = [1, 1]} : vector<9x64xf32> to vector<1x64xf32>
    %mul3A_732 = arith.mulf %slice3A_731, %convert_element_type3A_730 : vector<1x64xf32>
    %reduce_sum3A_733 = vector.shape_cast %mul3A_732 : vector<1x64xf32> to vector<1x1x64xf32>
    %reduce_sum3A_734 = arith.constant dense<0.000000e+00> : vector<1xf32>
    %reduce_sum3A_735 = vector.multi_reduction <add>, %reduce_sum3A_733, %reduce_sum3A_734 [1, 2] : vector<1x1x64xf32> to vector<1xf32>
    %reduce_sum3A_736 = vector.shape_cast %reduce_sum3A_735 : vector<1xf32> to vector<1x1x1xf32>
    %reduce_sum3A_737 = vector.extract %reduce_sum3A_736[0, 0, 0] : f32 from vector<1x1x1xf32>
    %add3A_738 = arith.addf %add3A_698, %reduce_sum3A_737 : f32
    %eq3A_739 = arith.constant 4.000000e+00 : f32
    %eq3A_740 = vector.broadcast %eq3A_739 : f32 to vector<1x64xf32>
    %eq3A_741 = arith.cmpf oeq, %select_n3A_267, %eq3A_740 : vector<1x64xf32>
    %slice3A_742 = vector.extract_strided_slice %div3A {offsets = [4, 0], sizes = [1, 64], strides = [1, 1]} : vector<9x64xf32> to vector<1x64xf32>
    %gt3A_743 = arith.constant 5.000000e-01 : f32
    %gt3A_744 = vector.broadcast %gt3A_743 : f32 to vector<1x64xf32>
    %gt3A_745 = arith.cmpf ogt, %slice3A_742, %gt3A_744 : vector<1x64xf32>
    %or3A_746 = arith.ori %eq3A_741, %gt3A_745 : vector<1x64xi1>
    %eq3A_747 = arith.constant 4.000000e+00 : f32
    %eq3A_748 = vector.broadcast %eq3A_747 : f32 to vector<64x1xf32>
    %eq3A_749 = arith.cmpf oeq, %select_n3A_454, %eq3A_748 : vector<64x1xf32>
    %slice3A_750 = vector.extract_strided_slice %div3A_397 {offsets = [0, 4], sizes = [64, 1], strides = [1, 1]} : vector<64x9xf32> to vector<64x1xf32>
    %gt3A_751 = arith.constant 5.000000e-01 : f32
    %gt3A_752 = vector.broadcast %gt3A_751 : f32 to vector<64x1xf32>
    %gt3A_753 = arith.cmpf ogt, %slice3A_750, %gt3A_752 : vector<64x1xf32>
    %or3A_754 = arith.ori %eq3A_749, %gt3A_753 : vector<64x1xi1>
    %and3A_755 = arith.andi %eq3A_565, %lt3A : vector<64x64xi1>
    %and3A_756 = vector.broadcast %or3A_754 : vector<64x1xi1> to vector<64x64xi1>
    %and3A_757 = arith.andi %and3A_755, %and3A_756 : vector<64x64xi1>
    %convert_element_type3A_758 = arith.extui %and3A_757 : vector<64x64xi1> to vector<64x64xi32>
    %convert_element_type3A_759 = arith.sitofp %convert_element_type3A_758 : vector<64x64xi32> to vector<64x64xf32>
    %reduce_sum3A_760 = arith.constant dense<0.000000e+00> : vector<64xf32>
    %reduce_sum3A_761 = vector.multi_reduction <add>, %convert_element_type3A_759, %reduce_sum3A_760 [0] : vector<64x64xf32> to vector<64xf32>
    %broadcast_in_dim3A_762 = vector.shape_cast %reduce_sum3A_761 : vector<64xf32> to vector<1x64xf32>
    %gt3A_763 = arith.constant 0.000000e+00 : f32
    %gt3A_764 = vector.broadcast %gt3A_763 : f32 to vector<1x64xf32>
    %gt3A_765 = arith.cmpf ogt, %broadcast_in_dim3A_762, %gt3A_764 : vector<1x64xf32>
    %not3A_766 = arith.constant dense<true> : vector<1x64xi1>
    %not3A_767 = arith.xori %gt3A_765, %not3A_766 : vector<1x64xi1>
    %and3A_768 = arith.andi %or3A_746, %not3A_767 : vector<1x64xi1>
    %convert_element_type3A_769 = arith.extui %and3A_768 : vector<1x64xi1> to vector<1x64xi32>
    %convert_element_type3A_770 = arith.sitofp %convert_element_type3A_769 : vector<1x64xi32> to vector<1x64xf32>
    %slice3A_771 = vector.extract_strided_slice %neg3A_581 {offsets = [4, 0], sizes = [1, 64], strides = [1, 1]} : vector<9x64xf32> to vector<1x64xf32>
    %mul3A_772 = arith.mulf %slice3A_771, %convert_element_type3A_770 : vector<1x64xf32>
    %reduce_sum3A_773 = vector.shape_cast %mul3A_772 : vector<1x64xf32> to vector<1x1x64xf32>
    %reduce_sum3A_774 = arith.constant dense<0.000000e+00> : vector<1xf32>
    %reduce_sum3A_775 = vector.multi_reduction <add>, %reduce_sum3A_773, %reduce_sum3A_774 [1, 2] : vector<1x1x64xf32> to vector<1xf32>
    %reduce_sum3A_776 = vector.shape_cast %reduce_sum3A_775 : vector<1xf32> to vector<1x1x1xf32>
    %reduce_sum3A_777 = vector.extract %reduce_sum3A_776[0, 0, 0] : f32 from vector<1x1x1xf32>
    %add3A_778 = arith.addf %add3A_738, %reduce_sum3A_777 : f32
    %eq3A_779 = arith.constant 5.000000e+00 : f32
    %eq3A_780 = vector.broadcast %eq3A_779 : f32 to vector<1x64xf32>
    %eq3A_781 = arith.cmpf oeq, %select_n3A_267, %eq3A_780 : vector<1x64xf32>
    %slice3A_782 = vector.extract_strided_slice %div3A {offsets = [5, 0], sizes = [1, 64], strides = [1, 1]} : vector<9x64xf32> to vector<1x64xf32>
    %gt3A_783 = arith.constant 5.000000e-01 : f32
    %gt3A_784 = vector.broadcast %gt3A_783 : f32 to vector<1x64xf32>
    %gt3A_785 = arith.cmpf ogt, %slice3A_782, %gt3A_784 : vector<1x64xf32>
    %or3A_786 = arith.ori %eq3A_781, %gt3A_785 : vector<1x64xi1>
    %eq3A_787 = arith.constant 5.000000e+00 : f32
    %eq3A_788 = vector.broadcast %eq3A_787 : f32 to vector<64x1xf32>
    %eq3A_789 = arith.cmpf oeq, %select_n3A_454, %eq3A_788 : vector<64x1xf32>
    %slice3A_790 = vector.extract_strided_slice %div3A_397 {offsets = [0, 5], sizes = [64, 1], strides = [1, 1]} : vector<64x9xf32> to vector<64x1xf32>
    %gt3A_791 = arith.constant 5.000000e-01 : f32
    %gt3A_792 = vector.broadcast %gt3A_791 : f32 to vector<64x1xf32>
    %gt3A_793 = arith.cmpf ogt, %slice3A_790, %gt3A_792 : vector<64x1xf32>
    %or3A_794 = arith.ori %eq3A_789, %gt3A_793 : vector<64x1xi1>
    %and3A_795 = arith.andi %eq3A_565, %lt3A : vector<64x64xi1>
    %and3A_796 = vector.broadcast %or3A_794 : vector<64x1xi1> to vector<64x64xi1>
    %and3A_797 = arith.andi %and3A_795, %and3A_796 : vector<64x64xi1>
    %convert_element_type3A_798 = arith.extui %and3A_797 : vector<64x64xi1> to vector<64x64xi32>
    %convert_element_type3A_799 = arith.sitofp %convert_element_type3A_798 : vector<64x64xi32> to vector<64x64xf32>
    %reduce_sum3A_800 = arith.constant dense<0.000000e+00> : vector<64xf32>
    %reduce_sum3A_801 = vector.multi_reduction <add>, %convert_element_type3A_799, %reduce_sum3A_800 [0] : vector<64x64xf32> to vector<64xf32>
    %broadcast_in_dim3A_802 = vector.shape_cast %reduce_sum3A_801 : vector<64xf32> to vector<1x64xf32>
    %gt3A_803 = arith.constant 0.000000e+00 : f32
    %gt3A_804 = vector.broadcast %gt3A_803 : f32 to vector<1x64xf32>
    %gt3A_805 = arith.cmpf ogt, %broadcast_in_dim3A_802, %gt3A_804 : vector<1x64xf32>
    %not3A_806 = arith.constant dense<true> : vector<1x64xi1>
    %not3A_807 = arith.xori %gt3A_805, %not3A_806 : vector<1x64xi1>
    %and3A_808 = arith.andi %or3A_786, %not3A_807 : vector<1x64xi1>
    %convert_element_type3A_809 = arith.extui %and3A_808 : vector<1x64xi1> to vector<1x64xi32>
    %convert_element_type3A_810 = arith.sitofp %convert_element_type3A_809 : vector<1x64xi32> to vector<1x64xf32>
    %slice3A_811 = vector.extract_strided_slice %neg3A_581 {offsets = [5, 0], sizes = [1, 64], strides = [1, 1]} : vector<9x64xf32> to vector<1x64xf32>
    %mul3A_812 = arith.mulf %slice3A_811, %convert_element_type3A_810 : vector<1x64xf32>
    %reduce_sum3A_813 = vector.shape_cast %mul3A_812 : vector<1x64xf32> to vector<1x1x64xf32>
    %reduce_sum3A_814 = arith.constant dense<0.000000e+00> : vector<1xf32>
    %reduce_sum3A_815 = vector.multi_reduction <add>, %reduce_sum3A_813, %reduce_sum3A_814 [1, 2] : vector<1x1x64xf32> to vector<1xf32>
    %reduce_sum3A_816 = vector.shape_cast %reduce_sum3A_815 : vector<1xf32> to vector<1x1x1xf32>
    %reduce_sum3A_817 = vector.extract %reduce_sum3A_816[0, 0, 0] : f32 from vector<1x1x1xf32>
    %add3A_818 = arith.addf %add3A_778, %reduce_sum3A_817 : f32
    %eq3A_819 = arith.constant 6.000000e+00 : f32
    %eq3A_820 = vector.broadcast %eq3A_819 : f32 to vector<1x64xf32>
    %eq3A_821 = arith.cmpf oeq, %select_n3A_267, %eq3A_820 : vector<1x64xf32>
    %slice3A_822 = vector.extract_strided_slice %div3A {offsets = [6, 0], sizes = [1, 64], strides = [1, 1]} : vector<9x64xf32> to vector<1x64xf32>
    %gt3A_823 = arith.constant 5.000000e-01 : f32
    %gt3A_824 = vector.broadcast %gt3A_823 : f32 to vector<1x64xf32>
    %gt3A_825 = arith.cmpf ogt, %slice3A_822, %gt3A_824 : vector<1x64xf32>
    %or3A_826 = arith.ori %eq3A_821, %gt3A_825 : vector<1x64xi1>
    %eq3A_827 = arith.constant 6.000000e+00 : f32
    %eq3A_828 = vector.broadcast %eq3A_827 : f32 to vector<64x1xf32>
    %eq3A_829 = arith.cmpf oeq, %select_n3A_454, %eq3A_828 : vector<64x1xf32>
    %slice3A_830 = vector.extract_strided_slice %div3A_397 {offsets = [0, 6], sizes = [64, 1], strides = [1, 1]} : vector<64x9xf32> to vector<64x1xf32>
    %gt3A_831 = arith.constant 5.000000e-01 : f32
    %gt3A_832 = vector.broadcast %gt3A_831 : f32 to vector<64x1xf32>
    %gt3A_833 = arith.cmpf ogt, %slice3A_830, %gt3A_832 : vector<64x1xf32>
    %or3A_834 = arith.ori %eq3A_829, %gt3A_833 : vector<64x1xi1>
    %and3A_835 = arith.andi %eq3A_565, %lt3A : vector<64x64xi1>
    %and3A_836 = vector.broadcast %or3A_834 : vector<64x1xi1> to vector<64x64xi1>
    %and3A_837 = arith.andi %and3A_835, %and3A_836 : vector<64x64xi1>
    %convert_element_type3A_838 = arith.extui %and3A_837 : vector<64x64xi1> to vector<64x64xi32>
    %convert_element_type3A_839 = arith.sitofp %convert_element_type3A_838 : vector<64x64xi32> to vector<64x64xf32>
    %reduce_sum3A_840 = arith.constant dense<0.000000e+00> : vector<64xf32>
    %reduce_sum3A_841 = vector.multi_reduction <add>, %convert_element_type3A_839, %reduce_sum3A_840 [0] : vector<64x64xf32> to vector<64xf32>
    %broadcast_in_dim3A_842 = vector.shape_cast %reduce_sum3A_841 : vector<64xf32> to vector<1x64xf32>
    %gt3A_843 = arith.constant 0.000000e+00 : f32
    %gt3A_844 = vector.broadcast %gt3A_843 : f32 to vector<1x64xf32>
    %gt3A_845 = arith.cmpf ogt, %broadcast_in_dim3A_842, %gt3A_844 : vector<1x64xf32>
    %not3A_846 = arith.constant dense<true> : vector<1x64xi1>
    %not3A_847 = arith.xori %gt3A_845, %not3A_846 : vector<1x64xi1>
    %and3A_848 = arith.andi %or3A_826, %not3A_847 : vector<1x64xi1>
    %convert_element_type3A_849 = arith.extui %and3A_848 : vector<1x64xi1> to vector<1x64xi32>
    %convert_element_type3A_850 = arith.sitofp %convert_element_type3A_849 : vector<1x64xi32> to vector<1x64xf32>
    %slice3A_851 = vector.extract_strided_slice %neg3A_581 {offsets = [6, 0], sizes = [1, 64], strides = [1, 1]} : vector<9x64xf32> to vector<1x64xf32>
    %mul3A_852 = arith.mulf %slice3A_851, %convert_element_type3A_850 : vector<1x64xf32>
    %reduce_sum3A_853 = vector.shape_cast %mul3A_852 : vector<1x64xf32> to vector<1x1x64xf32>
    %reduce_sum3A_854 = arith.constant dense<0.000000e+00> : vector<1xf32>
    %reduce_sum3A_855 = vector.multi_reduction <add>, %reduce_sum3A_853, %reduce_sum3A_854 [1, 2] : vector<1x1x64xf32> to vector<1xf32>
    %reduce_sum3A_856 = vector.shape_cast %reduce_sum3A_855 : vector<1xf32> to vector<1x1x1xf32>
    %reduce_sum3A_857 = vector.extract %reduce_sum3A_856[0, 0, 0] : f32 from vector<1x1x1xf32>
    %add3A_858 = arith.addf %add3A_818, %reduce_sum3A_857 : f32
    %eq3A_859 = arith.constant 7.000000e+00 : f32
    %eq3A_860 = vector.broadcast %eq3A_859 : f32 to vector<1x64xf32>
    %eq3A_861 = arith.cmpf oeq, %select_n3A_267, %eq3A_860 : vector<1x64xf32>
    %slice3A_862 = vector.extract_strided_slice %div3A {offsets = [7, 0], sizes = [1, 64], strides = [1, 1]} : vector<9x64xf32> to vector<1x64xf32>
    %gt3A_863 = arith.constant 5.000000e-01 : f32
    %gt3A_864 = vector.broadcast %gt3A_863 : f32 to vector<1x64xf32>
    %gt3A_865 = arith.cmpf ogt, %slice3A_862, %gt3A_864 : vector<1x64xf32>
    %or3A_866 = arith.ori %eq3A_861, %gt3A_865 : vector<1x64xi1>
    %eq3A_867 = arith.constant 7.000000e+00 : f32
    %eq3A_868 = vector.broadcast %eq3A_867 : f32 to vector<64x1xf32>
    %eq3A_869 = arith.cmpf oeq, %select_n3A_454, %eq3A_868 : vector<64x1xf32>
    %slice3A_870 = vector.extract_strided_slice %div3A_397 {offsets = [0, 7], sizes = [64, 1], strides = [1, 1]} : vector<64x9xf32> to vector<64x1xf32>
    %gt3A_871 = arith.constant 5.000000e-01 : f32
    %gt3A_872 = vector.broadcast %gt3A_871 : f32 to vector<64x1xf32>
    %gt3A_873 = arith.cmpf ogt, %slice3A_870, %gt3A_872 : vector<64x1xf32>
    %or3A_874 = arith.ori %eq3A_869, %gt3A_873 : vector<64x1xi1>
    %and3A_875 = arith.andi %eq3A_565, %lt3A : vector<64x64xi1>
    %and3A_876 = vector.broadcast %or3A_874 : vector<64x1xi1> to vector<64x64xi1>
    %and3A_877 = arith.andi %and3A_875, %and3A_876 : vector<64x64xi1>
    %convert_element_type3A_878 = arith.extui %and3A_877 : vector<64x64xi1> to vector<64x64xi32>
    %convert_element_type3A_879 = arith.sitofp %convert_element_type3A_878 : vector<64x64xi32> to vector<64x64xf32>
    %reduce_sum3A_880 = arith.constant dense<0.000000e+00> : vector<64xf32>
    %reduce_sum3A_881 = vector.multi_reduction <add>, %convert_element_type3A_879, %reduce_sum3A_880 [0] : vector<64x64xf32> to vector<64xf32>
    %broadcast_in_dim3A_882 = vector.shape_cast %reduce_sum3A_881 : vector<64xf32> to vector<1x64xf32>
    %gt3A_883 = arith.constant 0.000000e+00 : f32
    %gt3A_884 = vector.broadcast %gt3A_883 : f32 to vector<1x64xf32>
    %gt3A_885 = arith.cmpf ogt, %broadcast_in_dim3A_882, %gt3A_884 : vector<1x64xf32>
    %not3A_886 = arith.constant dense<true> : vector<1x64xi1>
    %not3A_887 = arith.xori %gt3A_885, %not3A_886 : vector<1x64xi1>
    %and3A_888 = arith.andi %or3A_866, %not3A_887 : vector<1x64xi1>
    %convert_element_type3A_889 = arith.extui %and3A_888 : vector<1x64xi1> to vector<1x64xi32>
    %convert_element_type3A_890 = arith.sitofp %convert_element_type3A_889 : vector<1x64xi32> to vector<1x64xf32>
    %slice3A_891 = vector.extract_strided_slice %neg3A_581 {offsets = [7, 0], sizes = [1, 64], strides = [1, 1]} : vector<9x64xf32> to vector<1x64xf32>
    %mul3A_892 = arith.mulf %slice3A_891, %convert_element_type3A_890 : vector<1x64xf32>
    %reduce_sum3A_893 = vector.shape_cast %mul3A_892 : vector<1x64xf32> to vector<1x1x64xf32>
    %reduce_sum3A_894 = arith.constant dense<0.000000e+00> : vector<1xf32>
    %reduce_sum3A_895 = vector.multi_reduction <add>, %reduce_sum3A_893, %reduce_sum3A_894 [1, 2] : vector<1x1x64xf32> to vector<1xf32>
    %reduce_sum3A_896 = vector.shape_cast %reduce_sum3A_895 : vector<1xf32> to vector<1x1x1xf32>
    %reduce_sum3A_897 = vector.extract %reduce_sum3A_896[0, 0, 0] : f32 from vector<1x1x1xf32>
    %add3A_898 = arith.addf %add3A_858, %reduce_sum3A_897 : f32
    %eq3A_899 = arith.constant 8.000000e+00 : f32
    %eq3A_900 = vector.broadcast %eq3A_899 : f32 to vector<1x64xf32>
    %eq3A_901 = arith.cmpf oeq, %select_n3A_267, %eq3A_900 : vector<1x64xf32>
    %slice3A_902 = vector.extract_strided_slice %div3A {offsets = [8, 0], sizes = [1, 64], strides = [1, 1]} : vector<9x64xf32> to vector<1x64xf32>
    %gt3A_903 = arith.constant 5.000000e-01 : f32
    %gt3A_904 = vector.broadcast %gt3A_903 : f32 to vector<1x64xf32>
    %gt3A_905 = arith.cmpf ogt, %slice3A_902, %gt3A_904 : vector<1x64xf32>
    %or3A_906 = arith.ori %eq3A_901, %gt3A_905 : vector<1x64xi1>
    %eq3A_907 = arith.constant 8.000000e+00 : f32
    %eq3A_908 = vector.broadcast %eq3A_907 : f32 to vector<64x1xf32>
    %eq3A_909 = arith.cmpf oeq, %select_n3A_454, %eq3A_908 : vector<64x1xf32>
    %slice3A_910 = vector.extract_strided_slice %div3A_397 {offsets = [0, 8], sizes = [64, 1], strides = [1, 1]} : vector<64x9xf32> to vector<64x1xf32>
    %gt3A_911 = arith.constant 5.000000e-01 : f32
    %gt3A_912 = vector.broadcast %gt3A_911 : f32 to vector<64x1xf32>
    %gt3A_913 = arith.cmpf ogt, %slice3A_910, %gt3A_912 : vector<64x1xf32>
    %or3A_914 = arith.ori %eq3A_909, %gt3A_913 : vector<64x1xi1>
    %and3A_915 = arith.andi %eq3A_565, %lt3A : vector<64x64xi1>
    %and3A_916 = vector.broadcast %or3A_914 : vector<64x1xi1> to vector<64x64xi1>
    %and3A_917 = arith.andi %and3A_915, %and3A_916 : vector<64x64xi1>
    %convert_element_type3A_918 = arith.extui %and3A_917 : vector<64x64xi1> to vector<64x64xi32>
    %convert_element_type3A_919 = arith.sitofp %convert_element_type3A_918 : vector<64x64xi32> to vector<64x64xf32>
    %reduce_sum3A_920 = arith.constant dense<0.000000e+00> : vector<64xf32>
    %reduce_sum3A_921 = vector.multi_reduction <add>, %convert_element_type3A_919, %reduce_sum3A_920 [0] : vector<64x64xf32> to vector<64xf32>
    %broadcast_in_dim3A_922 = vector.shape_cast %reduce_sum3A_921 : vector<64xf32> to vector<1x64xf32>
    %gt3A_923 = arith.constant 0.000000e+00 : f32
    %gt3A_924 = vector.broadcast %gt3A_923 : f32 to vector<1x64xf32>
    %gt3A_925 = arith.cmpf ogt, %broadcast_in_dim3A_922, %gt3A_924 : vector<1x64xf32>
    %not3A_926 = arith.constant dense<true> : vector<1x64xi1>
    %not3A_927 = arith.xori %gt3A_925, %not3A_926 : vector<1x64xi1>
    %and3A_928 = arith.andi %or3A_906, %not3A_927 : vector<1x64xi1>
    %convert_element_type3A_929 = arith.extui %and3A_928 : vector<1x64xi1> to vector<1x64xi32>
    %convert_element_type3A_930 = arith.sitofp %convert_element_type3A_929 : vector<1x64xi32> to vector<1x64xf32>
    %slice3A_931 = vector.extract_strided_slice %neg3A_581 {offsets = [8, 0], sizes = [1, 64], strides = [1, 1]} : vector<9x64xf32> to vector<1x64xf32>
    %mul3A_932 = arith.mulf %slice3A_931, %convert_element_type3A_930 : vector<1x64xf32>
    %reduce_sum3A_933 = vector.shape_cast %mul3A_932 : vector<1x64xf32> to vector<1x1x64xf32>
    %reduce_sum3A_934 = arith.constant dense<0.000000e+00> : vector<1xf32>
    %reduce_sum3A_935 = vector.multi_reduction <add>, %reduce_sum3A_933, %reduce_sum3A_934 [1, 2] : vector<1x1x64xf32> to vector<1xf32>
    %reduce_sum3A_936 = vector.shape_cast %reduce_sum3A_935 : vector<1xf32> to vector<1x1x1xf32>
    %reduce_sum3A_937 = vector.extract %reduce_sum3A_936[0, 0, 0] : f32 from vector<1x1x1xf32>
    %add3A_938 = arith.addf %add3A_898, %reduce_sum3A_937 : f32
    %eq3A_939 = vector.broadcast %select_n3A_454 : vector<64x1xf32> to vector<64x64xf32>
    %eq3A_940 = vector.broadcast %select_n3A_267 : vector<1x64xf32> to vector<64x64xf32>
    %eq3A_941 = arith.cmpf oeq, %eq3A_939, %eq3A_940 : vector<64x64xf32>
    %and3A_942 = arith.andi %eq3A_565, %gt3A_562 : vector<64x64xi1>
    %and3A_943 = arith.andi %and3A_942, %eq3A_941 : vector<64x64xi1>
    %convert_element_type3A_944 = arith.extui %and3A_943 : vector<64x64xi1> to vector<64x64xi32>
    %convert_element_type3A_945 = arith.sitofp %convert_element_type3A_944 : vector<64x64xi32> to vector<64x64xf32>
    %reduce_sum3A_946 = arith.constant dense<0.000000e+00> : vector<64xf32>
    %reduce_sum3A_947 = vector.multi_reduction <add>, %convert_element_type3A_945, %reduce_sum3A_946 [0] : vector<64x64xf32> to vector<64xf32>
    %broadcast_in_dim3A_948 = vector.shape_cast %reduce_sum3A_947 : vector<64xf32> to vector<1x64xf32>
    %gt3A_949 = arith.constant 0.000000e+00 : f32
    %gt3A_950 = vector.broadcast %gt3A_949 : f32 to vector<1x64xf32>
    %gt3A_951 = arith.cmpf ogt, %broadcast_in_dim3A_948, %gt3A_950 : vector<1x64xf32>
    %not3A_952 = arith.constant dense<true> : vector<1x64xi1>
    %not3A_953 = arith.xori %gt3A_951, %not3A_952 : vector<1x64xi1>
    %convert_element_type3A_954 = arith.extui %not3A_953 : vector<1x64xi1> to vector<1x64xi32>
    %convert_element_type3A_955 = arith.sitofp %convert_element_type3A_954 : vector<1x64xi32> to vector<1x64xf32>
    %slice3A_956 = vector.extract_strided_slice %transpose3A {offsets = [0, 0], sizes = [1, 64], strides = [1, 1]} : vector<85x64xf32> to vector<1x64xf32>
    %logistic3A_957 = arith.negf %slice3A_956 : vector<1x64xf32>
    %logistic3A_958 = math.exp %logistic3A_957 : vector<1x64xf32>
    %logistic3A_959 = arith.constant 1.000000e+00 : f32
    %logistic3A_960 = vector.broadcast %logistic3A_959 : f32 to vector<1x64xf32>
    %logistic3A_961 = arith.addf %logistic3A_960, %logistic3A_958 : vector<1x64xf32>
    %logistic3A_962 = arith.divf %logistic3A_960, %logistic3A_961 : vector<1x64xf32>
    %slice3A_963 = vector.extract_strided_slice %transpose3A {offsets = [1, 0], sizes = [1, 64], strides = [1, 1]} : vector<85x64xf32> to vector<1x64xf32>
    %logistic3A_964 = arith.negf %slice3A_963 : vector<1x64xf32>
    %logistic3A_965 = math.exp %logistic3A_964 : vector<1x64xf32>
    %logistic3A_966 = arith.constant 1.000000e+00 : f32
    %logistic3A_967 = vector.broadcast %logistic3A_966 : f32 to vector<1x64xf32>
    %logistic3A_968 = arith.addf %logistic3A_967, %logistic3A_965 : vector<1x64xf32>
    %logistic3A_969 = arith.divf %logistic3A_967, %logistic3A_968 : vector<1x64xf32>
    %slice3A_970 = vector.extract_strided_slice %transpose3A {offsets = [2, 0], sizes = [1, 64], strides = [1, 1]} : vector<85x64xf32> to vector<1x64xf32>
    %slice3A_971 = vector.extract_strided_slice %transpose3A {offsets = [3, 0], sizes = [1, 64], strides = [1, 1]} : vector<85x64xf32> to vector<1x64xf32>
    %slice3A_972 = vector.extract_strided_slice %transpose3A {offsets = [4, 0], sizes = [1, 64], strides = [1, 1]} : vector<85x64xf32> to vector<1x64xf32>
    %logistic3A_973 = arith.negf %slice3A_972 : vector<1x64xf32>
    %logistic3A_974 = math.exp %logistic3A_973 : vector<1x64xf32>
    %logistic3A_975 = arith.constant 1.000000e+00 : f32
    %logistic3A_976 = vector.broadcast %logistic3A_975 : f32 to vector<1x64xf32>
    %logistic3A_977 = arith.addf %logistic3A_976, %logistic3A_974 : vector<1x64xf32>
    %logistic3A_978 = arith.divf %logistic3A_976, %logistic3A_977 : vector<1x64xf32>
    %jit3A_979 = arith.constant 1.000000e-07 : f32
    %jit3A_980 = arith.constant 0.99999988 : f32
    %max3A_981 = vector.broadcast %jit3A_979 : f32 to vector<1x64xf32>
    %max3A_982 = arith.maximumf %max3A_981, %logistic3A_978 : vector<1x64xf32>
    %min3A_983 = vector.broadcast %jit3A_980 : f32 to vector<1x64xf32>
    %min3A_984 = arith.minimumf %min3A_983, %max3A_982 : vector<1x64xf32>
    %log3A_985 = math.log %min3A_984 : vector<1x64xf32>
    %neg3A_986 = arith.constant 0.000000e+00 : f32
    %neg3A_987 = vector.broadcast %neg3A_986 : f32 to vector<1x64xf32>
    %neg3A_988 = arith.subf %neg3A_987, %log3A_985 : vector<1x64xf32>
    %broadcast_in_dim3A_989 = arith.constant 0.000000e+00 : f32
    %broadcast_in_dim3A_990 = vector.broadcast %broadcast_in_dim3A_989 : f32 to vector<1x64xf32>
    %broadcast_in_dim3A_991 = arith.constant 0.000000e+00 : f32
    %broadcast_in_dim3A_992 = vector.broadcast %broadcast_in_dim3A_991 : f32 to vector<1x64xf32>
    %eq3A_993 = arith.constant 0.000000e+00 : f32
    %eq3A_994 = vector.broadcast %eq3A_993 : f32 to vector<1x64xf32>
    %eq3A_995 = arith.cmpf oeq, %select_n3A_267, %eq3A_994 : vector<1x64xf32>
    %jit3A_996 = arith.constant 1.250000e+00 : f32
    %broadcast_in_dim3A_997 = vector.broadcast %jit3A_996 : f32 to vector<1x64xf32>
    %select_n3A_998 = arith.select %eq3A_995, %broadcast_in_dim3A_997, %broadcast_in_dim3A_990 : vector<1x64xi1>, vector<1x64xf32>
    %eq3A_999 = arith.constant 0.000000e+00 : f32
    %eq3A_1000 = vector.broadcast %eq3A_999 : f32 to vector<1x64xf32>
    %eq3A_1001 = arith.cmpf oeq, %select_n3A_267, %eq3A_1000 : vector<1x64xf32>
    %jit3A_1002 = arith.constant 1.625000e+00 : f32
    %broadcast_in_dim3A_1003 = vector.broadcast %jit3A_1002 : f32 to vector<1x64xf32>
    %select_n3A_1004 = arith.select %eq3A_1001, %broadcast_in_dim3A_1003, %broadcast_in_dim3A_992 : vector<1x64xi1>, vector<1x64xf32>
    %eq3A_1005 = arith.constant 1.000000e+00 : f32
    %eq3A_1006 = vector.broadcast %eq3A_1005 : f32 to vector<1x64xf32>
    %eq3A_1007 = arith.cmpf oeq, %select_n3A_267, %eq3A_1006 : vector<1x64xf32>
    %jit3A_1008 = arith.constant 2.000000e+00 : f32
    %broadcast_in_dim3A_1009 = vector.broadcast %jit3A_1008 : f32 to vector<1x64xf32>
    %select_n3A_1010 = arith.select %eq3A_1007, %broadcast_in_dim3A_1009, %select_n3A_998 : vector<1x64xi1>, vector<1x64xf32>
    %eq3A_1011 = arith.constant 1.000000e+00 : f32
    %eq3A_1012 = vector.broadcast %eq3A_1011 : f32 to vector<1x64xf32>
    %eq3A_1013 = arith.cmpf oeq, %select_n3A_267, %eq3A_1012 : vector<1x64xf32>
    %jit3A_1014 = arith.constant 3.750000e+00 : f32
    %broadcast_in_dim3A_1015 = vector.broadcast %jit3A_1014 : f32 to vector<1x64xf32>
    %select_n3A_1016 = arith.select %eq3A_1013, %broadcast_in_dim3A_1015, %select_n3A_1004 : vector<1x64xi1>, vector<1x64xf32>
    %eq3A_1017 = arith.constant 2.000000e+00 : f32
    %eq3A_1018 = vector.broadcast %eq3A_1017 : f32 to vector<1x64xf32>
    %eq3A_1019 = arith.cmpf oeq, %select_n3A_267, %eq3A_1018 : vector<1x64xf32>
    %jit3A_1020 = arith.constant 4.125000e+00 : f32
    %broadcast_in_dim3A_1021 = vector.broadcast %jit3A_1020 : f32 to vector<1x64xf32>
    %select_n3A_1022 = arith.select %eq3A_1019, %broadcast_in_dim3A_1021, %select_n3A_1010 : vector<1x64xi1>, vector<1x64xf32>
    %eq3A_1023 = arith.constant 2.000000e+00 : f32
    %eq3A_1024 = vector.broadcast %eq3A_1023 : f32 to vector<1x64xf32>
    %eq3A_1025 = arith.cmpf oeq, %select_n3A_267, %eq3A_1024 : vector<1x64xf32>
    %jit3A_1026 = arith.constant 2.875000e+00 : f32
    %broadcast_in_dim3A_1027 = vector.broadcast %jit3A_1026 : f32 to vector<1x64xf32>
    %select_n3A_1028 = arith.select %eq3A_1025, %broadcast_in_dim3A_1027, %select_n3A_1016 : vector<1x64xi1>, vector<1x64xf32>
    %eq3A_1029 = arith.constant 3.000000e+00 : f32
    %eq3A_1030 = vector.broadcast %eq3A_1029 : f32 to vector<1x64xf32>
    %eq3A_1031 = arith.cmpf oeq, %select_n3A_267, %eq3A_1030 : vector<1x64xf32>
    %jit3A_1032 = arith.constant 3.750000e+00 : f32
    %broadcast_in_dim3A_1033 = vector.broadcast %jit3A_1032 : f32 to vector<1x64xf32>
    %select_n3A_1034 = arith.select %eq3A_1031, %broadcast_in_dim3A_1033, %select_n3A_1022 : vector<1x64xi1>, vector<1x64xf32>
    %eq3A_1035 = arith.constant 3.000000e+00 : f32
    %eq3A_1036 = vector.broadcast %eq3A_1035 : f32 to vector<1x64xf32>
    %eq3A_1037 = arith.cmpf oeq, %select_n3A_267, %eq3A_1036 : vector<1x64xf32>
    %jit3A_1038 = arith.constant 7.625000e+00 : f32
    %broadcast_in_dim3A_1039 = vector.broadcast %jit3A_1038 : f32 to vector<1x64xf32>
    %select_n3A_1040 = arith.select %eq3A_1037, %broadcast_in_dim3A_1039, %select_n3A_1028 : vector<1x64xi1>, vector<1x64xf32>
    %eq3A_1041 = arith.constant 4.000000e+00 : f32
    %eq3A_1042 = vector.broadcast %eq3A_1041 : f32 to vector<1x64xf32>
    %eq3A_1043 = arith.cmpf oeq, %select_n3A_267, %eq3A_1042 : vector<1x64xf32>
    %jit3A_1044 = arith.constant 7.750000e+00 : f32
    %broadcast_in_dim3A_1045 = vector.broadcast %jit3A_1044 : f32 to vector<1x64xf32>
    %select_n3A_1046 = arith.select %eq3A_1043, %broadcast_in_dim3A_1045, %select_n3A_1034 : vector<1x64xi1>, vector<1x64xf32>
    %eq3A_1047 = arith.constant 4.000000e+00 : f32
    %eq3A_1048 = vector.broadcast %eq3A_1047 : f32 to vector<1x64xf32>
    %eq3A_1049 = arith.cmpf oeq, %select_n3A_267, %eq3A_1048 : vector<1x64xf32>
    %jit3A_1050 = arith.constant 5.625000e+00 : f32
    %broadcast_in_dim3A_1051 = vector.broadcast %jit3A_1050 : f32 to vector<1x64xf32>
    %select_n3A_1052 = arith.select %eq3A_1049, %broadcast_in_dim3A_1051, %select_n3A_1040 : vector<1x64xi1>, vector<1x64xf32>
    %eq3A_1053 = arith.constant 5.000000e+00 : f32
    %eq3A_1054 = vector.broadcast %eq3A_1053 : f32 to vector<1x64xf32>
    %eq3A_1055 = arith.cmpf oeq, %select_n3A_267, %eq3A_1054 : vector<1x64xf32>
    %jit3A_1056 = arith.constant 7.375000e+00 : f32
    %broadcast_in_dim3A_1057 = vector.broadcast %jit3A_1056 : f32 to vector<1x64xf32>
    %select_n3A_1058 = arith.select %eq3A_1055, %broadcast_in_dim3A_1057, %select_n3A_1046 : vector<1x64xi1>, vector<1x64xf32>
    %eq3A_1059 = arith.constant 5.000000e+00 : f32
    %eq3A_1060 = vector.broadcast %eq3A_1059 : f32 to vector<1x64xf32>
    %eq3A_1061 = arith.cmpf oeq, %select_n3A_267, %eq3A_1060 : vector<1x64xf32>
    %jit3A_1062 = arith.constant 1.487500e+01 : f32
    %broadcast_in_dim3A_1063 = vector.broadcast %jit3A_1062 : f32 to vector<1x64xf32>
    %select_n3A_1064 = arith.select %eq3A_1061, %broadcast_in_dim3A_1063, %select_n3A_1052 : vector<1x64xi1>, vector<1x64xf32>
    %eq3A_1065 = arith.constant 6.000000e+00 : f32
    %eq3A_1066 = vector.broadcast %eq3A_1065 : f32 to vector<1x64xf32>
    %eq3A_1067 = arith.cmpf oeq, %select_n3A_267, %eq3A_1066 : vector<1x64xf32>
    %jit3A_1068 = arith.constant 1.450000e+01 : f32
    %broadcast_in_dim3A_1069 = vector.broadcast %jit3A_1068 : f32 to vector<1x64xf32>
    %select_n3A_1070 = arith.select %eq3A_1067, %broadcast_in_dim3A_1069, %select_n3A_1058 : vector<1x64xi1>, vector<1x64xf32>
    %eq3A_1071 = arith.constant 6.000000e+00 : f32
    %eq3A_1072 = vector.broadcast %eq3A_1071 : f32 to vector<1x64xf32>
    %eq3A_1073 = arith.cmpf oeq, %select_n3A_267, %eq3A_1072 : vector<1x64xf32>
    %jit3A_1074 = arith.constant 1.125000e+01 : f32
    %broadcast_in_dim3A_1075 = vector.broadcast %jit3A_1074 : f32 to vector<1x64xf32>
    %select_n3A_1076 = arith.select %eq3A_1073, %broadcast_in_dim3A_1075, %select_n3A_1064 : vector<1x64xi1>, vector<1x64xf32>
    %eq3A_1077 = arith.constant 7.000000e+00 : f32
    %eq3A_1078 = vector.broadcast %eq3A_1077 : f32 to vector<1x64xf32>
    %eq3A_1079 = arith.cmpf oeq, %select_n3A_267, %eq3A_1078 : vector<1x64xf32>
    %jit3A_1080 = arith.constant 1.950000e+01 : f32
    %broadcast_in_dim3A_1081 = vector.broadcast %jit3A_1080 : f32 to vector<1x64xf32>
    %select_n3A_1082 = arith.select %eq3A_1079, %broadcast_in_dim3A_1081, %select_n3A_1070 : vector<1x64xi1>, vector<1x64xf32>
    %eq3A_1083 = arith.constant 7.000000e+00 : f32
    %eq3A_1084 = vector.broadcast %eq3A_1083 : f32 to vector<1x64xf32>
    %eq3A_1085 = arith.cmpf oeq, %select_n3A_267, %eq3A_1084 : vector<1x64xf32>
    %jit3A_1086 = arith.constant 2.475000e+01 : f32
    %broadcast_in_dim3A_1087 = vector.broadcast %jit3A_1086 : f32 to vector<1x64xf32>
    %select_n3A_1088 = arith.select %eq3A_1085, %broadcast_in_dim3A_1087, %select_n3A_1076 : vector<1x64xi1>, vector<1x64xf32>
    %eq3A_1089 = arith.constant 8.000000e+00 : f32
    %eq3A_1090 = vector.broadcast %eq3A_1089 : f32 to vector<1x64xf32>
    %eq3A_1091 = arith.cmpf oeq, %select_n3A_267, %eq3A_1090 : vector<1x64xf32>
    %jit3A_1092 = arith.constant 4.662500e+01 : f32
    %broadcast_in_dim3A_1093 = vector.broadcast %jit3A_1092 : f32 to vector<1x64xf32>
    %select_n3A_1094 = arith.select %eq3A_1091, %broadcast_in_dim3A_1093, %select_n3A_1082 : vector<1x64xi1>, vector<1x64xf32>
    %eq3A_1095 = arith.constant 8.000000e+00 : f32
    %eq3A_1096 = vector.broadcast %eq3A_1095 : f32 to vector<1x64xf32>
    %eq3A_1097 = arith.cmpf oeq, %select_n3A_267, %eq3A_1096 : vector<1x64xf32>
    %jit3A_1098 = arith.constant 4.075000e+01 : f32
    %broadcast_in_dim3A_1099 = vector.broadcast %jit3A_1098 : f32 to vector<1x64xf32>
    %select_n3A_1100 = arith.select %eq3A_1097, %broadcast_in_dim3A_1099, %select_n3A_1088 : vector<1x64xi1>, vector<1x64xf32>
    %floor3A_1101 = math.floor %mul3A_9 : vector<1x64xf32>
    %sub3A_1102 = arith.subf %mul3A_9, %floor3A_1101 : vector<1x64xf32>
    %floor3A_1103 = math.floor %mul3A_15 : vector<1x64xf32>
    %sub3A_1104 = arith.subf %mul3A_15, %floor3A_1103 : vector<1x64xf32>
    %div3A_1105 = arith.divf %mul3A_21, %select_n3A_1094 : vector<1x64xf32>
    %add3A_1106 = arith.constant 1.000000e-16 : f32
    %add3A_1107 = vector.broadcast %add3A_1106 : f32 to vector<1x64xf32>
    %add3A_1108 = arith.addf %div3A_1105, %add3A_1107 : vector<1x64xf32>
    %log3A_1109 = math.log %add3A_1108 : vector<1x64xf32>
    %div3A_1110 = arith.divf %mul3A_27, %select_n3A_1100 : vector<1x64xf32>
    %add3A_1111 = arith.constant 1.000000e-16 : f32
    %add3A_1112 = vector.broadcast %add3A_1111 : f32 to vector<1x64xf32>
    %add3A_1113 = arith.addf %div3A_1110, %add3A_1112 : vector<1x64xf32>
    %log3A_1114 = math.log %add3A_1113 : vector<1x64xf32>
    %sub3A_1115 = arith.subf %logistic3A_962, %sub3A_1102 : vector<1x64xf32>
    %integer_pow3A = arith.mulf %sub3A_1115, %sub3A_1115 : vector<1x64xf32>
    %sub3A_1116 = arith.subf %logistic3A_969, %sub3A_1104 : vector<1x64xf32>
    %integer_pow3A_1117 = arith.mulf %sub3A_1116, %sub3A_1116 : vector<1x64xf32>
    %add3A_1118 = arith.addf %integer_pow3A, %integer_pow3A_1117 : vector<1x64xf32>
    %sub3A_1119 = arith.subf %slice3A_970, %log3A_1109 : vector<1x64xf32>
    %integer_pow3A_1120 = arith.mulf %sub3A_1119, %sub3A_1119 : vector<1x64xf32>
    %add3A_1121 = arith.addf %add3A_1118, %integer_pow3A_1120 : vector<1x64xf32>
    %sub3A_1122 = arith.subf %slice3A_971, %log3A_1114 : vector<1x64xf32>
    %integer_pow3A_1123 = arith.mulf %sub3A_1122, %sub3A_1122 : vector<1x64xf32>
    %add3A_1124 = arith.addf %add3A_1121, %integer_pow3A_1123 : vector<1x64xf32>
    %slice3A_1125 = vector.extract_strided_slice %transpose3A {offsets = [5, 0], sizes = [80, 64], strides = [1, 1]} : vector<85x64xf32> to vector<80x64xf32>
    %logistic3A_1126 = arith.negf %slice3A_1125 : vector<80x64xf32>
    %logistic3A_1127 = math.exp %logistic3A_1126 : vector<80x64xf32>
    %logistic3A_1128 = arith.constant 1.000000e+00 : f32
    %logistic3A_1129 = vector.broadcast %logistic3A_1128 : f32 to vector<80x64xf32>
    %logistic3A_1130 = arith.addf %logistic3A_1129, %logistic3A_1127 : vector<80x64xf32>
    %logistic3A_1131 = arith.divf %logistic3A_1129, %logistic3A_1130 : vector<80x64xf32>
    %jit3A_1132 = arith.constant 1.000000e-07 : f32
    %jit3A_1133 = arith.constant 0.99999988 : f32
    %max3A_1134 = vector.broadcast %jit3A_1132 : f32 to vector<80x64xf32>
    %max3A_1135 = arith.maximumf %max3A_1134, %logistic3A_1131 : vector<80x64xf32>
    %min3A_1136 = vector.broadcast %jit3A_1133 : f32 to vector<80x64xf32>
    %min3A_1137 = arith.minimumf %min3A_1136, %max3A_1135 : vector<80x64xf32>
    %sub3A_1138 = arith.constant 1.000000e+00 : f32
    %sub3A_1139 = vector.broadcast %sub3A_1138 : f32 to vector<80x64xf32>
    %sub3A_1140 = arith.subf %sub3A_1139, %min3A_1137 : vector<80x64xf32>
    %log3A_1141 = math.log %sub3A_1140 : vector<80x64xf32>
    %neg3A_1142 = arith.constant 0.000000e+00 : f32
    %neg3A_1143 = vector.broadcast %neg3A_1142 : f32 to vector<80x64xf32>
    %neg3A_1144 = arith.subf %neg3A_1143, %log3A_1141 : vector<80x64xf32>
    %reduce_sum3A_1145 = arith.constant dense<0.000000e+00> : vector<64xf32>
    %reduce_sum3A_1146 = vector.multi_reduction <add>, %neg3A_1144, %reduce_sum3A_1145 [0] : vector<80x64xf32> to vector<64xf32>
    %broadcast_in_dim3A_1147 = vector.shape_cast %reduce_sum3A_1146 : vector<64xf32> to vector<1x64xf32>
    %iota3A_1148 = tpu.iota {dimensions = array<i32: 0>} : vector<80x64xi32>
    %convert_element_type3A_1149 = arith.fptosi %get3A_4 : vector<1x64xf32> to vector<1x64xi32>
    %broadcast_in_dim3A_1150 = vector.shape_cast %convert_element_type3A_1149 : vector<1x64xi32> to vector<1x64xi32>
    %broadcast_in_dim3A_1151 = vector.broadcast %broadcast_in_dim3A_1150 : vector<1x64xi32> to vector<80x64xi32>
    %eq3A_1152 = arith.cmpi eq, %iota3A_1148, %broadcast_in_dim3A_1151 : vector<80x64xi32>
    %convert_element_type3A_1153 = arith.extui %eq3A_1152 : vector<80x64xi1> to vector<80x64xi32>
    %convert_element_type3A_1154 = arith.sitofp %convert_element_type3A_1153 : vector<80x64xi32> to vector<80x64xf32>
    %mul3A_1155 = arith.mulf %min3A_1137, %convert_element_type3A_1154 : vector<80x64xf32>
    %reduce_sum3A_1156 = arith.constant dense<0.000000e+00> : vector<64xf32>
    %reduce_sum3A_1157 = vector.multi_reduction <add>, %mul3A_1155, %reduce_sum3A_1156 [0] : vector<80x64xf32> to vector<64xf32>
    %broadcast_in_dim3A_1158 = vector.shape_cast %reduce_sum3A_1157 : vector<64xf32> to vector<1x64xf32>
    %jit3A_1159 = arith.constant 1.000000e-07 : f32
    %jit3A_1160 = arith.constant 0.99999988 : f32
    %max3A_1161 = vector.broadcast %jit3A_1159 : f32 to vector<1x64xf32>
    %max3A_1162 = arith.maximumf %max3A_1161, %broadcast_in_dim3A_1158 : vector<1x64xf32>
    %min3A_1163 = vector.broadcast %jit3A_1160 : f32 to vector<1x64xf32>
    %min3A_1164 = arith.minimumf %min3A_1163, %max3A_1162 : vector<1x64xf32>
    %eq3A_1165 = vector.broadcast %get3A_46 : vector<64x1xf32> to vector<64x64xf32>
    %eq3A_1166 = vector.broadcast %get3A_4 : vector<1x64xf32> to vector<64x64xf32>
    %eq3A_1167 = arith.cmpf oeq, %eq3A_1165, %eq3A_1166 : vector<64x64xf32>
    %and3A_1168 = arith.andi %eq3A_565, %lt3A : vector<64x64xi1>
    %and3A_1169 = arith.andi %and3A_1168, %eq3A_941 : vector<64x64xi1>
    %and3A_1170 = arith.andi %and3A_1169, %eq3A_1167 : vector<64x64xi1>
    %convert_element_type3A_1171 = arith.extui %and3A_1170 : vector<64x64xi1> to vector<64x64xi32>
    %convert_element_type3A_1172 = arith.sitofp %convert_element_type3A_1171 : vector<64x64xi32> to vector<64x64xf32>
    %reduce_sum3A_1173 = arith.constant dense<0.000000e+00> : vector<64xf32>
    %reduce_sum3A_1174 = vector.multi_reduction <add>, %convert_element_type3A_1172, %reduce_sum3A_1173 [0] : vector<64x64xf32> to vector<64xf32>
    %broadcast_in_dim3A_1175 = vector.shape_cast %reduce_sum3A_1174 : vector<64xf32> to vector<1x64xf32>
    %gt3A_1176 = arith.constant 0.000000e+00 : f32
    %gt3A_1177 = vector.broadcast %gt3A_1176 : f32 to vector<1x64xf32>
    %gt3A_1178 = arith.cmpf ogt, %broadcast_in_dim3A_1175, %gt3A_1177 : vector<1x64xf32>
    %not3A_1179 = arith.constant dense<true> : vector<1x64xi1>
    %not3A_1180 = arith.xori %gt3A_1178, %not3A_1179 : vector<1x64xi1>
    %convert_element_type3A_1181 = arith.extui %not3A_1180 : vector<1x64xi1> to vector<1x64xi32>
    %convert_element_type3A_1182 = arith.sitofp %convert_element_type3A_1181 : vector<1x64xi32> to vector<1x64xf32>
    %mul3A_1183 = arith.constant 1.000000e+00 : f32
    %mul3A_1184 = vector.broadcast %mul3A_1183 : f32 to vector<1x64xf32>
    %mul3A_1185 = arith.mulf %mul3A_1184, %neg3A_988 : vector<1x64xf32>
    %add3A_1186 = arith.addf %add3A_1124, %mul3A_1185 : vector<1x64xf32>
    %add3A_1187 = arith.addf %add3A_1186, %broadcast_in_dim3A_1147 : vector<1x64xf32>
    %mul3A_1188 = arith.mulf %convert_element_type3A_955, %add3A_1187 : vector<1x64xf32>
    %reduce_sum3A_1189 = vector.shape_cast %mul3A_1188 : vector<1x64xf32> to vector<1x1x64xf32>
    %reduce_sum3A_1190 = arith.constant dense<0.000000e+00> : vector<1xf32>
    %reduce_sum3A_1191 = vector.multi_reduction <add>, %reduce_sum3A_1189, %reduce_sum3A_1190 [1, 2] : vector<1x1x64xf32> to vector<1xf32>
    %reduce_sum3A_1192 = vector.shape_cast %reduce_sum3A_1191 : vector<1xf32> to vector<1x1x1xf32>
    %reduce_sum3A_1193 = vector.extract %reduce_sum3A_1192[0, 0, 0] : f32 from vector<1x1x1xf32>
    %log3A_1194 = math.log %min3A_1164 : vector<1x64xf32>
    %neg3A_1195 = arith.constant 0.000000e+00 : f32
    %neg3A_1196 = vector.broadcast %neg3A_1195 : f32 to vector<1x64xf32>
    %neg3A_1197 = arith.subf %neg3A_1196, %log3A_1194 : vector<1x64xf32>
    %sub3A_1198 = arith.constant 1.000000e+00 : f32
    %sub3A_1199 = vector.broadcast %sub3A_1198 : f32 to vector<1x64xf32>
    %sub3A_1200 = arith.subf %sub3A_1199, %min3A_1164 : vector<1x64xf32>
    %log3A_1201 = math.log %sub3A_1200 : vector<1x64xf32>
    %add3A_1202 = arith.addf %neg3A_1197, %log3A_1201 : vector<1x64xf32>
    %mul3A_1203 = arith.mulf %convert_element_type3A_1182, %add3A_1202 : vector<1x64xf32>
    %reduce_sum3A_1204 = vector.shape_cast %mul3A_1203 : vector<1x64xf32> to vector<1x1x64xf32>
    %reduce_sum3A_1205 = arith.constant dense<0.000000e+00> : vector<1xf32>
    %reduce_sum3A_1206 = vector.multi_reduction <add>, %reduce_sum3A_1204, %reduce_sum3A_1205 [1, 2] : vector<1x1x64xf32> to vector<1xf32>
    %reduce_sum3A_1207 = vector.shape_cast %reduce_sum3A_1206 : vector<1xf32> to vector<1x1x1xf32>
    %reduce_sum3A_1208 = vector.extract %reduce_sum3A_1207[0, 0, 0] : f32 from vector<1x1x1xf32>
    %add3A_1209 = arith.addf %reduce_sum3A_1193, %reduce_sum3A_1208 : f32
    %mul3A_1210 = arith.constant 1.000000e+02 : f32
    %mul3A_1211 = arith.mulf %mul3A_1210, %add3A_938 : f32
    %sub3A_1212 = arith.subf %add3A_1209, %mul3A_1211 : f32
    %swap3A = arith.constant 0 : index
    %swap3A_1213 = arith.constant 0 : index
    %swap3A_1214 = memref.load %arg3[%swap3A, %swap3A_1213] : memref<1x1xf32, #tpu.memory_space<smem>>
    memref.store %sub3A_1212, %arg3[%swap3A, %swap3A_1213] : memref<1x1xf32, #tpu.memory_space<smem>>
    return
  }
}

module attributes {stable_mosaic.version = 14 : i64} {
  func.func @_body_a(%arg0: i32, %arg1: memref<1x16x2704xf32, #tpu.memory_space<vmem>>, %arg2: memref<1x16x2704xf32, #tpu.memory_space<vmem>>, %arg3: memref<1x16x2704xf32, #tpu.memory_space<vmem>>, %arg4: memref<1x16x2704xf32, #tpu.memory_space<vmem>>, %arg5: memref<1x16x2704xf32, #tpu.memory_space<vmem>>, %arg6: memref<1x16x2704xf32, #tpu.memory_space<vmem>>, %arg7: memref<1x16x2704xf32, #tpu.memory_space<vmem>>, %arg8: memref<1x16x2704xf32, #tpu.memory_space<vmem>>, %arg9: memref<1x16x2704xf32, #tpu.memory_space<vmem>>, %arg10: memref<1x16x24336xf32, #tpu.memory_space<vmem>>, %arg11: memref<1x1xf32, #tpu.memory_space<smem>>) attributes {dimension_semantics = [#tpu.dimension_semantics<arbitrary>], iteration_bounds = array<i64: 85>, scalar_prefetch = 0 : i64, scratch_operands = 0 : i64, tpu.core_type = #tpu.core_type<tc>, window_params = [{transform_indices = @transform_0, window_bounds = array<i64: 1, 16, 2704>}, {transform_indices = @transform_1, window_bounds = array<i64: 1, 16, 2704>}, {transform_indices = @transform_2, window_bounds = array<i64: 1, 16, 2704>}, {transform_indices = @transform_3, window_bounds = array<i64: 1, 16, 2704>}, {transform_indices = @transform_4, window_bounds = array<i64: 1, 16, 2704>}, {transform_indices = @transform_5, window_bounds = array<i64: 1, 16, 2704>}, {transform_indices = @transform_6, window_bounds = array<i64: 1, 16, 2704>}, {transform_indices = @transform_7, window_bounds = array<i64: 1, 16, 2704>}, {transform_indices = @transform_8, window_bounds = array<i64: 1, 16, 2704>}, {transform_indices = @transform_9, window_bounds = array<i64: 1, 16, 24336>}, {transform_indices = @transform_10, window_bounds = array<i64: 1, 1>}]} {
    %iota3A = tpu.iota {dimensions = array<i32: 1>} : vector<1x2704xi32>
    %get3A = arith.constant 0 : index
    %get3A_0 = arith.constant 0 : index
    %get3A_1 = arith.constant 0 : index
    %get3A_2 = vector.load %arg1[%get3A, %get3A_0, %get3A_1] : memref<1x16x2704xf32, #tpu.memory_space<vmem>>, vector<1x16x2704xf32>
    %get3A_3 = vector.shape_cast %get3A_2 : vector<1x16x2704xf32> to vector<16x2704xf32>
    %get3A_4 = arith.constant 0 : index
    %get3A_5 = arith.constant 0 : index
    %get3A_6 = arith.constant 0 : index
    %get3A_7 = vector.load %arg2[%get3A_4, %get3A_5, %get3A_6] : memref<1x16x2704xf32, #tpu.memory_space<vmem>>, vector<1x16x2704xf32>
    %get3A_8 = vector.shape_cast %get3A_7 : vector<1x16x2704xf32> to vector<16x2704xf32>
    %get3A_9 = arith.constant 0 : index
    %get3A_10 = arith.constant 0 : index
    %get3A_11 = arith.constant 0 : index
    %get3A_12 = vector.load %arg3[%get3A_9, %get3A_10, %get3A_11] : memref<1x16x2704xf32, #tpu.memory_space<vmem>>, vector<1x16x2704xf32>
    %get3A_13 = vector.shape_cast %get3A_12 : vector<1x16x2704xf32> to vector<16x2704xf32>
    %get3A_14 = arith.constant 0 : index
    %get3A_15 = arith.constant 0 : index
    %get3A_16 = arith.constant 0 : index
    %get3A_17 = vector.load %arg4[%get3A_14, %get3A_15, %get3A_16] : memref<1x16x2704xf32, #tpu.memory_space<vmem>>, vector<1x16x2704xf32>
    %get3A_18 = vector.shape_cast %get3A_17 : vector<1x16x2704xf32> to vector<16x2704xf32>
    %get3A_19 = arith.constant 0 : index
    %get3A_20 = arith.constant 0 : index
    %get3A_21 = arith.constant 0 : index
    %get3A_22 = vector.load %arg5[%get3A_19, %get3A_20, %get3A_21] : memref<1x16x2704xf32, #tpu.memory_space<vmem>>, vector<1x16x2704xf32>
    %get3A_23 = vector.shape_cast %get3A_22 : vector<1x16x2704xf32> to vector<16x2704xf32>
    %get3A_24 = arith.constant 0 : index
    %get3A_25 = arith.constant 0 : index
    %get3A_26 = arith.constant 0 : index
    %get3A_27 = vector.load %arg6[%get3A_24, %get3A_25, %get3A_26] : memref<1x16x2704xf32, #tpu.memory_space<vmem>>, vector<1x16x2704xf32>
    %get3A_28 = vector.shape_cast %get3A_27 : vector<1x16x2704xf32> to vector<16x2704xf32>
    %get3A_29 = arith.constant 0 : index
    %get3A_30 = arith.constant 0 : index
    %get3A_31 = arith.constant 0 : index
    %get3A_32 = vector.load %arg7[%get3A_29, %get3A_30, %get3A_31] : memref<1x16x2704xf32, #tpu.memory_space<vmem>>, vector<1x16x2704xf32>
    %get3A_33 = vector.shape_cast %get3A_32 : vector<1x16x2704xf32> to vector<16x2704xf32>
    %get3A_34 = arith.constant 0 : index
    %get3A_35 = arith.constant 0 : index
    %get3A_36 = arith.constant 0 : index
    %get3A_37 = vector.load %arg8[%get3A_34, %get3A_35, %get3A_36] : memref<1x16x2704xf32, #tpu.memory_space<vmem>>, vector<1x16x2704xf32>
    %get3A_38 = vector.shape_cast %get3A_37 : vector<1x16x2704xf32> to vector<16x2704xf32>
    %get3A_39 = arith.constant 0 : index
    %get3A_40 = arith.constant 0 : index
    %get3A_41 = arith.constant 0 : index
    %get3A_42 = vector.load %arg9[%get3A_39, %get3A_40, %get3A_41] : memref<1x16x2704xf32, #tpu.memory_space<vmem>>, vector<1x16x2704xf32>
    %get3A_43 = vector.shape_cast %get3A_42 : vector<1x16x2704xf32> to vector<16x2704xf32>
    %eq3A = arith.constant 0 : i32
    %eq3A_44 = arith.cmpi eq, %arg0, %eq3A : i32
    %convert_element_type3A = arith.extui %eq3A_44 : i1 to i32
    %cond3A = arith.constant 0 : i32
    %cond3A_45 = arith.cmpi ne, %convert_element_type3A, %cond3A : i32
    scf.if %cond3A_45 {
      %jit3A = arith.constant 52 : i32
      %div3A = vector.broadcast %jit3A : i32 to vector<1x2704xi32>
      %div3A_70 = arith.divsi %iota3A, %div3A : vector<1x2704xi32>
      %sign3A = arith.constant 0 : i32
      %sign3A_71 = vector.broadcast %sign3A : i32 to vector<1x2704xi32>
      %sign3A_72 = arith.cmpi sgt, %iota3A, %sign3A_71 : vector<1x2704xi32>
      %sign3A_73 = arith.extui %sign3A_72 : vector<1x2704xi1> to vector<1x2704xi32>
      %sign3A_74 = arith.constant 0 : i32
      %sign3A_75 = vector.broadcast %sign3A_74 : i32 to vector<1x2704xi32>
      %sign3A_76 = arith.cmpi slt, %iota3A, %sign3A_75 : vector<1x2704xi32>
      %sign3A_77 = arith.extui %sign3A_76 : vector<1x2704xi1> to vector<1x2704xi32>
      %sign3A_78 = arith.subi %sign3A_73, %sign3A_77 : vector<1x2704xi32>
      %sign3A_79 = arith.constant 0 : i32
      %sign3A_80 = arith.cmpi sgt, %jit3A, %sign3A_79 : i32
      %sign3A_81 = arith.extui %sign3A_80 : i1 to i32
      %sign3A_82 = arith.constant 0 : i32
      %sign3A_83 = arith.cmpi slt, %jit3A, %sign3A_82 : i32
      %sign3A_84 = arith.extui %sign3A_83 : i1 to i32
      %sign3A_85 = arith.subi %sign3A_81, %sign3A_84 : i32
      %ne3A = vector.broadcast %sign3A_85 : i32 to vector<1x2704xi32>
      %ne3A_86 = arith.cmpi ne, %sign3A_78, %ne3A : vector<1x2704xi32>
      %rem3A = vector.broadcast %jit3A : i32 to vector<1x2704xi32>
      %rem3A_87 = arith.remsi %iota3A, %rem3A : vector<1x2704xi32>
      %ne3A_88 = arith.constant 0 : i32
      %ne3A_89 = vector.broadcast %ne3A_88 : i32 to vector<1x2704xi32>
      %ne3A_90 = arith.cmpi ne, %rem3A_87, %ne3A_89 : vector<1x2704xi32>
      %and3A = arith.andi %ne3A_86, %ne3A_90 : vector<1x2704xi1>
      %sub3A = arith.constant 1 : i32
      %sub3A_91 = vector.broadcast %sub3A : i32 to vector<1x2704xi32>
      %sub3A_92 = arith.subi %div3A_70, %sub3A_91 : vector<1x2704xi32>
      %select_n3A = arith.select %and3A, %sub3A_92, %div3A_70 : vector<1x2704xi1>, vector<1x2704xi32>
      %mul3A = arith.constant 52 : i32
      %mul3A_93 = vector.broadcast %mul3A : i32 to vector<1x2704xi32>
      %mul3A_94 = arith.muli %select_n3A, %mul3A_93 : vector<1x2704xi32>
      %sub3A_95 = arith.subi %iota3A, %mul3A_94 : vector<1x2704xi32>
      %convert_element_type3A_96 = arith.sitofp %sub3A_95 : vector<1x2704xi32> to vector<1x2704xf32>
      %logistic3A = arith.negf %get3A_3 : vector<16x2704xf32>
      %logistic3A_97 = math.exp %logistic3A : vector<16x2704xf32>
      %logistic3A_98 = arith.constant 1.000000e+00 : f32
      %logistic3A_99 = vector.broadcast %logistic3A_98 : f32 to vector<16x2704xf32>
      %logistic3A_100 = arith.addf %logistic3A_99, %logistic3A_97 : vector<16x2704xf32>
      %logistic3A_101 = arith.divf %logistic3A_99, %logistic3A_100 : vector<16x2704xf32>
      %add3A = vector.broadcast %convert_element_type3A_96 : vector<1x2704xf32> to vector<16x2704xf32>
      %add3A_102 = arith.addf %logistic3A_101, %add3A : vector<16x2704xf32>
      %mul3A_103 = arith.constant 8.000000e+00 : f32
      %mul3A_104 = vector.broadcast %mul3A_103 : f32 to vector<16x2704xf32>
      %mul3A_105 = arith.mulf %add3A_102, %mul3A_104 : vector<16x2704xf32>
      %swap3A = arith.constant 0 : index
      %swap3A_106 = arith.constant 0 : index
      %swap3A_107 = arith.constant 0 : index
      %swap3A_108 = vector.load %arg10[%swap3A, %swap3A_106, %swap3A_107] : memref<1x16x24336xf32, #tpu.memory_space<vmem>>, vector<1x16x2704xf32>
      %swap3A_109 = vector.shape_cast %swap3A_108 : vector<1x16x2704xf32> to vector<16x2704xf32>
      %swap3A_110 = vector.shape_cast %mul3A_105 : vector<16x2704xf32> to vector<1x16x2704xf32>
      tpu.vector_store %arg10[%swap3A, %swap3A_106, %swap3A_107], %swap3A_110 {strides = array<i32>} : memref<1x16x24336xf32, #tpu.memory_space<vmem>>, vector<1x16x2704xf32>,
      %logistic3A_111 = arith.negf %get3A_8 : vector<16x2704xf32>
      %logistic3A_112 = math.exp %logistic3A_111 : vector<16x2704xf32>
      %logistic3A_113 = arith.constant 1.000000e+00 : f32
      %logistic3A_114 = vector.broadcast %logistic3A_113 : f32 to vector<16x2704xf32>
      %logistic3A_115 = arith.addf %logistic3A_114, %logistic3A_112 : vector<16x2704xf32>
      %logistic3A_116 = arith.divf %logistic3A_114, %logistic3A_115 : vector<16x2704xf32>
      %add3A_117 = vector.broadcast %convert_element_type3A_96 : vector<1x2704xf32> to vector<16x2704xf32>
      %add3A_118 = arith.addf %logistic3A_116, %add3A_117 : vector<16x2704xf32>
      %mul3A_119 = arith.constant 8.000000e+00 : f32
      %mul3A_120 = vector.broadcast %mul3A_119 : f32 to vector<16x2704xf32>
      %mul3A_121 = arith.mulf %add3A_118, %mul3A_120 : vector<16x2704xf32>
      %swap3A_122 = arith.constant 0 : index
      %swap3A_123 = arith.constant 0 : index
      %swap3A_124 = arith.constant 2704 : index
      %swap3A_125 = vector.load %arg10[%swap3A_122, %swap3A_123, %swap3A_124] : memref<1x16x24336xf32, #tpu.memory_space<vmem>>, vector<1x16x2704xf32>
      %swap3A_126 = vector.shape_cast %swap3A_125 : vector<1x16x2704xf32> to vector<16x2704xf32>
      %swap3A_127 = vector.shape_cast %mul3A_121 : vector<16x2704xf32> to vector<1x16x2704xf32>
      tpu.vector_store %arg10[%swap3A_122, %swap3A_123, %swap3A_124], %swap3A_127 {strides = array<i32>} : memref<1x16x24336xf32, #tpu.memory_space<vmem>>, vector<1x16x2704xf32>,
      %logistic3A_128 = arith.negf %get3A_13 : vector<16x2704xf32>
      %logistic3A_129 = math.exp %logistic3A_128 : vector<16x2704xf32>
      %logistic3A_130 = arith.constant 1.000000e+00 : f32
      %logistic3A_131 = vector.broadcast %logistic3A_130 : f32 to vector<16x2704xf32>
      %logistic3A_132 = arith.addf %logistic3A_131, %logistic3A_129 : vector<16x2704xf32>
      %logistic3A_133 = arith.divf %logistic3A_131, %logistic3A_132 : vector<16x2704xf32>
      %add3A_134 = vector.broadcast %convert_element_type3A_96 : vector<1x2704xf32> to vector<16x2704xf32>
      %add3A_135 = arith.addf %logistic3A_133, %add3A_134 : vector<16x2704xf32>
      %mul3A_136 = arith.constant 8.000000e+00 : f32
      %mul3A_137 = vector.broadcast %mul3A_136 : f32 to vector<16x2704xf32>
      %mul3A_138 = arith.mulf %add3A_135, %mul3A_137 : vector<16x2704xf32>
      %swap3A_139 = arith.constant 0 : index
      %swap3A_140 = arith.constant 0 : index
      %swap3A_141 = arith.constant 5408 : index
      %swap3A_142 = vector.load %arg10[%swap3A_139, %swap3A_140, %swap3A_141] : memref<1x16x24336xf32, #tpu.memory_space<vmem>>, vector<1x16x2704xf32>
      %swap3A_143 = vector.shape_cast %swap3A_142 : vector<1x16x2704xf32> to vector<16x2704xf32>
      %swap3A_144 = vector.shape_cast %mul3A_138 : vector<16x2704xf32> to vector<1x16x2704xf32>
      tpu.vector_store %arg10[%swap3A_139, %swap3A_140, %swap3A_141], %swap3A_144 {strides = array<i32>} : memref<1x16x24336xf32, #tpu.memory_space<vmem>>, vector<1x16x2704xf32>,
      %logistic3A_145 = arith.negf %get3A_18 : vector<16x2704xf32>
      %logistic3A_146 = math.exp %logistic3A_145 : vector<16x2704xf32>
      %logistic3A_147 = arith.constant 1.000000e+00 : f32
      %logistic3A_148 = vector.broadcast %logistic3A_147 : f32 to vector<16x2704xf32>
      %logistic3A_149 = arith.addf %logistic3A_148, %logistic3A_146 : vector<16x2704xf32>
      %logistic3A_150 = arith.divf %logistic3A_148, %logistic3A_149 : vector<16x2704xf32>
      %add3A_151 = vector.broadcast %convert_element_type3A_96 : vector<1x2704xf32> to vector<16x2704xf32>
      %add3A_152 = arith.addf %logistic3A_150, %add3A_151 : vector<16x2704xf32>
      %mul3A_153 = arith.constant 8.000000e+00 : f32
      %mul3A_154 = vector.broadcast %mul3A_153 : f32 to vector<16x2704xf32>
      %mul3A_155 = arith.mulf %add3A_152, %mul3A_154 : vector<16x2704xf32>
      %swap3A_156 = arith.constant 0 : index
      %swap3A_157 = arith.constant 0 : index
      %swap3A_158 = arith.constant 8112 : index
      %swap3A_159 = vector.load %arg10[%swap3A_156, %swap3A_157, %swap3A_158] : memref<1x16x24336xf32, #tpu.memory_space<vmem>>, vector<1x16x2704xf32>
      %swap3A_160 = vector.shape_cast %swap3A_159 : vector<1x16x2704xf32> to vector<16x2704xf32>
      %swap3A_161 = vector.shape_cast %mul3A_155 : vector<16x2704xf32> to vector<1x16x2704xf32>
      tpu.vector_store %arg10[%swap3A_156, %swap3A_157, %swap3A_158], %swap3A_161 {strides = array<i32>} : memref<1x16x24336xf32, #tpu.memory_space<vmem>>, vector<1x16x2704xf32>,
      %logistic3A_162 = arith.negf %get3A_23 : vector<16x2704xf32>
      %logistic3A_163 = math.exp %logistic3A_162 : vector<16x2704xf32>
      %logistic3A_164 = arith.constant 1.000000e+00 : f32
      %logistic3A_165 = vector.broadcast %logistic3A_164 : f32 to vector<16x2704xf32>
      %logistic3A_166 = arith.addf %logistic3A_165, %logistic3A_163 : vector<16x2704xf32>
      %logistic3A_167 = arith.divf %logistic3A_165, %logistic3A_166 : vector<16x2704xf32>
      %add3A_168 = vector.broadcast %convert_element_type3A_96 : vector<1x2704xf32> to vector<16x2704xf32>
      %add3A_169 = arith.addf %logistic3A_167, %add3A_168 : vector<16x2704xf32>
      %mul3A_170 = arith.constant 8.000000e+00 : f32
      %mul3A_171 = vector.broadcast %mul3A_170 : f32 to vector<16x2704xf32>
      %mul3A_172 = arith.mulf %add3A_169, %mul3A_171 : vector<16x2704xf32>
      %swap3A_173 = arith.constant 0 : index
      %swap3A_174 = arith.constant 0 : index
      %swap3A_175 = arith.constant 10816 : index
      %swap3A_176 = vector.load %arg10[%swap3A_173, %swap3A_174, %swap3A_175] : memref<1x16x24336xf32, #tpu.memory_space<vmem>>, vector<1x16x2704xf32>
      %swap3A_177 = vector.shape_cast %swap3A_176 : vector<1x16x2704xf32> to vector<16x2704xf32>
      %swap3A_178 = vector.shape_cast %mul3A_172 : vector<16x2704xf32> to vector<1x16x2704xf32>
      tpu.vector_store %arg10[%swap3A_173, %swap3A_174, %swap3A_175], %swap3A_178 {strides = array<i32>} : memref<1x16x24336xf32, #tpu.memory_space<vmem>>, vector<1x16x2704xf32>,
      %logistic3A_179 = arith.negf %get3A_28 : vector<16x2704xf32>
      %logistic3A_180 = math.exp %logistic3A_179 : vector<16x2704xf32>
      %logistic3A_181 = arith.constant 1.000000e+00 : f32
      %logistic3A_182 = vector.broadcast %logistic3A_181 : f32 to vector<16x2704xf32>
      %logistic3A_183 = arith.addf %logistic3A_182, %logistic3A_180 : vector<16x2704xf32>
      %logistic3A_184 = arith.divf %logistic3A_182, %logistic3A_183 : vector<16x2704xf32>
      %add3A_185 = vector.broadcast %convert_element_type3A_96 : vector<1x2704xf32> to vector<16x2704xf32>
      %add3A_186 = arith.addf %logistic3A_184, %add3A_185 : vector<16x2704xf32>
      %mul3A_187 = arith.constant 8.000000e+00 : f32
      %mul3A_188 = vector.broadcast %mul3A_187 : f32 to vector<16x2704xf32>
      %mul3A_189 = arith.mulf %add3A_186, %mul3A_188 : vector<16x2704xf32>
      %swap3A_190 = arith.constant 0 : index
      %swap3A_191 = arith.constant 0 : index
      %swap3A_192 = arith.constant 13520 : index
      %swap3A_193 = vector.load %arg10[%swap3A_190, %swap3A_191, %swap3A_192] : memref<1x16x24336xf32, #tpu.memory_space<vmem>>, vector<1x16x2704xf32>
      %swap3A_194 = vector.shape_cast %swap3A_193 : vector<1x16x2704xf32> to vector<16x2704xf32>
      %swap3A_195 = vector.shape_cast %mul3A_189 : vector<16x2704xf32> to vector<1x16x2704xf32>
      tpu.vector_store %arg10[%swap3A_190, %swap3A_191, %swap3A_192], %swap3A_195 {strides = array<i32>} : memref<1x16x24336xf32, #tpu.memory_space<vmem>>, vector<1x16x2704xf32>,
      %logistic3A_196 = arith.negf %get3A_33 : vector<16x2704xf32>
      %logistic3A_197 = math.exp %logistic3A_196 : vector<16x2704xf32>
      %logistic3A_198 = arith.constant 1.000000e+00 : f32
      %logistic3A_199 = vector.broadcast %logistic3A_198 : f32 to vector<16x2704xf32>
      %logistic3A_200 = arith.addf %logistic3A_199, %logistic3A_197 : vector<16x2704xf32>
      %logistic3A_201 = arith.divf %logistic3A_199, %logistic3A_200 : vector<16x2704xf32>
      %add3A_202 = vector.broadcast %convert_element_type3A_96 : vector<1x2704xf32> to vector<16x2704xf32>
      %add3A_203 = arith.addf %logistic3A_201, %add3A_202 : vector<16x2704xf32>
      %mul3A_204 = arith.constant 8.000000e+00 : f32
      %mul3A_205 = vector.broadcast %mul3A_204 : f32 to vector<16x2704xf32>
      %mul3A_206 = arith.mulf %add3A_203, %mul3A_205 : vector<16x2704xf32>
      %swap3A_207 = arith.constant 0 : index
      %swap3A_208 = arith.constant 0 : index
      %swap3A_209 = arith.constant 16224 : index
      %swap3A_210 = vector.load %arg10[%swap3A_207, %swap3A_208, %swap3A_209] : memref<1x16x24336xf32, #tpu.memory_space<vmem>>, vector<1x16x2704xf32>
      %swap3A_211 = vector.shape_cast %swap3A_210 : vector<1x16x2704xf32> to vector<16x2704xf32>
      %swap3A_212 = vector.shape_cast %mul3A_206 : vector<16x2704xf32> to vector<1x16x2704xf32>
      tpu.vector_store %arg10[%swap3A_207, %swap3A_208, %swap3A_209], %swap3A_212 {strides = array<i32>} : memref<1x16x24336xf32, #tpu.memory_space<vmem>>, vector<1x16x2704xf32>,
      %logistic3A_213 = arith.negf %get3A_38 : vector<16x2704xf32>
      %logistic3A_214 = math.exp %logistic3A_213 : vector<16x2704xf32>
      %logistic3A_215 = arith.constant 1.000000e+00 : f32
      %logistic3A_216 = vector.broadcast %logistic3A_215 : f32 to vector<16x2704xf32>
      %logistic3A_217 = arith.addf %logistic3A_216, %logistic3A_214 : vector<16x2704xf32>
      %logistic3A_218 = arith.divf %logistic3A_216, %logistic3A_217 : vector<16x2704xf32>
      %add3A_219 = vector.broadcast %convert_element_type3A_96 : vector<1x2704xf32> to vector<16x2704xf32>
      %add3A_220 = arith.addf %logistic3A_218, %add3A_219 : vector<16x2704xf32>
      %mul3A_221 = arith.constant 8.000000e+00 : f32
      %mul3A_222 = vector.broadcast %mul3A_221 : f32 to vector<16x2704xf32>
      %mul3A_223 = arith.mulf %add3A_220, %mul3A_222 : vector<16x2704xf32>
      %swap3A_224 = arith.constant 0 : index
      %swap3A_225 = arith.constant 0 : index
      %swap3A_226 = arith.constant 18928 : index
      %swap3A_227 = vector.load %arg10[%swap3A_224, %swap3A_225, %swap3A_226] : memref<1x16x24336xf32, #tpu.memory_space<vmem>>, vector<1x16x2704xf32>
      %swap3A_228 = vector.shape_cast %swap3A_227 : vector<1x16x2704xf32> to vector<16x2704xf32>
      %swap3A_229 = vector.shape_cast %mul3A_223 : vector<16x2704xf32> to vector<1x16x2704xf32>
      tpu.vector_store %arg10[%swap3A_224, %swap3A_225, %swap3A_226], %swap3A_229 {strides = array<i32>} : memref<1x16x24336xf32, #tpu.memory_space<vmem>>, vector<1x16x2704xf32>,
      %logistic3A_230 = arith.negf %get3A_43 : vector<16x2704xf32>
      %logistic3A_231 = math.exp %logistic3A_230 : vector<16x2704xf32>
      %logistic3A_232 = arith.constant 1.000000e+00 : f32
      %logistic3A_233 = vector.broadcast %logistic3A_232 : f32 to vector<16x2704xf32>
      %logistic3A_234 = arith.addf %logistic3A_233, %logistic3A_231 : vector<16x2704xf32>
      %logistic3A_235 = arith.divf %logistic3A_233, %logistic3A_234 : vector<16x2704xf32>
      %add3A_236 = vector.broadcast %convert_element_type3A_96 : vector<1x2704xf32> to vector<16x2704xf32>
      %add3A_237 = arith.addf %logistic3A_235, %add3A_236 : vector<16x2704xf32>
      %mul3A_238 = arith.constant 8.000000e+00 : f32
      %mul3A_239 = vector.broadcast %mul3A_238 : f32 to vector<16x2704xf32>
      %mul3A_240 = arith.mulf %add3A_237, %mul3A_239 : vector<16x2704xf32>
      %swap3A_241 = arith.constant 0 : index
      %swap3A_242 = arith.constant 0 : index
      %swap3A_243 = arith.constant 21632 : index
      %swap3A_244 = vector.load %arg10[%swap3A_241, %swap3A_242, %swap3A_243] : memref<1x16x24336xf32, #tpu.memory_space<vmem>>, vector<1x16x2704xf32>
      %swap3A_245 = vector.shape_cast %swap3A_244 : vector<1x16x2704xf32> to vector<16x2704xf32>
      %swap3A_246 = vector.shape_cast %mul3A_240 : vector<16x2704xf32> to vector<1x16x2704xf32>
      tpu.vector_store %arg10[%swap3A_241, %swap3A_242, %swap3A_243], %swap3A_246 {strides = array<i32>} : memref<1x16x24336xf32, #tpu.memory_space<vmem>>, vector<1x16x2704xf32>,
    } else {
    }
    %eq3A_46 = arith.constant 1 : i32
    %eq3A_47 = arith.cmpi eq, %arg0, %eq3A_46 : i32
    %convert_element_type3A_48 = arith.extui %eq3A_47 : i1 to i32
    %cond3A_49 = arith.constant 0 : i32
    %cond3A_50 = arith.cmpi ne, %convert_element_type3A_48, %cond3A_49 : i32
    scf.if %cond3A_50 {
      %jit3A = arith.constant 52 : i32
      %div3A = vector.broadcast %jit3A : i32 to vector<1x2704xi32>
      %div3A_70 = arith.divsi %iota3A, %div3A : vector<1x2704xi32>
      %sign3A = arith.constant 0 : i32
      %sign3A_71 = vector.broadcast %sign3A : i32 to vector<1x2704xi32>
      %sign3A_72 = arith.cmpi sgt, %iota3A, %sign3A_71 : vector<1x2704xi32>
      %sign3A_73 = arith.extui %sign3A_72 : vector<1x2704xi1> to vector<1x2704xi32>
      %sign3A_74 = arith.constant 0 : i32
      %sign3A_75 = vector.broadcast %sign3A_74 : i32 to vector<1x2704xi32>
      %sign3A_76 = arith.cmpi slt, %iota3A, %sign3A_75 : vector<1x2704xi32>
      %sign3A_77 = arith.extui %sign3A_76 : vector<1x2704xi1> to vector<1x2704xi32>
      %sign3A_78 = arith.subi %sign3A_73, %sign3A_77 : vector<1x2704xi32>
      %sign3A_79 = arith.constant 0 : i32
      %sign3A_80 = arith.cmpi sgt, %jit3A, %sign3A_79 : i32
      %sign3A_81 = arith.extui %sign3A_80 : i1 to i32
      %sign3A_82 = arith.constant 0 : i32
      %sign3A_83 = arith.cmpi slt, %jit3A, %sign3A_82 : i32
      %sign3A_84 = arith.extui %sign3A_83 : i1 to i32
      %sign3A_85 = arith.subi %sign3A_81, %sign3A_84 : i32
      %ne3A = vector.broadcast %sign3A_85 : i32 to vector<1x2704xi32>
      %ne3A_86 = arith.cmpi ne, %sign3A_78, %ne3A : vector<1x2704xi32>
      %rem3A = vector.broadcast %jit3A : i32 to vector<1x2704xi32>
      %rem3A_87 = arith.remsi %iota3A, %rem3A : vector<1x2704xi32>
      %ne3A_88 = arith.constant 0 : i32
      %ne3A_89 = vector.broadcast %ne3A_88 : i32 to vector<1x2704xi32>
      %ne3A_90 = arith.cmpi ne, %rem3A_87, %ne3A_89 : vector<1x2704xi32>
      %and3A = arith.andi %ne3A_86, %ne3A_90 : vector<1x2704xi1>
      %sub3A = arith.constant 1 : i32
      %sub3A_91 = vector.broadcast %sub3A : i32 to vector<1x2704xi32>
      %sub3A_92 = arith.subi %div3A_70, %sub3A_91 : vector<1x2704xi32>
      %select_n3A = arith.select %and3A, %sub3A_92, %div3A_70 : vector<1x2704xi1>, vector<1x2704xi32>
      %convert_element_type3A_93 = arith.sitofp %select_n3A : vector<1x2704xi32> to vector<1x2704xf32>
      %logistic3A = arith.negf %get3A_3 : vector<16x2704xf32>
      %logistic3A_94 = math.exp %logistic3A : vector<16x2704xf32>
      %logistic3A_95 = arith.constant 1.000000e+00 : f32
      %logistic3A_96 = vector.broadcast %logistic3A_95 : f32 to vector<16x2704xf32>
      %logistic3A_97 = arith.addf %logistic3A_96, %logistic3A_94 : vector<16x2704xf32>
      %logistic3A_98 = arith.divf %logistic3A_96, %logistic3A_97 : vector<16x2704xf32>
      %add3A = vector.broadcast %convert_element_type3A_93 : vector<1x2704xf32> to vector<16x2704xf32>
      %add3A_99 = arith.addf %logistic3A_98, %add3A : vector<16x2704xf32>
      %mul3A = arith.constant 8.000000e+00 : f32
      %mul3A_100 = vector.broadcast %mul3A : f32 to vector<16x2704xf32>
      %mul3A_101 = arith.mulf %add3A_99, %mul3A_100 : vector<16x2704xf32>
      %swap3A = arith.constant 0 : index
      %swap3A_102 = arith.constant 0 : index
      %swap3A_103 = arith.constant 0 : index
      %swap3A_104 = vector.load %arg10[%swap3A, %swap3A_102, %swap3A_103] : memref<1x16x24336xf32, #tpu.memory_space<vmem>>, vector<1x16x2704xf32>
      %swap3A_105 = vector.shape_cast %swap3A_104 : vector<1x16x2704xf32> to vector<16x2704xf32>
      %swap3A_106 = vector.shape_cast %mul3A_101 : vector<16x2704xf32> to vector<1x16x2704xf32>
      tpu.vector_store %arg10[%swap3A, %swap3A_102, %swap3A_103], %swap3A_106 {strides = array<i32>} : memref<1x16x24336xf32, #tpu.memory_space<vmem>>, vector<1x16x2704xf32>,
      %logistic3A_107 = arith.negf %get3A_8 : vector<16x2704xf32>
      %logistic3A_108 = math.exp %logistic3A_107 : vector<16x2704xf32>
      %logistic3A_109 = arith.constant 1.000000e+00 : f32
      %logistic3A_110 = vector.broadcast %logistic3A_109 : f32 to vector<16x2704xf32>
      %logistic3A_111 = arith.addf %logistic3A_110, %logistic3A_108 : vector<16x2704xf32>
      %logistic3A_112 = arith.divf %logistic3A_110, %logistic3A_111 : vector<16x2704xf32>
      %add3A_113 = vector.broadcast %convert_element_type3A_93 : vector<1x2704xf32> to vector<16x2704xf32>
      %add3A_114 = arith.addf %logistic3A_112, %add3A_113 : vector<16x2704xf32>
      %mul3A_115 = arith.constant 8.000000e+00 : f32
      %mul3A_116 = vector.broadcast %mul3A_115 : f32 to vector<16x2704xf32>
      %mul3A_117 = arith.mulf %add3A_114, %mul3A_116 : vector<16x2704xf32>
      %swap3A_118 = arith.constant 0 : index
      %swap3A_119 = arith.constant 0 : index
      %swap3A_120 = arith.constant 2704 : index
      %swap3A_121 = vector.load %arg10[%swap3A_118, %swap3A_119, %swap3A_120] : memref<1x16x24336xf32, #tpu.memory_space<vmem>>, vector<1x16x2704xf32>
      %swap3A_122 = vector.shape_cast %swap3A_121 : vector<1x16x2704xf32> to vector<16x2704xf32>
      %swap3A_123 = vector.shape_cast %mul3A_117 : vector<16x2704xf32> to vector<1x16x2704xf32>
      tpu.vector_store %arg10[%swap3A_118, %swap3A_119, %swap3A_120], %swap3A_123 {strides = array<i32>} : memref<1x16x24336xf32, #tpu.memory_space<vmem>>, vector<1x16x2704xf32>,
      %logistic3A_124 = arith.negf %get3A_13 : vector<16x2704xf32>
      %logistic3A_125 = math.exp %logistic3A_124 : vector<16x2704xf32>
      %logistic3A_126 = arith.constant 1.000000e+00 : f32
      %logistic3A_127 = vector.broadcast %logistic3A_126 : f32 to vector<16x2704xf32>
      %logistic3A_128 = arith.addf %logistic3A_127, %logistic3A_125 : vector<16x2704xf32>
      %logistic3A_129 = arith.divf %logistic3A_127, %logistic3A_128 : vector<16x2704xf32>
      %add3A_130 = vector.broadcast %convert_element_type3A_93 : vector<1x2704xf32> to vector<16x2704xf32>
      %add3A_131 = arith.addf %logistic3A_129, %add3A_130 : vector<16x2704xf32>
      %mul3A_132 = arith.constant 8.000000e+00 : f32
      %mul3A_133 = vector.broadcast %mul3A_132 : f32 to vector<16x2704xf32>
      %mul3A_134 = arith.mulf %add3A_131, %mul3A_133 : vector<16x2704xf32>
      %swap3A_135 = arith.constant 0 : index
      %swap3A_136 = arith.constant 0 : index
      %swap3A_137 = arith.constant 5408 : index
      %swap3A_138 = vector.load %arg10[%swap3A_135, %swap3A_136, %swap3A_137] : memref<1x16x24336xf32, #tpu.memory_space<vmem>>, vector<1x16x2704xf32>
      %swap3A_139 = vector.shape_cast %swap3A_138 : vector<1x16x2704xf32> to vector<16x2704xf32>
      %swap3A_140 = vector.shape_cast %mul3A_134 : vector<16x2704xf32> to vector<1x16x2704xf32>
      tpu.vector_store %arg10[%swap3A_135, %swap3A_136, %swap3A_137], %swap3A_140 {strides = array<i32>} : memref<1x16x24336xf32, #tpu.memory_space<vmem>>, vector<1x16x2704xf32>,
      %logistic3A_141 = arith.negf %get3A_18 : vector<16x2704xf32>
      %logistic3A_142 = math.exp %logistic3A_141 : vector<16x2704xf32>
      %logistic3A_143 = arith.constant 1.000000e+00 : f32
      %logistic3A_144 = vector.broadcast %logistic3A_143 : f32 to vector<16x2704xf32>
      %logistic3A_145 = arith.addf %logistic3A_144, %logistic3A_142 : vector<16x2704xf32>
      %logistic3A_146 = arith.divf %logistic3A_144, %logistic3A_145 : vector<16x2704xf32>
      %add3A_147 = vector.broadcast %convert_element_type3A_93 : vector<1x2704xf32> to vector<16x2704xf32>
      %add3A_148 = arith.addf %logistic3A_146, %add3A_147 : vector<16x2704xf32>
      %mul3A_149 = arith.constant 8.000000e+00 : f32
      %mul3A_150 = vector.broadcast %mul3A_149 : f32 to vector<16x2704xf32>
      %mul3A_151 = arith.mulf %add3A_148, %mul3A_150 : vector<16x2704xf32>
      %swap3A_152 = arith.constant 0 : index
      %swap3A_153 = arith.constant 0 : index
      %swap3A_154 = arith.constant 8112 : index
      %swap3A_155 = vector.load %arg10[%swap3A_152, %swap3A_153, %swap3A_154] : memref<1x16x24336xf32, #tpu.memory_space<vmem>>, vector<1x16x2704xf32>
      %swap3A_156 = vector.shape_cast %swap3A_155 : vector<1x16x2704xf32> to vector<16x2704xf32>
      %swap3A_157 = vector.shape_cast %mul3A_151 : vector<16x2704xf32> to vector<1x16x2704xf32>
      tpu.vector_store %arg10[%swap3A_152, %swap3A_153, %swap3A_154], %swap3A_157 {strides = array<i32>} : memref<1x16x24336xf32, #tpu.memory_space<vmem>>, vector<1x16x2704xf32>,
      %logistic3A_158 = arith.negf %get3A_23 : vector<16x2704xf32>
      %logistic3A_159 = math.exp %logistic3A_158 : vector<16x2704xf32>
      %logistic3A_160 = arith.constant 1.000000e+00 : f32
      %logistic3A_161 = vector.broadcast %logistic3A_160 : f32 to vector<16x2704xf32>
      %logistic3A_162 = arith.addf %logistic3A_161, %logistic3A_159 : vector<16x2704xf32>
      %logistic3A_163 = arith.divf %logistic3A_161, %logistic3A_162 : vector<16x2704xf32>
      %add3A_164 = vector.broadcast %convert_element_type3A_93 : vector<1x2704xf32> to vector<16x2704xf32>
      %add3A_165 = arith.addf %logistic3A_163, %add3A_164 : vector<16x2704xf32>
      %mul3A_166 = arith.constant 8.000000e+00 : f32
      %mul3A_167 = vector.broadcast %mul3A_166 : f32 to vector<16x2704xf32>
      %mul3A_168 = arith.mulf %add3A_165, %mul3A_167 : vector<16x2704xf32>
      %swap3A_169 = arith.constant 0 : index
      %swap3A_170 = arith.constant 0 : index
      %swap3A_171 = arith.constant 10816 : index
      %swap3A_172 = vector.load %arg10[%swap3A_169, %swap3A_170, %swap3A_171] : memref<1x16x24336xf32, #tpu.memory_space<vmem>>, vector<1x16x2704xf32>
      %swap3A_173 = vector.shape_cast %swap3A_172 : vector<1x16x2704xf32> to vector<16x2704xf32>
      %swap3A_174 = vector.shape_cast %mul3A_168 : vector<16x2704xf32> to vector<1x16x2704xf32>
      tpu.vector_store %arg10[%swap3A_169, %swap3A_170, %swap3A_171], %swap3A_174 {strides = array<i32>} : memref<1x16x24336xf32, #tpu.memory_space<vmem>>, vector<1x16x2704xf32>,
      %logistic3A_175 = arith.negf %get3A_28 : vector<16x2704xf32>
      %logistic3A_176 = math.exp %logistic3A_175 : vector<16x2704xf32>
      %logistic3A_177 = arith.constant 1.000000e+00 : f32
      %logistic3A_178 = vector.broadcast %logistic3A_177 : f32 to vector<16x2704xf32>
      %logistic3A_179 = arith.addf %logistic3A_178, %logistic3A_176 : vector<16x2704xf32>
      %logistic3A_180 = arith.divf %logistic3A_178, %logistic3A_179 : vector<16x2704xf32>
      %add3A_181 = vector.broadcast %convert_element_type3A_93 : vector<1x2704xf32> to vector<16x2704xf32>
      %add3A_182 = arith.addf %logistic3A_180, %add3A_181 : vector<16x2704xf32>
      %mul3A_183 = arith.constant 8.000000e+00 : f32
      %mul3A_184 = vector.broadcast %mul3A_183 : f32 to vector<16x2704xf32>
      %mul3A_185 = arith.mulf %add3A_182, %mul3A_184 : vector<16x2704xf32>
      %swap3A_186 = arith.constant 0 : index
      %swap3A_187 = arith.constant 0 : index
      %swap3A_188 = arith.constant 13520 : index
      %swap3A_189 = vector.load %arg10[%swap3A_186, %swap3A_187, %swap3A_188] : memref<1x16x24336xf32, #tpu.memory_space<vmem>>, vector<1x16x2704xf32>
      %swap3A_190 = vector.shape_cast %swap3A_189 : vector<1x16x2704xf32> to vector<16x2704xf32>
      %swap3A_191 = vector.shape_cast %mul3A_185 : vector<16x2704xf32> to vector<1x16x2704xf32>
      tpu.vector_store %arg10[%swap3A_186, %swap3A_187, %swap3A_188], %swap3A_191 {strides = array<i32>} : memref<1x16x24336xf32, #tpu.memory_space<vmem>>, vector<1x16x2704xf32>,
      %logistic3A_192 = arith.negf %get3A_33 : vector<16x2704xf32>
      %logistic3A_193 = math.exp %logistic3A_192 : vector<16x2704xf32>
      %logistic3A_194 = arith.constant 1.000000e+00 : f32
      %logistic3A_195 = vector.broadcast %logistic3A_194 : f32 to vector<16x2704xf32>
      %logistic3A_196 = arith.addf %logistic3A_195, %logistic3A_193 : vector<16x2704xf32>
      %logistic3A_197 = arith.divf %logistic3A_195, %logistic3A_196 : vector<16x2704xf32>
      %add3A_198 = vector.broadcast %convert_element_type3A_93 : vector<1x2704xf32> to vector<16x2704xf32>
      %add3A_199 = arith.addf %logistic3A_197, %add3A_198 : vector<16x2704xf32>
      %mul3A_200 = arith.constant 8.000000e+00 : f32
      %mul3A_201 = vector.broadcast %mul3A_200 : f32 to vector<16x2704xf32>
      %mul3A_202 = arith.mulf %add3A_199, %mul3A_201 : vector<16x2704xf32>
      %swap3A_203 = arith.constant 0 : index
      %swap3A_204 = arith.constant 0 : index
      %swap3A_205 = arith.constant 16224 : index
      %swap3A_206 = vector.load %arg10[%swap3A_203, %swap3A_204, %swap3A_205] : memref<1x16x24336xf32, #tpu.memory_space<vmem>>, vector<1x16x2704xf32>
      %swap3A_207 = vector.shape_cast %swap3A_206 : vector<1x16x2704xf32> to vector<16x2704xf32>
      %swap3A_208 = vector.shape_cast %mul3A_202 : vector<16x2704xf32> to vector<1x16x2704xf32>
      tpu.vector_store %arg10[%swap3A_203, %swap3A_204, %swap3A_205], %swap3A_208 {strides = array<i32>} : memref<1x16x24336xf32, #tpu.memory_space<vmem>>, vector<1x16x2704xf32>,
      %logistic3A_209 = arith.negf %get3A_38 : vector<16x2704xf32>
      %logistic3A_210 = math.exp %logistic3A_209 : vector<16x2704xf32>
      %logistic3A_211 = arith.constant 1.000000e+00 : f32
      %logistic3A_212 = vector.broadcast %logistic3A_211 : f32 to vector<16x2704xf32>
      %logistic3A_213 = arith.addf %logistic3A_212, %logistic3A_210 : vector<16x2704xf32>
      %logistic3A_214 = arith.divf %logistic3A_212, %logistic3A_213 : vector<16x2704xf32>
      %add3A_215 = vector.broadcast %convert_element_type3A_93 : vector<1x2704xf32> to vector<16x2704xf32>
      %add3A_216 = arith.addf %logistic3A_214, %add3A_215 : vector<16x2704xf32>
      %mul3A_217 = arith.constant 8.000000e+00 : f32
      %mul3A_218 = vector.broadcast %mul3A_217 : f32 to vector<16x2704xf32>
      %mul3A_219 = arith.mulf %add3A_216, %mul3A_218 : vector<16x2704xf32>
      %swap3A_220 = arith.constant 0 : index
      %swap3A_221 = arith.constant 0 : index
      %swap3A_222 = arith.constant 18928 : index
      %swap3A_223 = vector.load %arg10[%swap3A_220, %swap3A_221, %swap3A_222] : memref<1x16x24336xf32, #tpu.memory_space<vmem>>, vector<1x16x2704xf32>
      %swap3A_224 = vector.shape_cast %swap3A_223 : vector<1x16x2704xf32> to vector<16x2704xf32>
      %swap3A_225 = vector.shape_cast %mul3A_219 : vector<16x2704xf32> to vector<1x16x2704xf32>
      tpu.vector_store %arg10[%swap3A_220, %swap3A_221, %swap3A_222], %swap3A_225 {strides = array<i32>} : memref<1x16x24336xf32, #tpu.memory_space<vmem>>, vector<1x16x2704xf32>,
      %logistic3A_226 = arith.negf %get3A_43 : vector<16x2704xf32>
      %logistic3A_227 = math.exp %logistic3A_226 : vector<16x2704xf32>
      %logistic3A_228 = arith.constant 1.000000e+00 : f32
      %logistic3A_229 = vector.broadcast %logistic3A_228 : f32 to vector<16x2704xf32>
      %logistic3A_230 = arith.addf %logistic3A_229, %logistic3A_227 : vector<16x2704xf32>
      %logistic3A_231 = arith.divf %logistic3A_229, %logistic3A_230 : vector<16x2704xf32>
      %add3A_232 = vector.broadcast %convert_element_type3A_93 : vector<1x2704xf32> to vector<16x2704xf32>
      %add3A_233 = arith.addf %logistic3A_231, %add3A_232 : vector<16x2704xf32>
      %mul3A_234 = arith.constant 8.000000e+00 : f32
      %mul3A_235 = vector.broadcast %mul3A_234 : f32 to vector<16x2704xf32>
      %mul3A_236 = arith.mulf %add3A_233, %mul3A_235 : vector<16x2704xf32>
      %swap3A_237 = arith.constant 0 : index
      %swap3A_238 = arith.constant 0 : index
      %swap3A_239 = arith.constant 21632 : index
      %swap3A_240 = vector.load %arg10[%swap3A_237, %swap3A_238, %swap3A_239] : memref<1x16x24336xf32, #tpu.memory_space<vmem>>, vector<1x16x2704xf32>
      %swap3A_241 = vector.shape_cast %swap3A_240 : vector<1x16x2704xf32> to vector<16x2704xf32>
      %swap3A_242 = vector.shape_cast %mul3A_236 : vector<16x2704xf32> to vector<1x16x2704xf32>
      tpu.vector_store %arg10[%swap3A_237, %swap3A_238, %swap3A_239], %swap3A_242 {strides = array<i32>} : memref<1x16x24336xf32, #tpu.memory_space<vmem>>, vector<1x16x2704xf32>,
    } else {
    }
    %eq3A_51 = arith.constant 2 : i32
    %eq3A_52 = arith.cmpi eq, %arg0, %eq3A_51 : i32
    %convert_element_type3A_53 = arith.extui %eq3A_52 : i1 to i32
    %cond3A_54 = arith.constant 0 : i32
    %cond3A_55 = arith.cmpi ne, %convert_element_type3A_53, %cond3A_54 : i32
    scf.if %cond3A_55 {
      %exp3A = math.exp %get3A_3 : vector<16x2704xf32>
      %mul3A = arith.constant 1.000000e+01 : f32
      %mul3A_70 = vector.broadcast %mul3A : f32 to vector<16x2704xf32>
      %mul3A_71 = arith.mulf %exp3A, %mul3A_70 : vector<16x2704xf32>
      %swap3A = arith.constant 0 : index
      %swap3A_72 = arith.constant 0 : index
      %swap3A_73 = arith.constant 0 : index
      %swap3A_74 = vector.load %arg10[%swap3A, %swap3A_72, %swap3A_73] : memref<1x16x24336xf32, #tpu.memory_space<vmem>>, vector<1x16x2704xf32>
      %swap3A_75 = vector.shape_cast %swap3A_74 : vector<1x16x2704xf32> to vector<16x2704xf32>
      %swap3A_76 = vector.shape_cast %mul3A_71 : vector<16x2704xf32> to vector<1x16x2704xf32>
      tpu.vector_store %arg10[%swap3A, %swap3A_72, %swap3A_73], %swap3A_76 {strides = array<i32>} : memref<1x16x24336xf32, #tpu.memory_space<vmem>>, vector<1x16x2704xf32>,
      %exp3A_77 = math.exp %get3A_8 : vector<16x2704xf32>
      %mul3A_78 = arith.constant 1.600000e+01 : f32
      %mul3A_79 = vector.broadcast %mul3A_78 : f32 to vector<16x2704xf32>
      %mul3A_80 = arith.mulf %exp3A_77, %mul3A_79 : vector<16x2704xf32>
      %swap3A_81 = arith.constant 0 : index
      %swap3A_82 = arith.constant 0 : index
      %swap3A_83 = arith.constant 2704 : index
      %swap3A_84 = vector.load %arg10[%swap3A_81, %swap3A_82, %swap3A_83] : memref<1x16x24336xf32, #tpu.memory_space<vmem>>, vector<1x16x2704xf32>
      %swap3A_85 = vector.shape_cast %swap3A_84 : vector<1x16x2704xf32> to vector<16x2704xf32>
      %swap3A_86 = vector.shape_cast %mul3A_80 : vector<16x2704xf32> to vector<1x16x2704xf32>
      tpu.vector_store %arg10[%swap3A_81, %swap3A_82, %swap3A_83], %swap3A_86 {strides = array<i32>} : memref<1x16x24336xf32, #tpu.memory_space<vmem>>, vector<1x16x2704xf32>,
      %exp3A_87 = math.exp %get3A_13 : vector<16x2704xf32>
      %mul3A_88 = arith.constant 3.300000e+01 : f32
      %mul3A_89 = vector.broadcast %mul3A_88 : f32 to vector<16x2704xf32>
      %mul3A_90 = arith.mulf %exp3A_87, %mul3A_89 : vector<16x2704xf32>
      %swap3A_91 = arith.constant 0 : index
      %swap3A_92 = arith.constant 0 : index
      %swap3A_93 = arith.constant 5408 : index
      %swap3A_94 = vector.load %arg10[%swap3A_91, %swap3A_92, %swap3A_93] : memref<1x16x24336xf32, #tpu.memory_space<vmem>>, vector<1x16x2704xf32>
      %swap3A_95 = vector.shape_cast %swap3A_94 : vector<1x16x2704xf32> to vector<16x2704xf32>
      %swap3A_96 = vector.shape_cast %mul3A_90 : vector<16x2704xf32> to vector<1x16x2704xf32>
      tpu.vector_store %arg10[%swap3A_91, %swap3A_92, %swap3A_93], %swap3A_96 {strides = array<i32>} : memref<1x16x24336xf32, #tpu.memory_space<vmem>>, vector<1x16x2704xf32>,
      %exp3A_97 = math.exp %get3A_18 : vector<16x2704xf32>
      %mul3A_98 = arith.constant 3.000000e+01 : f32
      %mul3A_99 = vector.broadcast %mul3A_98 : f32 to vector<16x2704xf32>
      %mul3A_100 = arith.mulf %exp3A_97, %mul3A_99 : vector<16x2704xf32>
      %swap3A_101 = arith.constant 0 : index
      %swap3A_102 = arith.constant 0 : index
      %swap3A_103 = arith.constant 8112 : index
      %swap3A_104 = vector.load %arg10[%swap3A_101, %swap3A_102, %swap3A_103] : memref<1x16x24336xf32, #tpu.memory_space<vmem>>, vector<1x16x2704xf32>
      %swap3A_105 = vector.shape_cast %swap3A_104 : vector<1x16x2704xf32> to vector<16x2704xf32>
      %swap3A_106 = vector.shape_cast %mul3A_100 : vector<16x2704xf32> to vector<1x16x2704xf32>
      tpu.vector_store %arg10[%swap3A_101, %swap3A_102, %swap3A_103], %swap3A_106 {strides = array<i32>} : memref<1x16x24336xf32, #tpu.memory_space<vmem>>, vector<1x16x2704xf32>,
      %exp3A_107 = math.exp %get3A_23 : vector<16x2704xf32>
      %mul3A_108 = arith.constant 6.200000e+01 : f32
      %mul3A_109 = vector.broadcast %mul3A_108 : f32 to vector<16x2704xf32>
      %mul3A_110 = arith.mulf %exp3A_107, %mul3A_109 : vector<16x2704xf32>
      %swap3A_111 = arith.constant 0 : index
      %swap3A_112 = arith.constant 0 : index
      %swap3A_113 = arith.constant 10816 : index
      %swap3A_114 = vector.load %arg10[%swap3A_111, %swap3A_112, %swap3A_113] : memref<1x16x24336xf32, #tpu.memory_space<vmem>>, vector<1x16x2704xf32>
      %swap3A_115 = vector.shape_cast %swap3A_114 : vector<1x16x2704xf32> to vector<16x2704xf32>
      %swap3A_116 = vector.shape_cast %mul3A_110 : vector<16x2704xf32> to vector<1x16x2704xf32>
      tpu.vector_store %arg10[%swap3A_111, %swap3A_112, %swap3A_113], %swap3A_116 {strides = array<i32>} : memref<1x16x24336xf32, #tpu.memory_space<vmem>>, vector<1x16x2704xf32>,
      %exp3A_117 = math.exp %get3A_28 : vector<16x2704xf32>
      %mul3A_118 = arith.constant 5.900000e+01 : f32
      %mul3A_119 = vector.broadcast %mul3A_118 : f32 to vector<16x2704xf32>
      %mul3A_120 = arith.mulf %exp3A_117, %mul3A_119 : vector<16x2704xf32>
      %swap3A_121 = arith.constant 0 : index
      %swap3A_122 = arith.constant 0 : index
      %swap3A_123 = arith.constant 13520 : index
      %swap3A_124 = vector.load %arg10[%swap3A_121, %swap3A_122, %swap3A_123] : memref<1x16x24336xf32, #tpu.memory_space<vmem>>, vector<1x16x2704xf32>
      %swap3A_125 = vector.shape_cast %swap3A_124 : vector<1x16x2704xf32> to vector<16x2704xf32>
      %swap3A_126 = vector.shape_cast %mul3A_120 : vector<16x2704xf32> to vector<1x16x2704xf32>
      tpu.vector_store %arg10[%swap3A_121, %swap3A_122, %swap3A_123], %swap3A_126 {strides = array<i32>} : memref<1x16x24336xf32, #tpu.memory_space<vmem>>, vector<1x16x2704xf32>,
      %exp3A_127 = math.exp %get3A_33 : vector<16x2704xf32>
      %mul3A_128 = arith.constant 1.160000e+02 : f32
      %mul3A_129 = vector.broadcast %mul3A_128 : f32 to vector<16x2704xf32>
      %mul3A_130 = arith.mulf %exp3A_127, %mul3A_129 : vector<16x2704xf32>
      %swap3A_131 = arith.constant 0 : index
      %swap3A_132 = arith.constant 0 : index
      %swap3A_133 = arith.constant 16224 : index
      %swap3A_134 = vector.load %arg10[%swap3A_131, %swap3A_132, %swap3A_133] : memref<1x16x24336xf32, #tpu.memory_space<vmem>>, vector<1x16x2704xf32>
      %swap3A_135 = vector.shape_cast %swap3A_134 : vector<1x16x2704xf32> to vector<16x2704xf32>
      %swap3A_136 = vector.shape_cast %mul3A_130 : vector<16x2704xf32> to vector<1x16x2704xf32>
      tpu.vector_store %arg10[%swap3A_131, %swap3A_132, %swap3A_133], %swap3A_136 {strides = array<i32>} : memref<1x16x24336xf32, #tpu.memory_space<vmem>>, vector<1x16x2704xf32>,
      %exp3A_137 = math.exp %get3A_38 : vector<16x2704xf32>
      %mul3A_138 = arith.constant 1.560000e+02 : f32
      %mul3A_139 = vector.broadcast %mul3A_138 : f32 to vector<16x2704xf32>
      %mul3A_140 = arith.mulf %exp3A_137, %mul3A_139 : vector<16x2704xf32>
      %swap3A_141 = arith.constant 0 : index
      %swap3A_142 = arith.constant 0 : index
      %swap3A_143 = arith.constant 18928 : index
      %swap3A_144 = vector.load %arg10[%swap3A_141, %swap3A_142, %swap3A_143] : memref<1x16x24336xf32, #tpu.memory_space<vmem>>, vector<1x16x2704xf32>
      %swap3A_145 = vector.shape_cast %swap3A_144 : vector<1x16x2704xf32> to vector<16x2704xf32>
      %swap3A_146 = vector.shape_cast %mul3A_140 : vector<16x2704xf32> to vector<1x16x2704xf32>
      tpu.vector_store %arg10[%swap3A_141, %swap3A_142, %swap3A_143], %swap3A_146 {strides = array<i32>} : memref<1x16x24336xf32, #tpu.memory_space<vmem>>, vector<1x16x2704xf32>,
      %exp3A_147 = math.exp %get3A_43 : vector<16x2704xf32>
      %mul3A_148 = arith.constant 3.730000e+02 : f32
      %mul3A_149 = vector.broadcast %mul3A_148 : f32 to vector<16x2704xf32>
      %mul3A_150 = arith.mulf %exp3A_147, %mul3A_149 : vector<16x2704xf32>
      %swap3A_151 = arith.constant 0 : index
      %swap3A_152 = arith.constant 0 : index
      %swap3A_153 = arith.constant 21632 : index
      %swap3A_154 = vector.load %arg10[%swap3A_151, %swap3A_152, %swap3A_153] : memref<1x16x24336xf32, #tpu.memory_space<vmem>>, vector<1x16x2704xf32>
      %swap3A_155 = vector.shape_cast %swap3A_154 : vector<1x16x2704xf32> to vector<16x2704xf32>
      %swap3A_156 = vector.shape_cast %mul3A_150 : vector<16x2704xf32> to vector<1x16x2704xf32>
      tpu.vector_store %arg10[%swap3A_151, %swap3A_152, %swap3A_153], %swap3A_156 {strides = array<i32>} : memref<1x16x24336xf32, #tpu.memory_space<vmem>>, vector<1x16x2704xf32>,
    } else {
    }
    %eq3A_56 = arith.constant 3 : i32
    %eq3A_57 = arith.cmpi eq, %arg0, %eq3A_56 : i32
    %convert_element_type3A_58 = arith.extui %eq3A_57 : i1 to i32
    %cond3A_59 = arith.constant 0 : i32
    %cond3A_60 = arith.cmpi ne, %convert_element_type3A_58, %cond3A_59 : i32
    scf.if %cond3A_60 {
      %exp3A = math.exp %get3A_3 : vector<16x2704xf32>
      %mul3A = arith.constant 1.300000e+01 : f32
      %mul3A_70 = vector.broadcast %mul3A : f32 to vector<16x2704xf32>
      %mul3A_71 = arith.mulf %exp3A, %mul3A_70 : vector<16x2704xf32>
      %swap3A = arith.constant 0 : index
      %swap3A_72 = arith.constant 0 : index
      %swap3A_73 = arith.constant 0 : index
      %swap3A_74 = vector.load %arg10[%swap3A, %swap3A_72, %swap3A_73] : memref<1x16x24336xf32, #tpu.memory_space<vmem>>, vector<1x16x2704xf32>
      %swap3A_75 = vector.shape_cast %swap3A_74 : vector<1x16x2704xf32> to vector<16x2704xf32>
      %swap3A_76 = vector.shape_cast %mul3A_71 : vector<16x2704xf32> to vector<1x16x2704xf32>
      tpu.vector_store %arg10[%swap3A, %swap3A_72, %swap3A_73], %swap3A_76 {strides = array<i32>} : memref<1x16x24336xf32, #tpu.memory_space<vmem>>, vector<1x16x2704xf32>,
      %exp3A_77 = math.exp %get3A_8 : vector<16x2704xf32>
      %mul3A_78 = arith.constant 3.000000e+01 : f32
      %mul3A_79 = vector.broadcast %mul3A_78 : f32 to vector<16x2704xf32>
      %mul3A_80 = arith.mulf %exp3A_77, %mul3A_79 : vector<16x2704xf32>
      %swap3A_81 = arith.constant 0 : index
      %swap3A_82 = arith.constant 0 : index
      %swap3A_83 = arith.constant 2704 : index
      %swap3A_84 = vector.load %arg10[%swap3A_81, %swap3A_82, %swap3A_83] : memref<1x16x24336xf32, #tpu.memory_space<vmem>>, vector<1x16x2704xf32>
      %swap3A_85 = vector.shape_cast %swap3A_84 : vector<1x16x2704xf32> to vector<16x2704xf32>
      %swap3A_86 = vector.shape_cast %mul3A_80 : vector<16x2704xf32> to vector<1x16x2704xf32>
      tpu.vector_store %arg10[%swap3A_81, %swap3A_82, %swap3A_83], %swap3A_86 {strides = array<i32>} : memref<1x16x24336xf32, #tpu.memory_space<vmem>>, vector<1x16x2704xf32>,
      %exp3A_87 = math.exp %get3A_13 : vector<16x2704xf32>
      %mul3A_88 = arith.constant 2.300000e+01 : f32
      %mul3A_89 = vector.broadcast %mul3A_88 : f32 to vector<16x2704xf32>
      %mul3A_90 = arith.mulf %exp3A_87, %mul3A_89 : vector<16x2704xf32>
      %swap3A_91 = arith.constant 0 : index
      %swap3A_92 = arith.constant 0 : index
      %swap3A_93 = arith.constant 5408 : index
      %swap3A_94 = vector.load %arg10[%swap3A_91, %swap3A_92, %swap3A_93] : memref<1x16x24336xf32, #tpu.memory_space<vmem>>, vector<1x16x2704xf32>
      %swap3A_95 = vector.shape_cast %swap3A_94 : vector<1x16x2704xf32> to vector<16x2704xf32>
      %swap3A_96 = vector.shape_cast %mul3A_90 : vector<16x2704xf32> to vector<1x16x2704xf32>
      tpu.vector_store %arg10[%swap3A_91, %swap3A_92, %swap3A_93], %swap3A_96 {strides = array<i32>} : memref<1x16x24336xf32, #tpu.memory_space<vmem>>, vector<1x16x2704xf32>,
      %exp3A_97 = math.exp %get3A_18 : vector<16x2704xf32>
      %mul3A_98 = arith.constant 6.100000e+01 : f32
      %mul3A_99 = vector.broadcast %mul3A_98 : f32 to vector<16x2704xf32>
      %mul3A_100 = arith.mulf %exp3A_97, %mul3A_99 : vector<16x2704xf32>
      %swap3A_101 = arith.constant 0 : index
      %swap3A_102 = arith.constant 0 : index
      %swap3A_103 = arith.constant 8112 : index
      %swap3A_104 = vector.load %arg10[%swap3A_101, %swap3A_102, %swap3A_103] : memref<1x16x24336xf32, #tpu.memory_space<vmem>>, vector<1x16x2704xf32>
      %swap3A_105 = vector.shape_cast %swap3A_104 : vector<1x16x2704xf32> to vector<16x2704xf32>
      %swap3A_106 = vector.shape_cast %mul3A_100 : vector<16x2704xf32> to vector<1x16x2704xf32>
      tpu.vector_store %arg10[%swap3A_101, %swap3A_102, %swap3A_103], %swap3A_106 {strides = array<i32>} : memref<1x16x24336xf32, #tpu.memory_space<vmem>>, vector<1x16x2704xf32>,
      %exp3A_107 = math.exp %get3A_23 : vector<16x2704xf32>
      %mul3A_108 = arith.constant 4.500000e+01 : f32
      %mul3A_109 = vector.broadcast %mul3A_108 : f32 to vector<16x2704xf32>
      %mul3A_110 = arith.mulf %exp3A_107, %mul3A_109 : vector<16x2704xf32>
      %swap3A_111 = arith.constant 0 : index
      %swap3A_112 = arith.constant 0 : index
      %swap3A_113 = arith.constant 10816 : index
      %swap3A_114 = vector.load %arg10[%swap3A_111, %swap3A_112, %swap3A_113] : memref<1x16x24336xf32, #tpu.memory_space<vmem>>, vector<1x16x2704xf32>
      %swap3A_115 = vector.shape_cast %swap3A_114 : vector<1x16x2704xf32> to vector<16x2704xf32>
      %swap3A_116 = vector.shape_cast %mul3A_110 : vector<16x2704xf32> to vector<1x16x2704xf32>
      tpu.vector_store %arg10[%swap3A_111, %swap3A_112, %swap3A_113], %swap3A_116 {strides = array<i32>} : memref<1x16x24336xf32, #tpu.memory_space<vmem>>, vector<1x16x2704xf32>,
      %exp3A_117 = math.exp %get3A_28 : vector<16x2704xf32>
      %mul3A_118 = arith.constant 1.190000e+02 : f32
      %mul3A_119 = vector.broadcast %mul3A_118 : f32 to vector<16x2704xf32>
      %mul3A_120 = arith.mulf %exp3A_117, %mul3A_119 : vector<16x2704xf32>
      %swap3A_121 = arith.constant 0 : index
      %swap3A_122 = arith.constant 0 : index
      %swap3A_123 = arith.constant 13520 : index
      %swap3A_124 = vector.load %arg10[%swap3A_121, %swap3A_122, %swap3A_123] : memref<1x16x24336xf32, #tpu.memory_space<vmem>>, vector<1x16x2704xf32>
      %swap3A_125 = vector.shape_cast %swap3A_124 : vector<1x16x2704xf32> to vector<16x2704xf32>
      %swap3A_126 = vector.shape_cast %mul3A_120 : vector<16x2704xf32> to vector<1x16x2704xf32>
      tpu.vector_store %arg10[%swap3A_121, %swap3A_122, %swap3A_123], %swap3A_126 {strides = array<i32>} : memref<1x16x24336xf32, #tpu.memory_space<vmem>>, vector<1x16x2704xf32>,
      %exp3A_127 = math.exp %get3A_33 : vector<16x2704xf32>
      %mul3A_128 = arith.constant 9.000000e+01 : f32
      %mul3A_129 = vector.broadcast %mul3A_128 : f32 to vector<16x2704xf32>
      %mul3A_130 = arith.mulf %exp3A_127, %mul3A_129 : vector<16x2704xf32>
      %swap3A_131 = arith.constant 0 : index
      %swap3A_132 = arith.constant 0 : index
      %swap3A_133 = arith.constant 16224 : index
      %swap3A_134 = vector.load %arg10[%swap3A_131, %swap3A_132, %swap3A_133] : memref<1x16x24336xf32, #tpu.memory_space<vmem>>, vector<1x16x2704xf32>
      %swap3A_135 = vector.shape_cast %swap3A_134 : vector<1x16x2704xf32> to vector<16x2704xf32>
      %swap3A_136 = vector.shape_cast %mul3A_130 : vector<16x2704xf32> to vector<1x16x2704xf32>
      tpu.vector_store %arg10[%swap3A_131, %swap3A_132, %swap3A_133], %swap3A_136 {strides = array<i32>} : memref<1x16x24336xf32, #tpu.memory_space<vmem>>, vector<1x16x2704xf32>,
      %exp3A_137 = math.exp %get3A_38 : vector<16x2704xf32>
      %mul3A_138 = arith.constant 1.980000e+02 : f32
      %mul3A_139 = vector.broadcast %mul3A_138 : f32 to vector<16x2704xf32>
      %mul3A_140 = arith.mulf %exp3A_137, %mul3A_139 : vector<16x2704xf32>
      %swap3A_141 = arith.constant 0 : index
      %swap3A_142 = arith.constant 0 : index
      %swap3A_143 = arith.constant 18928 : index
      %swap3A_144 = vector.load %arg10[%swap3A_141, %swap3A_142, %swap3A_143] : memref<1x16x24336xf32, #tpu.memory_space<vmem>>, vector<1x16x2704xf32>
      %swap3A_145 = vector.shape_cast %swap3A_144 : vector<1x16x2704xf32> to vector<16x2704xf32>
      %swap3A_146 = vector.shape_cast %mul3A_140 : vector<16x2704xf32> to vector<1x16x2704xf32>
      tpu.vector_store %arg10[%swap3A_141, %swap3A_142, %swap3A_143], %swap3A_146 {strides = array<i32>} : memref<1x16x24336xf32, #tpu.memory_space<vmem>>, vector<1x16x2704xf32>,
      %exp3A_147 = math.exp %get3A_43 : vector<16x2704xf32>
      %mul3A_148 = arith.constant 3.260000e+02 : f32
      %mul3A_149 = vector.broadcast %mul3A_148 : f32 to vector<16x2704xf32>
      %mul3A_150 = arith.mulf %exp3A_147, %mul3A_149 : vector<16x2704xf32>
      %swap3A_151 = arith.constant 0 : index
      %swap3A_152 = arith.constant 0 : index
      %swap3A_153 = arith.constant 21632 : index
      %swap3A_154 = vector.load %arg10[%swap3A_151, %swap3A_152, %swap3A_153] : memref<1x16x24336xf32, #tpu.memory_space<vmem>>, vector<1x16x2704xf32>
      %swap3A_155 = vector.shape_cast %swap3A_154 : vector<1x16x2704xf32> to vector<16x2704xf32>
      %swap3A_156 = vector.shape_cast %mul3A_150 : vector<16x2704xf32> to vector<1x16x2704xf32>
      tpu.vector_store %arg10[%swap3A_151, %swap3A_152, %swap3A_153], %swap3A_156 {strides = array<i32>} : memref<1x16x24336xf32, #tpu.memory_space<vmem>>, vector<1x16x2704xf32>,
    } else {
    }
    %ge3A = arith.constant 4 : i32
    %ge3A_61 = arith.cmpi sge, %arg0, %ge3A : i32
    %convert_element_type3A_62 = arith.extui %ge3A_61 : i1 to i32
    %cond3A_63 = arith.constant 0 : i32
    %cond3A_64 = arith.cmpi ne, %convert_element_type3A_62, %cond3A_63 : i32
    scf.if %cond3A_64 {
      %logistic3A = arith.negf %get3A_3 : vector<16x2704xf32>
      %logistic3A_70 = math.exp %logistic3A : vector<16x2704xf32>
      %logistic3A_71 = arith.constant 1.000000e+00 : f32
      %logistic3A_72 = vector.broadcast %logistic3A_71 : f32 to vector<16x2704xf32>
      %logistic3A_73 = arith.addf %logistic3A_72, %logistic3A_70 : vector<16x2704xf32>
      %logistic3A_74 = arith.divf %logistic3A_72, %logistic3A_73 : vector<16x2704xf32>
      %swap3A = arith.constant 0 : index
      %swap3A_75 = arith.constant 0 : index
      %swap3A_76 = arith.constant 0 : index
      %swap3A_77 = vector.load %arg10[%swap3A, %swap3A_75, %swap3A_76] : memref<1x16x24336xf32, #tpu.memory_space<vmem>>, vector<1x16x2704xf32>
      %swap3A_78 = vector.shape_cast %swap3A_77 : vector<1x16x2704xf32> to vector<16x2704xf32>
      %swap3A_79 = vector.shape_cast %logistic3A_74 : vector<16x2704xf32> to vector<1x16x2704xf32>
      tpu.vector_store %arg10[%swap3A, %swap3A_75, %swap3A_76], %swap3A_79 {strides = array<i32>} : memref<1x16x24336xf32, #tpu.memory_space<vmem>>, vector<1x16x2704xf32>,
      %logistic3A_80 = arith.negf %get3A_8 : vector<16x2704xf32>
      %logistic3A_81 = math.exp %logistic3A_80 : vector<16x2704xf32>
      %logistic3A_82 = arith.constant 1.000000e+00 : f32
      %logistic3A_83 = vector.broadcast %logistic3A_82 : f32 to vector<16x2704xf32>
      %logistic3A_84 = arith.addf %logistic3A_83, %logistic3A_81 : vector<16x2704xf32>
      %logistic3A_85 = arith.divf %logistic3A_83, %logistic3A_84 : vector<16x2704xf32>
      %swap3A_86 = arith.constant 0 : index
      %swap3A_87 = arith.constant 0 : index
      %swap3A_88 = arith.constant 2704 : index
      %swap3A_89 = vector.load %arg10[%swap3A_86, %swap3A_87, %swap3A_88] : memref<1x16x24336xf32, #tpu.memory_space<vmem>>, vector<1x16x2704xf32>
      %swap3A_90 = vector.shape_cast %swap3A_89 : vector<1x16x2704xf32> to vector<16x2704xf32>
      %swap3A_91 = vector.shape_cast %logistic3A_85 : vector<16x2704xf32> to vector<1x16x2704xf32>
      tpu.vector_store %arg10[%swap3A_86, %swap3A_87, %swap3A_88], %swap3A_91 {strides = array<i32>} : memref<1x16x24336xf32, #tpu.memory_space<vmem>>, vector<1x16x2704xf32>,
      %logistic3A_92 = arith.negf %get3A_13 : vector<16x2704xf32>
      %logistic3A_93 = math.exp %logistic3A_92 : vector<16x2704xf32>
      %logistic3A_94 = arith.constant 1.000000e+00 : f32
      %logistic3A_95 = vector.broadcast %logistic3A_94 : f32 to vector<16x2704xf32>
      %logistic3A_96 = arith.addf %logistic3A_95, %logistic3A_93 : vector<16x2704xf32>
      %logistic3A_97 = arith.divf %logistic3A_95, %logistic3A_96 : vector<16x2704xf32>
      %swap3A_98 = arith.constant 0 : index
      %swap3A_99 = arith.constant 0 : index
      %swap3A_100 = arith.constant 5408 : index
      %swap3A_101 = vector.load %arg10[%swap3A_98, %swap3A_99, %swap3A_100] : memref<1x16x24336xf32, #tpu.memory_space<vmem>>, vector<1x16x2704xf32>
      %swap3A_102 = vector.shape_cast %swap3A_101 : vector<1x16x2704xf32> to vector<16x2704xf32>
      %swap3A_103 = vector.shape_cast %logistic3A_97 : vector<16x2704xf32> to vector<1x16x2704xf32>
      tpu.vector_store %arg10[%swap3A_98, %swap3A_99, %swap3A_100], %swap3A_103 {strides = array<i32>} : memref<1x16x24336xf32, #tpu.memory_space<vmem>>, vector<1x16x2704xf32>,
      %logistic3A_104 = arith.negf %get3A_18 : vector<16x2704xf32>
      %logistic3A_105 = math.exp %logistic3A_104 : vector<16x2704xf32>
      %logistic3A_106 = arith.constant 1.000000e+00 : f32
      %logistic3A_107 = vector.broadcast %logistic3A_106 : f32 to vector<16x2704xf32>
      %logistic3A_108 = arith.addf %logistic3A_107, %logistic3A_105 : vector<16x2704xf32>
      %logistic3A_109 = arith.divf %logistic3A_107, %logistic3A_108 : vector<16x2704xf32>
      %swap3A_110 = arith.constant 0 : index
      %swap3A_111 = arith.constant 0 : index
      %swap3A_112 = arith.constant 8112 : index
      %swap3A_113 = vector.load %arg10[%swap3A_110, %swap3A_111, %swap3A_112] : memref<1x16x24336xf32, #tpu.memory_space<vmem>>, vector<1x16x2704xf32>
      %swap3A_114 = vector.shape_cast %swap3A_113 : vector<1x16x2704xf32> to vector<16x2704xf32>
      %swap3A_115 = vector.shape_cast %logistic3A_109 : vector<16x2704xf32> to vector<1x16x2704xf32>
      tpu.vector_store %arg10[%swap3A_110, %swap3A_111, %swap3A_112], %swap3A_115 {strides = array<i32>} : memref<1x16x24336xf32, #tpu.memory_space<vmem>>, vector<1x16x2704xf32>,
      %logistic3A_116 = arith.negf %get3A_23 : vector<16x2704xf32>
      %logistic3A_117 = math.exp %logistic3A_116 : vector<16x2704xf32>
      %logistic3A_118 = arith.constant 1.000000e+00 : f32
      %logistic3A_119 = vector.broadcast %logistic3A_118 : f32 to vector<16x2704xf32>
      %logistic3A_120 = arith.addf %logistic3A_119, %logistic3A_117 : vector<16x2704xf32>
      %logistic3A_121 = arith.divf %logistic3A_119, %logistic3A_120 : vector<16x2704xf32>
      %swap3A_122 = arith.constant 0 : index
      %swap3A_123 = arith.constant 0 : index
      %swap3A_124 = arith.constant 10816 : index
      %swap3A_125 = vector.load %arg10[%swap3A_122, %swap3A_123, %swap3A_124] : memref<1x16x24336xf32, #tpu.memory_space<vmem>>, vector<1x16x2704xf32>
      %swap3A_126 = vector.shape_cast %swap3A_125 : vector<1x16x2704xf32> to vector<16x2704xf32>
      %swap3A_127 = vector.shape_cast %logistic3A_121 : vector<16x2704xf32> to vector<1x16x2704xf32>
      tpu.vector_store %arg10[%swap3A_122, %swap3A_123, %swap3A_124], %swap3A_127 {strides = array<i32>} : memref<1x16x24336xf32, #tpu.memory_space<vmem>>, vector<1x16x2704xf32>,
      %logistic3A_128 = arith.negf %get3A_28 : vector<16x2704xf32>
      %logistic3A_129 = math.exp %logistic3A_128 : vector<16x2704xf32>
      %logistic3A_130 = arith.constant 1.000000e+00 : f32
      %logistic3A_131 = vector.broadcast %logistic3A_130 : f32 to vector<16x2704xf32>
      %logistic3A_132 = arith.addf %logistic3A_131, %logistic3A_129 : vector<16x2704xf32>
      %logistic3A_133 = arith.divf %logistic3A_131, %logistic3A_132 : vector<16x2704xf32>
      %swap3A_134 = arith.constant 0 : index
      %swap3A_135 = arith.constant 0 : index
      %swap3A_136 = arith.constant 13520 : index
      %swap3A_137 = vector.load %arg10[%swap3A_134, %swap3A_135, %swap3A_136] : memref<1x16x24336xf32, #tpu.memory_space<vmem>>, vector<1x16x2704xf32>
      %swap3A_138 = vector.shape_cast %swap3A_137 : vector<1x16x2704xf32> to vector<16x2704xf32>
      %swap3A_139 = vector.shape_cast %logistic3A_133 : vector<16x2704xf32> to vector<1x16x2704xf32>
      tpu.vector_store %arg10[%swap3A_134, %swap3A_135, %swap3A_136], %swap3A_139 {strides = array<i32>} : memref<1x16x24336xf32, #tpu.memory_space<vmem>>, vector<1x16x2704xf32>,
      %logistic3A_140 = arith.negf %get3A_33 : vector<16x2704xf32>
      %logistic3A_141 = math.exp %logistic3A_140 : vector<16x2704xf32>
      %logistic3A_142 = arith.constant 1.000000e+00 : f32
      %logistic3A_143 = vector.broadcast %logistic3A_142 : f32 to vector<16x2704xf32>
      %logistic3A_144 = arith.addf %logistic3A_143, %logistic3A_141 : vector<16x2704xf32>
      %logistic3A_145 = arith.divf %logistic3A_143, %logistic3A_144 : vector<16x2704xf32>
      %swap3A_146 = arith.constant 0 : index
      %swap3A_147 = arith.constant 0 : index
      %swap3A_148 = arith.constant 16224 : index
      %swap3A_149 = vector.load %arg10[%swap3A_146, %swap3A_147, %swap3A_148] : memref<1x16x24336xf32, #tpu.memory_space<vmem>>, vector<1x16x2704xf32>
      %swap3A_150 = vector.shape_cast %swap3A_149 : vector<1x16x2704xf32> to vector<16x2704xf32>
      %swap3A_151 = vector.shape_cast %logistic3A_145 : vector<16x2704xf32> to vector<1x16x2704xf32>
      tpu.vector_store %arg10[%swap3A_146, %swap3A_147, %swap3A_148], %swap3A_151 {strides = array<i32>} : memref<1x16x24336xf32, #tpu.memory_space<vmem>>, vector<1x16x2704xf32>,
      %logistic3A_152 = arith.negf %get3A_38 : vector<16x2704xf32>
      %logistic3A_153 = math.exp %logistic3A_152 : vector<16x2704xf32>
      %logistic3A_154 = arith.constant 1.000000e+00 : f32
      %logistic3A_155 = vector.broadcast %logistic3A_154 : f32 to vector<16x2704xf32>
      %logistic3A_156 = arith.addf %logistic3A_155, %logistic3A_153 : vector<16x2704xf32>
      %logistic3A_157 = arith.divf %logistic3A_155, %logistic3A_156 : vector<16x2704xf32>
      %swap3A_158 = arith.constant 0 : index
      %swap3A_159 = arith.constant 0 : index
      %swap3A_160 = arith.constant 18928 : index
      %swap3A_161 = vector.load %arg10[%swap3A_158, %swap3A_159, %swap3A_160] : memref<1x16x24336xf32, #tpu.memory_space<vmem>>, vector<1x16x2704xf32>
      %swap3A_162 = vector.shape_cast %swap3A_161 : vector<1x16x2704xf32> to vector<16x2704xf32>
      %swap3A_163 = vector.shape_cast %logistic3A_157 : vector<16x2704xf32> to vector<1x16x2704xf32>
      tpu.vector_store %arg10[%swap3A_158, %swap3A_159, %swap3A_160], %swap3A_163 {strides = array<i32>} : memref<1x16x24336xf32, #tpu.memory_space<vmem>>, vector<1x16x2704xf32>,
      %logistic3A_164 = arith.negf %get3A_43 : vector<16x2704xf32>
      %logistic3A_165 = math.exp %logistic3A_164 : vector<16x2704xf32>
      %logistic3A_166 = arith.constant 1.000000e+00 : f32
      %logistic3A_167 = vector.broadcast %logistic3A_166 : f32 to vector<16x2704xf32>
      %logistic3A_168 = arith.addf %logistic3A_167, %logistic3A_165 : vector<16x2704xf32>
      %logistic3A_169 = arith.divf %logistic3A_167, %logistic3A_168 : vector<16x2704xf32>
      %swap3A_170 = arith.constant 0 : index
      %swap3A_171 = arith.constant 0 : index
      %swap3A_172 = arith.constant 21632 : index
      %swap3A_173 = vector.load %arg10[%swap3A_170, %swap3A_171, %swap3A_172] : memref<1x16x24336xf32, #tpu.memory_space<vmem>>, vector<1x16x2704xf32>
      %swap3A_174 = vector.shape_cast %swap3A_173 : vector<1x16x2704xf32> to vector<16x2704xf32>
      %swap3A_175 = vector.shape_cast %logistic3A_169 : vector<16x2704xf32> to vector<1x16x2704xf32>
      tpu.vector_store %arg10[%swap3A_170, %swap3A_171, %swap3A_172], %swap3A_175 {strides = array<i32>} : memref<1x16x24336xf32, #tpu.memory_space<vmem>>, vector<1x16x2704xf32>,
    } else {
    }
    %eq3A_65 = arith.constant 4 : i32
    %eq3A_66 = arith.cmpi eq, %arg0, %eq3A_65 : i32
    %convert_element_type3A_67 = arith.extui %eq3A_66 : i1 to i32
    %cond3A_68 = arith.constant 0 : i32
    %cond3A_69 = arith.cmpi ne, %convert_element_type3A_67, %cond3A_68 : i32
    scf.if %cond3A_69 {
      %logistic3A = arith.negf %get3A_3 : vector<16x2704xf32>
      %logistic3A_70 = math.exp %logistic3A : vector<16x2704xf32>
      %logistic3A_71 = arith.constant 1.000000e+00 : f32
      %logistic3A_72 = vector.broadcast %logistic3A_71 : f32 to vector<16x2704xf32>
      %logistic3A_73 = arith.addf %logistic3A_72, %logistic3A_70 : vector<16x2704xf32>
      %logistic3A_74 = arith.divf %logistic3A_72, %logistic3A_73 : vector<16x2704xf32>
      %jit3A = arith.constant 1.000000e-07 : f32
      %jit3A_75 = arith.constant 0.99999988 : f32
      %max3A = vector.broadcast %jit3A : f32 to vector<16x2704xf32>
      %max3A_76 = arith.maximumf %max3A, %logistic3A_74 : vector<16x2704xf32>
      %min3A = vector.broadcast %jit3A_75 : f32 to vector<16x2704xf32>
      %min3A_77 = arith.minimumf %min3A, %max3A_76 : vector<16x2704xf32>
      %sub3A = arith.constant 1.000000e+00 : f32
      %sub3A_78 = vector.broadcast %sub3A : f32 to vector<16x2704xf32>
      %sub3A_79 = arith.subf %sub3A_78, %min3A_77 : vector<16x2704xf32>
      %log3A = math.log %sub3A_79 : vector<16x2704xf32>
      %neg3A = arith.constant 0.000000e+00 : f32
      %neg3A_80 = vector.broadcast %neg3A : f32 to vector<16x2704xf32>
      %neg3A_81 = arith.subf %neg3A_80, %log3A : vector<16x2704xf32>
      %reduce_sum3A = vector.shape_cast %neg3A_81 : vector<16x2704xf32> to vector<1x16x2704xf32>
      %reduce_sum3A_82 = arith.constant dense<0.000000e+00> : vector<1xf32>
      %reduce_sum3A_83 = vector.multi_reduction <add>, %reduce_sum3A, %reduce_sum3A_82 [1, 2] : vector<1x16x2704xf32> to vector<1xf32>
      %reduce_sum3A_84 = vector.shape_cast %reduce_sum3A_83 : vector<1xf32> to vector<1x1x1xf32>
      %reduce_sum3A_85 = vector.extract %reduce_sum3A_84[0, 0, 0] : f32 from vector<1x1x1xf32>
      %add3A = arith.constant 0.000000e+00 : f32
      %add3A_86 = arith.addf %add3A, %reduce_sum3A_85 : f32
      %logistic3A_87 = arith.negf %get3A_8 : vector<16x2704xf32>
      %logistic3A_88 = math.exp %logistic3A_87 : vector<16x2704xf32>
      %logistic3A_89 = arith.constant 1.000000e+00 : f32
      %logistic3A_90 = vector.broadcast %logistic3A_89 : f32 to vector<16x2704xf32>
      %logistic3A_91 = arith.addf %logistic3A_90, %logistic3A_88 : vector<16x2704xf32>
      %logistic3A_92 = arith.divf %logistic3A_90, %logistic3A_91 : vector<16x2704xf32>
      %jit3A_93 = arith.constant 1.000000e-07 : f32
      %jit3A_94 = arith.constant 0.99999988 : f32
      %max3A_95 = vector.broadcast %jit3A_93 : f32 to vector<16x2704xf32>
      %max3A_96 = arith.maximumf %max3A_95, %logistic3A_92 : vector<16x2704xf32>
      %min3A_97 = vector.broadcast %jit3A_94 : f32 to vector<16x2704xf32>
      %min3A_98 = arith.minimumf %min3A_97, %max3A_96 : vector<16x2704xf32>
      %sub3A_99 = arith.constant 1.000000e+00 : f32
      %sub3A_100 = vector.broadcast %sub3A_99 : f32 to vector<16x2704xf32>
      %sub3A_101 = arith.subf %sub3A_100, %min3A_98 : vector<16x2704xf32>
      %log3A_102 = math.log %sub3A_101 : vector<16x2704xf32>
      %neg3A_103 = arith.constant 0.000000e+00 : f32
      %neg3A_104 = vector.broadcast %neg3A_103 : f32 to vector<16x2704xf32>
      %neg3A_105 = arith.subf %neg3A_104, %log3A_102 : vector<16x2704xf32>
      %reduce_sum3A_106 = vector.shape_cast %neg3A_105 : vector<16x2704xf32> to vector<1x16x2704xf32>
      %reduce_sum3A_107 = arith.constant dense<0.000000e+00> : vector<1xf32>
      %reduce_sum3A_108 = vector.multi_reduction <add>, %reduce_sum3A_106, %reduce_sum3A_107 [1, 2] : vector<1x16x2704xf32> to vector<1xf32>
      %reduce_sum3A_109 = vector.shape_cast %reduce_sum3A_108 : vector<1xf32> to vector<1x1x1xf32>
      %reduce_sum3A_110 = vector.extract %reduce_sum3A_109[0, 0, 0] : f32 from vector<1x1x1xf32>
      %add3A_111 = arith.addf %add3A_86, %reduce_sum3A_110 : f32
      %logistic3A_112 = arith.negf %get3A_13 : vector<16x2704xf32>
      %logistic3A_113 = math.exp %logistic3A_112 : vector<16x2704xf32>
      %logistic3A_114 = arith.constant 1.000000e+00 : f32
      %logistic3A_115 = vector.broadcast %logistic3A_114 : f32 to vector<16x2704xf32>
      %logistic3A_116 = arith.addf %logistic3A_115, %logistic3A_113 : vector<16x2704xf32>
      %logistic3A_117 = arith.divf %logistic3A_115, %logistic3A_116 : vector<16x2704xf32>
      %jit3A_118 = arith.constant 1.000000e-07 : f32
      %jit3A_119 = arith.constant 0.99999988 : f32
      %max3A_120 = vector.broadcast %jit3A_118 : f32 to vector<16x2704xf32>
      %max3A_121 = arith.maximumf %max3A_120, %logistic3A_117 : vector<16x2704xf32>
      %min3A_122 = vector.broadcast %jit3A_119 : f32 to vector<16x2704xf32>
      %min3A_123 = arith.minimumf %min3A_122, %max3A_121 : vector<16x2704xf32>
      %sub3A_124 = arith.constant 1.000000e+00 : f32
      %sub3A_125 = vector.broadcast %sub3A_124 : f32 to vector<16x2704xf32>
      %sub3A_126 = arith.subf %sub3A_125, %min3A_123 : vector<16x2704xf32>
      %log3A_127 = math.log %sub3A_126 : vector<16x2704xf32>
      %neg3A_128 = arith.constant 0.000000e+00 : f32
      %neg3A_129 = vector.broadcast %neg3A_128 : f32 to vector<16x2704xf32>
      %neg3A_130 = arith.subf %neg3A_129, %log3A_127 : vector<16x2704xf32>
      %reduce_sum3A_131 = vector.shape_cast %neg3A_130 : vector<16x2704xf32> to vector<1x16x2704xf32>
      %reduce_sum3A_132 = arith.constant dense<0.000000e+00> : vector<1xf32>
      %reduce_sum3A_133 = vector.multi_reduction <add>, %reduce_sum3A_131, %reduce_sum3A_132 [1, 2] : vector<1x16x2704xf32> to vector<1xf32>
      %reduce_sum3A_134 = vector.shape_cast %reduce_sum3A_133 : vector<1xf32> to vector<1x1x1xf32>
      %reduce_sum3A_135 = vector.extract %reduce_sum3A_134[0, 0, 0] : f32 from vector<1x1x1xf32>
      %add3A_136 = arith.addf %add3A_111, %reduce_sum3A_135 : f32
      %logistic3A_137 = arith.negf %get3A_18 : vector<16x2704xf32>
      %logistic3A_138 = math.exp %logistic3A_137 : vector<16x2704xf32>
      %logistic3A_139 = arith.constant 1.000000e+00 : f32
      %logistic3A_140 = vector.broadcast %logistic3A_139 : f32 to vector<16x2704xf32>
      %logistic3A_141 = arith.addf %logistic3A_140, %logistic3A_138 : vector<16x2704xf32>
      %logistic3A_142 = arith.divf %logistic3A_140, %logistic3A_141 : vector<16x2704xf32>
      %jit3A_143 = arith.constant 1.000000e-07 : f32
      %jit3A_144 = arith.constant 0.99999988 : f32
      %max3A_145 = vector.broadcast %jit3A_143 : f32 to vector<16x2704xf32>
      %max3A_146 = arith.maximumf %max3A_145, %logistic3A_142 : vector<16x2704xf32>
      %min3A_147 = vector.broadcast %jit3A_144 : f32 to vector<16x2704xf32>
      %min3A_148 = arith.minimumf %min3A_147, %max3A_146 : vector<16x2704xf32>
      %sub3A_149 = arith.constant 1.000000e+00 : f32
      %sub3A_150 = vector.broadcast %sub3A_149 : f32 to vector<16x2704xf32>
      %sub3A_151 = arith.subf %sub3A_150, %min3A_148 : vector<16x2704xf32>
      %log3A_152 = math.log %sub3A_151 : vector<16x2704xf32>
      %neg3A_153 = arith.constant 0.000000e+00 : f32
      %neg3A_154 = vector.broadcast %neg3A_153 : f32 to vector<16x2704xf32>
      %neg3A_155 = arith.subf %neg3A_154, %log3A_152 : vector<16x2704xf32>
      %reduce_sum3A_156 = vector.shape_cast %neg3A_155 : vector<16x2704xf32> to vector<1x16x2704xf32>
      %reduce_sum3A_157 = arith.constant dense<0.000000e+00> : vector<1xf32>
      %reduce_sum3A_158 = vector.multi_reduction <add>, %reduce_sum3A_156, %reduce_sum3A_157 [1, 2] : vector<1x16x2704xf32> to vector<1xf32>
      %reduce_sum3A_159 = vector.shape_cast %reduce_sum3A_158 : vector<1xf32> to vector<1x1x1xf32>
      %reduce_sum3A_160 = vector.extract %reduce_sum3A_159[0, 0, 0] : f32 from vector<1x1x1xf32>
      %add3A_161 = arith.addf %add3A_136, %reduce_sum3A_160 : f32
      %logistic3A_162 = arith.negf %get3A_23 : vector<16x2704xf32>
      %logistic3A_163 = math.exp %logistic3A_162 : vector<16x2704xf32>
      %logistic3A_164 = arith.constant 1.000000e+00 : f32
      %logistic3A_165 = vector.broadcast %logistic3A_164 : f32 to vector<16x2704xf32>
      %logistic3A_166 = arith.addf %logistic3A_165, %logistic3A_163 : vector<16x2704xf32>
      %logistic3A_167 = arith.divf %logistic3A_165, %logistic3A_166 : vector<16x2704xf32>
      %jit3A_168 = arith.constant 1.000000e-07 : f32
      %jit3A_169 = arith.constant 0.99999988 : f32
      %max3A_170 = vector.broadcast %jit3A_168 : f32 to vector<16x2704xf32>
      %max3A_171 = arith.maximumf %max3A_170, %logistic3A_167 : vector<16x2704xf32>
      %min3A_172 = vector.broadcast %jit3A_169 : f32 to vector<16x2704xf32>
      %min3A_173 = arith.minimumf %min3A_172, %max3A_171 : vector<16x2704xf32>
      %sub3A_174 = arith.constant 1.000000e+00 : f32
      %sub3A_175 = vector.broadcast %sub3A_174 : f32 to vector<16x2704xf32>
      %sub3A_176 = arith.subf %sub3A_175, %min3A_173 : vector<16x2704xf32>
      %log3A_177 = math.log %sub3A_176 : vector<16x2704xf32>
      %neg3A_178 = arith.constant 0.000000e+00 : f32
      %neg3A_179 = vector.broadcast %neg3A_178 : f32 to vector<16x2704xf32>
      %neg3A_180 = arith.subf %neg3A_179, %log3A_177 : vector<16x2704xf32>
      %reduce_sum3A_181 = vector.shape_cast %neg3A_180 : vector<16x2704xf32> to vector<1x16x2704xf32>
      %reduce_sum3A_182 = arith.constant dense<0.000000e+00> : vector<1xf32>
      %reduce_sum3A_183 = vector.multi_reduction <add>, %reduce_sum3A_181, %reduce_sum3A_182 [1, 2] : vector<1x16x2704xf32> to vector<1xf32>
      %reduce_sum3A_184 = vector.shape_cast %reduce_sum3A_183 : vector<1xf32> to vector<1x1x1xf32>
      %reduce_sum3A_185 = vector.extract %reduce_sum3A_184[0, 0, 0] : f32 from vector<1x1x1xf32>
      %add3A_186 = arith.addf %add3A_161, %reduce_sum3A_185 : f32
      %logistic3A_187 = arith.negf %get3A_28 : vector<16x2704xf32>
      %logistic3A_188 = math.exp %logistic3A_187 : vector<16x2704xf32>
      %logistic3A_189 = arith.constant 1.000000e+00 : f32
      %logistic3A_190 = vector.broadcast %logistic3A_189 : f32 to vector<16x2704xf32>
      %logistic3A_191 = arith.addf %logistic3A_190, %logistic3A_188 : vector<16x2704xf32>
      %logistic3A_192 = arith.divf %logistic3A_190, %logistic3A_191 : vector<16x2704xf32>
      %jit3A_193 = arith.constant 1.000000e-07 : f32
      %jit3A_194 = arith.constant 0.99999988 : f32
      %max3A_195 = vector.broadcast %jit3A_193 : f32 to vector<16x2704xf32>
      %max3A_196 = arith.maximumf %max3A_195, %logistic3A_192 : vector<16x2704xf32>
      %min3A_197 = vector.broadcast %jit3A_194 : f32 to vector<16x2704xf32>
      %min3A_198 = arith.minimumf %min3A_197, %max3A_196 : vector<16x2704xf32>
      %sub3A_199 = arith.constant 1.000000e+00 : f32
      %sub3A_200 = vector.broadcast %sub3A_199 : f32 to vector<16x2704xf32>
      %sub3A_201 = arith.subf %sub3A_200, %min3A_198 : vector<16x2704xf32>
      %log3A_202 = math.log %sub3A_201 : vector<16x2704xf32>
      %neg3A_203 = arith.constant 0.000000e+00 : f32
      %neg3A_204 = vector.broadcast %neg3A_203 : f32 to vector<16x2704xf32>
      %neg3A_205 = arith.subf %neg3A_204, %log3A_202 : vector<16x2704xf32>
      %reduce_sum3A_206 = vector.shape_cast %neg3A_205 : vector<16x2704xf32> to vector<1x16x2704xf32>
      %reduce_sum3A_207 = arith.constant dense<0.000000e+00> : vector<1xf32>
      %reduce_sum3A_208 = vector.multi_reduction <add>, %reduce_sum3A_206, %reduce_sum3A_207 [1, 2] : vector<1x16x2704xf32> to vector<1xf32>
      %reduce_sum3A_209 = vector.shape_cast %reduce_sum3A_208 : vector<1xf32> to vector<1x1x1xf32>
      %reduce_sum3A_210 = vector.extract %reduce_sum3A_209[0, 0, 0] : f32 from vector<1x1x1xf32>
      %add3A_211 = arith.addf %add3A_186, %reduce_sum3A_210 : f32
      %logistic3A_212 = arith.negf %get3A_33 : vector<16x2704xf32>
      %logistic3A_213 = math.exp %logistic3A_212 : vector<16x2704xf32>
      %logistic3A_214 = arith.constant 1.000000e+00 : f32
      %logistic3A_215 = vector.broadcast %logistic3A_214 : f32 to vector<16x2704xf32>
      %logistic3A_216 = arith.addf %logistic3A_215, %logistic3A_213 : vector<16x2704xf32>
      %logistic3A_217 = arith.divf %logistic3A_215, %logistic3A_216 : vector<16x2704xf32>
      %jit3A_218 = arith.constant 1.000000e-07 : f32
      %jit3A_219 = arith.constant 0.99999988 : f32
      %max3A_220 = vector.broadcast %jit3A_218 : f32 to vector<16x2704xf32>
      %max3A_221 = arith.maximumf %max3A_220, %logistic3A_217 : vector<16x2704xf32>
      %min3A_222 = vector.broadcast %jit3A_219 : f32 to vector<16x2704xf32>
      %min3A_223 = arith.minimumf %min3A_222, %max3A_221 : vector<16x2704xf32>
      %sub3A_224 = arith.constant 1.000000e+00 : f32
      %sub3A_225 = vector.broadcast %sub3A_224 : f32 to vector<16x2704xf32>
      %sub3A_226 = arith.subf %sub3A_225, %min3A_223 : vector<16x2704xf32>
      %log3A_227 = math.log %sub3A_226 : vector<16x2704xf32>
      %neg3A_228 = arith.constant 0.000000e+00 : f32
      %neg3A_229 = vector.broadcast %neg3A_228 : f32 to vector<16x2704xf32>
      %neg3A_230 = arith.subf %neg3A_229, %log3A_227 : vector<16x2704xf32>
      %reduce_sum3A_231 = vector.shape_cast %neg3A_230 : vector<16x2704xf32> to vector<1x16x2704xf32>
      %reduce_sum3A_232 = arith.constant dense<0.000000e+00> : vector<1xf32>
      %reduce_sum3A_233 = vector.multi_reduction <add>, %reduce_sum3A_231, %reduce_sum3A_232 [1, 2] : vector<1x16x2704xf32> to vector<1xf32>
      %reduce_sum3A_234 = vector.shape_cast %reduce_sum3A_233 : vector<1xf32> to vector<1x1x1xf32>
      %reduce_sum3A_235 = vector.extract %reduce_sum3A_234[0, 0, 0] : f32 from vector<1x1x1xf32>
      %add3A_236 = arith.addf %add3A_211, %reduce_sum3A_235 : f32
      %logistic3A_237 = arith.negf %get3A_38 : vector<16x2704xf32>
      %logistic3A_238 = math.exp %logistic3A_237 : vector<16x2704xf32>
      %logistic3A_239 = arith.constant 1.000000e+00 : f32
      %logistic3A_240 = vector.broadcast %logistic3A_239 : f32 to vector<16x2704xf32>
      %logistic3A_241 = arith.addf %logistic3A_240, %logistic3A_238 : vector<16x2704xf32>
      %logistic3A_242 = arith.divf %logistic3A_240, %logistic3A_241 : vector<16x2704xf32>
      %jit3A_243 = arith.constant 1.000000e-07 : f32
      %jit3A_244 = arith.constant 0.99999988 : f32
      %max3A_245 = vector.broadcast %jit3A_243 : f32 to vector<16x2704xf32>
      %max3A_246 = arith.maximumf %max3A_245, %logistic3A_242 : vector<16x2704xf32>
      %min3A_247 = vector.broadcast %jit3A_244 : f32 to vector<16x2704xf32>
      %min3A_248 = arith.minimumf %min3A_247, %max3A_246 : vector<16x2704xf32>
      %sub3A_249 = arith.constant 1.000000e+00 : f32
      %sub3A_250 = vector.broadcast %sub3A_249 : f32 to vector<16x2704xf32>
      %sub3A_251 = arith.subf %sub3A_250, %min3A_248 : vector<16x2704xf32>
      %log3A_252 = math.log %sub3A_251 : vector<16x2704xf32>
      %neg3A_253 = arith.constant 0.000000e+00 : f32
      %neg3A_254 = vector.broadcast %neg3A_253 : f32 to vector<16x2704xf32>
      %neg3A_255 = arith.subf %neg3A_254, %log3A_252 : vector<16x2704xf32>
      %reduce_sum3A_256 = vector.shape_cast %neg3A_255 : vector<16x2704xf32> to vector<1x16x2704xf32>
      %reduce_sum3A_257 = arith.constant dense<0.000000e+00> : vector<1xf32>
      %reduce_sum3A_258 = vector.multi_reduction <add>, %reduce_sum3A_256, %reduce_sum3A_257 [1, 2] : vector<1x16x2704xf32> to vector<1xf32>
      %reduce_sum3A_259 = vector.shape_cast %reduce_sum3A_258 : vector<1xf32> to vector<1x1x1xf32>
      %reduce_sum3A_260 = vector.extract %reduce_sum3A_259[0, 0, 0] : f32 from vector<1x1x1xf32>
      %add3A_261 = arith.addf %add3A_236, %reduce_sum3A_260 : f32
      %logistic3A_262 = arith.negf %get3A_43 : vector<16x2704xf32>
      %logistic3A_263 = math.exp %logistic3A_262 : vector<16x2704xf32>
      %logistic3A_264 = arith.constant 1.000000e+00 : f32
      %logistic3A_265 = vector.broadcast %logistic3A_264 : f32 to vector<16x2704xf32>
      %logistic3A_266 = arith.addf %logistic3A_265, %logistic3A_263 : vector<16x2704xf32>
      %logistic3A_267 = arith.divf %logistic3A_265, %logistic3A_266 : vector<16x2704xf32>
      %jit3A_268 = arith.constant 1.000000e-07 : f32
      %jit3A_269 = arith.constant 0.99999988 : f32
      %max3A_270 = vector.broadcast %jit3A_268 : f32 to vector<16x2704xf32>
      %max3A_271 = arith.maximumf %max3A_270, %logistic3A_267 : vector<16x2704xf32>
      %min3A_272 = vector.broadcast %jit3A_269 : f32 to vector<16x2704xf32>
      %min3A_273 = arith.minimumf %min3A_272, %max3A_271 : vector<16x2704xf32>
      %sub3A_274 = arith.constant 1.000000e+00 : f32
      %sub3A_275 = vector.broadcast %sub3A_274 : f32 to vector<16x2704xf32>
      %sub3A_276 = arith.subf %sub3A_275, %min3A_273 : vector<16x2704xf32>
      %log3A_277 = math.log %sub3A_276 : vector<16x2704xf32>
      %neg3A_278 = arith.constant 0.000000e+00 : f32
      %neg3A_279 = vector.broadcast %neg3A_278 : f32 to vector<16x2704xf32>
      %neg3A_280 = arith.subf %neg3A_279, %log3A_277 : vector<16x2704xf32>
      %reduce_sum3A_281 = vector.shape_cast %neg3A_280 : vector<16x2704xf32> to vector<1x16x2704xf32>
      %reduce_sum3A_282 = arith.constant dense<0.000000e+00> : vector<1xf32>
      %reduce_sum3A_283 = vector.multi_reduction <add>, %reduce_sum3A_281, %reduce_sum3A_282 [1, 2] : vector<1x16x2704xf32> to vector<1xf32>
      %reduce_sum3A_284 = vector.shape_cast %reduce_sum3A_283 : vector<1xf32> to vector<1x1x1xf32>
      %reduce_sum3A_285 = vector.extract %reduce_sum3A_284[0, 0, 0] : f32 from vector<1x1x1xf32>
      %add3A_286 = arith.addf %add3A_261, %reduce_sum3A_285 : f32
      %mul3A = arith.constant 1.000000e+02 : f32
      %mul3A_287 = arith.mulf %mul3A, %add3A_286 : f32
      %swap3A = arith.constant 0 : index
      %swap3A_288 = arith.constant 0 : index
      %swap3A_289 = memref.load %arg11[%swap3A, %swap3A_288] : memref<1x1xf32, #tpu.memory_space<smem>>
      memref.store %mul3A_287, %arg11[%swap3A, %swap3A_288] : memref<1x1xf32, #tpu.memory_space<smem>>
    } else {
    }
    return
  }
  func.func @transform_0(%arg0: i32) -> (i32, i32, i32) {
    %add3A = arith.constant 0 : i32
    %add3A_0 = arith.addi %add3A, %arg0 : i32
    %c0_i32 = arith.constant 0 : i32
    %c0_i32_1 = arith.constant 0 : i32
    %c0_i32_2 = arith.constant 0 : i32
    return %add3A_0, %c0_i32, %c0_i32_1 : i32, i32, i32
  }
  func.func @transform_1(%arg0: i32) -> (i32, i32, i32) {
    %add3A = arith.constant 85 : i32
    %add3A_0 = arith.addi %add3A, %arg0 : i32
    %c0_i32 = arith.constant 0 : i32
    %c0_i32_1 = arith.constant 0 : i32
    %c0_i32_2 = arith.constant 0 : i32
    return %add3A_0, %c0_i32, %c0_i32_1 : i32, i32, i32
  }
  func.func @transform_2(%arg0: i32) -> (i32, i32, i32) {
    %add3A = arith.constant 170 : i32
    %add3A_0 = arith.addi %add3A, %arg0 : i32
    %c0_i32 = arith.constant 0 : i32
    %c0_i32_1 = arith.constant 0 : i32
    %c0_i32_2 = arith.constant 0 : i32
    return %add3A_0, %c0_i32, %c0_i32_1 : i32, i32, i32
  }
  func.func @transform_3(%arg0: i32) -> (i32, i32, i32) {
    %add3A = arith.constant 255 : i32
    %add3A_0 = arith.addi %add3A, %arg0 : i32
    %c0_i32 = arith.constant 0 : i32
    %c0_i32_1 = arith.constant 0 : i32
    %c0_i32_2 = arith.constant 0 : i32
    return %add3A_0, %c0_i32, %c0_i32_1 : i32, i32, i32
  }
  func.func @transform_4(%arg0: i32) -> (i32, i32, i32) {
    %add3A = arith.constant 340 : i32
    %add3A_0 = arith.addi %add3A, %arg0 : i32
    %c0_i32 = arith.constant 0 : i32
    %c0_i32_1 = arith.constant 0 : i32
    %c0_i32_2 = arith.constant 0 : i32
    return %add3A_0, %c0_i32, %c0_i32_1 : i32, i32, i32
  }
  func.func @transform_5(%arg0: i32) -> (i32, i32, i32) {
    %add3A = arith.constant 425 : i32
    %add3A_0 = arith.addi %add3A, %arg0 : i32
    %c0_i32 = arith.constant 0 : i32
    %c0_i32_1 = arith.constant 0 : i32
    %c0_i32_2 = arith.constant 0 : i32
    return %add3A_0, %c0_i32, %c0_i32_1 : i32, i32, i32
  }
  func.func @transform_6(%arg0: i32) -> (i32, i32, i32) {
    %add3A = arith.constant 510 : i32
    %add3A_0 = arith.addi %add3A, %arg0 : i32
    %c0_i32 = arith.constant 0 : i32
    %c0_i32_1 = arith.constant 0 : i32
    %c0_i32_2 = arith.constant 0 : i32
    return %add3A_0, %c0_i32, %c0_i32_1 : i32, i32, i32
  }
  func.func @transform_7(%arg0: i32) -> (i32, i32, i32) {
    %add3A = arith.constant 595 : i32
    %add3A_0 = arith.addi %add3A, %arg0 : i32
    %c0_i32 = arith.constant 0 : i32
    %c0_i32_1 = arith.constant 0 : i32
    %c0_i32_2 = arith.constant 0 : i32
    return %add3A_0, %c0_i32, %c0_i32_1 : i32, i32, i32
  }
  func.func @transform_8(%arg0: i32) -> (i32, i32, i32) {
    %add3A = arith.constant 680 : i32
    %add3A_0 = arith.addi %add3A, %arg0 : i32
    %c0_i32 = arith.constant 0 : i32
    %c0_i32_1 = arith.constant 0 : i32
    %c0_i32_2 = arith.constant 0 : i32
    return %add3A_0, %c0_i32, %c0_i32_1 : i32, i32, i32
  }
  func.func @transform_9(%arg0: i32) -> (i32, i32, i32) {
    %c0_i32 = arith.constant 0 : i32
    %c0_i32_0 = arith.constant 0 : i32
    %c0_i32_1 = arith.constant 0 : i32
    return %arg0, %c0_i32, %c0_i32_0 : i32, i32, i32
  }
  func.func @transform_10(%arg0: i32) -> (i32, i32) {
    %c0_i32 = arith.constant 0 : i32
    %c0_i32_0 = arith.constant 0 : i32
    %c0_i32_1 = arith.constant 0 : i32
    return %c0_i32, %c0_i32_0 : i32, i32
  }
}

</mosaic_0001>

<sc_bundles>
// kernel: sparse-core-data-format-call.cloned.1.call-start
scs
called_computation_lowered:
.L_overlay_start_0:
0x0: {  	s2 =	sld [smem:$0x3FD9]  }
0x1: {  	s3 =	sld [smem:$0x3FFE];
	_ =	sdelay $0x1  }
0x2: {  	s1 =	srdreg.scid  }
0x3: {  	s0 =	sand.u32 $0x1, s1  }
0x4: {  	s18 =	sshll.u32 s0, $0xA;
	s2 =	sadd.s32 s3, s2  }
0x5: {  	s2 =	sadd.s32 s2, s18  }
0x6: {  	[smem:$0x3FC6] =	sst s2  }
0x7: {  	_ = 	snop  }
0x8: {  	s2 =	sld [smem:$0x3FC9];
	(tm) =	ssettm $0x1  }
0x9: {  	s19 =	sld [smem:$0x3FFB];
	_ =	sdelay $0x3  }
0xa: {  	_ =	strace s19  }
0xb: {  	s3 =	sld [smem:$0x3FFC];
	_ =	sdelay $0x3  }
0xc: {  	_ =	strace s3  }
0xd: {  	s3 =	sld [smem:$0x3FFD];
	_ =	sdelay $0x3  }
0xe: {  	_ =	strace s3  }
0xf: {  	_ =	strace $0x8FFFFFFF  }
0x10: {  	s20 =	sld [smem:$0x3FDB];
	_ =	sdelay $0x1  }
0x11: {  	s4 =	simm.s32 $_scs_section_size  }
0x12: {  	s5 =	simm.s32 $_size__tile_overlayer_lowered;
	s6 =	simm.s32 $_tile_overlayer_lowered  }
0x13: {  	s23 =	simm.s32 $0x1BFF;
	s22 =	sshll.u32 s6, $0x1;
	s3 =	sadd.s32 s4, s20  }
0x14: {  	s7 =	simm.s32 $0x0;
	s21 =	sshll.u32 s5, $0x1;
	s5 =	sadd.s32 s22, s3  }
0x15: {  	[timem:s7], [sflag:s23] =	dma.local [hbm:s5], s21  }
0x16: {  	_ =	swait.ge [sflag:s23], s21  }
0x17: {  	s4 =	ssub.s32 $0x0, s21;
	[sflag:s23] =	ssyncset.done $0x0  }
0x18: {  	[sflag:s23] =	ssyncadd.s32 s4;
	_ =	sdelay $0x1  }
0x19: {  	s24 =	simm.s32 $0x1B8B  }
0x1a: {  	_ =	swait.ge [sflag:s24], $0x1  }
0x1b: {  	[sflag:s24] =	ssyncset.done $0x0  }
0x1c: {  	s26 =	simm.s32 $0x1B8E;
	s25 =	sld [smem:$0x3FFE];
	[sflag:s24] =	ssyncadd.s32 $0xFFFFFFFF  }
0x1d: {  	s27 =	simm.s32 $execute0_lowered;
	[smem:$0x3FD2] =	sst s26  }
0x1e: {  	s5 =	sshll.u32 s27, $0x1;
	_ =	strace $0x80000046;
	[dreg:$0x1] =	wrdreg $0xFFFFFFFF  }
0x1f: {  	s28 =	simm.s32 $_size_execute0_lowered;
	s3 =	sadd.s32 s3, s5;
	[dreg:$0x0] =	wrdreg $0x0  }
0x20: {  	s5 =	sshll.u32 s28, $0x1;
	[dreg:$0x2] =	wrdreg s3  }
0x21: {  	[dreg:$0x3] =	wrdreg s5  }
0x22: {  	[dreg:$0x4] =	wrdreg $0xC0  }
0x23: {  	_ =	task [dreg:s7], $0x5FFFF  }
0x24: {  	[dreg:$0x1] =	wrdreg $0xFFFFFFFF  }
0x25: {  	[dreg:$0x0] =	wrdreg $0x60  }
0x26: {  	[dreg:$0x2] =	wrdreg s2  }
0x27: {  	[dreg:$0x3] =	wrdreg s25  }
0x28: {  	[dreg:$0x4] =	wrdreg $0x9  }
0x29: {  	_ =	task.clear_ibuf [dreg:s7], $0x5FFFF;
	_ =	strace $0x90000046  }
0x2a: {  	s29 =	simm.s32 $0x9;
	_ =	strace $0x80000048  }
0x2b: {  	_ =	swait.ge [sflag:s29], $0x1  }
0x2c: {  	[sflag:s29] =	ssyncadd.s32 $0xFFFFFFFF  }
0x2d: {  	_ =	strace $0x90000048  }
0x2e: {  	_ =	sfence  }
0x2f: {  	s30 =	sld [smem:$0x0];
	_ =	sdelay $0x2  }
0x30: {  	s31 =	sshll.u32 s1, $0xD;
	s1 =	sshrl.u32 s1, $0x2  }
0x31: {  	s3 =	sand.u32 $0x4000, s31;
	s1 =	sadd.s32 s1, s30  }
0x32: {  	s0 =	sor.u32 s3, s0;
	s1 =	sshll.u32 s1, $0x11  }
0x33: {  	s0 =	sor.u32 s1, s0  }
0x34: {  	s0 =	sadd.s32 $0x8F2B, s0  }
0x35: {  	[sflag:s0] =	ssyncadd.remote.s32 $0x1  }
0x36: {  	_ =	sfence.sel $0xFFFF  }
0x37: {  	[dreg:$0x0] =	wrdreg $0xFFFFFFFF;
	(pc) =	sbr.abs _section_cstart, $3  }
0x38: {  	[dreg:$0x1] =	wrdreg $0xFFFFFFFF  }
0x39: {  	_ =	task.clear_ibuf [dreg:s7], $0x2FFFF;
	_ =	strace $0x9FFFFFFF  }
0x3a: {  	(tm) =	ssettm $0x7FFFFFFF  }
0x3b: {  	_ =	shalt  }
tec
execute0_lowered:
.L_overlay_start_1:
0x0: {  	(tag) =	ssettag $0x1  }
0x1: {  	s18 =	rddreg [dreg:$0x0]  }
0x2: {  	s0 =	rddreg [dreg:$0x1]  }
0x3: {  	_ =	strace $0x80000047;
	s30 =	srdreg.scid;
	s17 =	stileid.u32  }
0x4: {  	s1 =	simm.s32 $0x1;
	s31 =	simm.s32 $0x2;
	s14 =	simm.s32 $0x0  }
0x5: {  	p0 =	por $0x0, $0x0;
	s16 =	simm.s32 $0x0;
	s15 =	simm.s32 $0x0  }
.Ltmp0:
0x6: {  	s7 =	simm.s32 $0x0;
	s9 =	simm.s32 $0x0;
	(pc) =	sbr.rel .LBB1_1-.Ltmp0, $4  }
0x7: {  	s10 =	simm.s32 $0x0;
	s12 =	stileid.u32;
	s0 =	sadd.s32 $0xA00, s0  }
0x8: {  	s13 =	simm.s32 $0x0;
	[dreg:$0x3] =	wrdreg s0;
	s0 =	sshll.u32 s30, $0x7  }
0x9: {  	s8 =	simm.s32 $0x0;
	[sflag:s1] =	ssyncpa.u1 $0x0;
	s19 =	sand.u32 $0x80, s0  }
0xa: {  	[sflag:s31] =	ssyncpa.u1 $0x0;
	s11 =	smov.u32 s19;
	[dreg:$0x4] =	wrdreg s19  }
.LBB1_14:
0xb: {  	s0 =	smul.u32 $0x4080, s22  }
0xc: {  	s1 =	sshrl.u32 s9, $0x3;
	s2 =	sshll.u32 s10, $0x3;
	s3 =	sand.u32 $0x7F, s10  }
0xd: {  	s4 =	sshll.u32 s9, $0x7;
	p1 =	sgt.s32 s10, $0xA80;
	p2 =	sgt.s32 s7, $0x27D  }
0xe: {  	s26 =	smul.u32 $0x1600, s7;
	s27 =	rddreg [dreg:$0x3];
	s31 =	simm.s32 $0xB000  }
0xf: {  	s1 =	smul.u32 $0x5800, s1;
	s24 =	sand.u32 $0x380, s4;
	s4 =	smov.u32 s10  }
0x10: {  	s2 =	sand.u32 $0xFFFFFC00, s2;
	s4 =	simm.s32 @!p1 $0xA80;
	s0 =	sor.u32 $0x8000, s0  }
0x11: {  	s1 =	sadd.s32 s2, s1;
	s2 =	smov.u32 s7;
	s4 =	sadd.s32 s17, s4  }
0x12: {  	s17 =	stileid.u32;
	s1 =	sor.u32 s24, s1;
	s2 =	simm.s32 @!p2 $0x27D  }
0x13: {  	s6 =	sadd.s32 $0xFFFFF580, s4;
	s4 =	ssub.s32 $0xB00, s4;
	s3 =	sor.u32 s3, s1  }
0x14: {  	s2 =	sadd.s32 s19, s2;
	p1 =	sgt.s32 s6, $0x7F;
	s5 =	smulhi.u32 $0xBA2E8BA3, s3  }
0x15: {  	s1 =	smulhi.u32 $0xBA2E8BA3, s1;
	s19 =	rddreg [dreg:$0x4];
	s25 =	sadd.s32 $0xFFFFFD83, s2  }
0x16: {  	s4 =	simm.s32 @p1 $0x0;
	s2 =	ssub.s32 $0x2FD, s2;
	s5 =	sshrl.u32 s5, $0xB  }
0x17: {  	p2 =	sgt.s32 s25, $0x7F;
	s1 =	sshrl.u32 s1, $0xB;
	s5 =	smul.u32 $0xB00, s5  }
0x18: {  	s4 =	smul.u32 s4, s18;
	s18 =	rddreg [dreg:$0x0];
	s1 =	sand.u32 $0xF, s1  }
0x19: {  	s2 =	simm.s32 @p2 $0x0;
	s1 =	smul.u32 $0x160, s1;
	s3 =	ssub.s32 s3, s5  }
0x1a: {  	s2 =	smul.u32 s2, s4;
	s4 =	sadd.s32 s27, s26;
	s28 =	sand.u32 $0x7, s3  }
0x1b: {  	s1 =	sadd.s32 s1, s4;
	s3 =	sshrl.u32 s3, $0x3;
	s29 =	sshll.u32 s28, $0x12  }
0x1c: {  	s2 =	sand.u32 $0x3FFFFFFF, s2;
	s1 =	sadd.s32 s3, s1;
	s30 =	sor.u32 $0x80, s29  }
0x1d: {  	[hbm4b:s1+s30] =	stream.strided.scatter [tilespmem:s0], [sflag:$0x2], s2, s31, s30, $0x20;
	[tilespmem:$0x10100] =	vst v63  }
.LBB1_15:
0x1e: {  	p1 =	slt.u32 s8, $0x2;
	s1 =	smov.u32 s16  }
0x1f: {  	p2 =	sgt.s32 @!p1 s14, $0x27D;
	s0 =	sshra.s32 @!p1 s14, $0x1F;
	p3 =	sgt.s32 @!p1 s16, $0xF  }
0x20: {  	s2 =	sshra.s32 @!p1 s16, $0x1F;
	s3 =	sshra.s32 @!p1 s15, $0x1F;
	p2 =	por !p2, p1  }
0x21: {  	s0 =	sand.u32 @!p1 s0, s14;
	p3 =	por !p3, p1;
	s2 =	sand.u32 @!p1 s2, s16  }
0x22: {  	s1 =	simm.s32 @p3 $0xF;
	p3 =	sgt.s32 @!p1 s15, $0xA80;
	s14 =	simm.s32 @p2 $0x27D  }
0x23: {  	s1 =	ssub.s32 @!p1 s1, s2;
	p3 =	por !p3, p1;
	s2 =	smov.u32 s15  }
0x24: {  	s3 =	sand.u32 @!p1 s3, s15;
	s0 =	ssub.s32 @!p1 s14, s0;
	s2 =	simm.s32 @p3 $0xA80  }
0x25: {  	s4 =	sadd.s32 @!p1 $0xFFFFFFF1, s1;
	s1 =	ssub.s32 @!p1 $0x10, s1;
	s2 =	ssub.s32 @!p1 s2, s3  }
0x26: {  	s3 =	sadd.s32 @!p1 $0xFFFFFD83, s0;
	p2 =	sgt.s32 @!p1 s4, $0x0;
	s4 =	sadd.s32 @!p1 $0xFFFFF580, s2  }
0x27: {  	s0 =	ssub.s32 @!p1 $0x2FD, s0;
	p2 =	por !p2, p1;
	p3 =	sgt.s32 @!p1 s4, $0x7F  }
0x28: {  	s2 =	ssub.s32 @!p1 $0xB00, s2;
	s1 =	simm.s32 @!p2 $0x0;
	p2 =	por !p3, p1  }
0x29: {  	s4 =	smov.u32 s12;
	p3 =	sgt.s32 @!p1 s3, $0x7F;
	s2 =	simm.s32 @!p2 $0x0  }
0x2a: {  	p2 =	por !p3, p1;
	s1 =	smul.u32 @!p1 s2, s1;
	s2 =	sadd.s32 $0x100, s11  }
0x2b: {  	s3 =	sadd.s32 $0x10, s12;
	s0 =	simm.s32 @!p2 $0x0;
	p2 =	sgt.s32 s2, $0x2FC  }
0x2c: {  	s0 =	smul.u32 @!p1 s0, s1;
	s4 =	smov.u32 @p2 s3  }
0x2d: {  	s1 =	sadd.s32 $0x80, s13;
	s3 =	smov.u32 s13;
	p3 =	sgt.s32 s4, $0xF  }
0x2e: {  	s8 =	sadd.s32 $0x1, s8;
	p0 =	por !p0, !p0;
	s3 =	smov.u32 @p3 s1  }
0x2f: {  	s16 =	smov.u32 s9;
	s2 =	smov.u32 @p2 s19;
	p2 =	sgt.s32 s3, $0xA8F  }
0x30: {  	s9 =	smov.u32 s12;
	s3 =	simm.s32 @p2 $0x0;
	p2 =	sne.s32 s8, $0x44  }
.Ltmp1:
0x31: {  	s14 =	smov.u32 s7;
	s15 =	smov.u32 s10;
	(pc) =	sbr.rel @!p2 .LBB1_16-.Ltmp1, $4  }
0x32: {  	s7 =	smov.u32 s11;
	s0 =	sand.u32 @!p1 $0x3FFFFFFF, s0;
	s1 =	simm.s32 @!p1 $0x2  }
0x33: {  	s10 =	smov.u32 s13;
	s11 =	smov.u32 s2;
	_ =	swait.ge @!p1 [sflag:s1], s0  }
0x34: {  	s4 =	smov.u32 @p3 s17;
	s0 =	ssub.s32 @!p1 $0x0, s0;
	[sflag:s1] =	ssyncset.done @!p1 $0x0  }
0x35: {  	s12 =	smov.u32 s4;
	[sflag:s1] =	ssyncadd.s32 @!p1 s0;
	s13 =	smov.u32 s3  }
.LBB1_1:
0x36: {  	p1 =	sgt.u32 s8, $0x41;
	s4 =	smov.u32 s12  }
0x37: {  	s5 =	smov.u32 s11;
	s0 =	sshrl.u32 @!p1 s12, $0x3;
	s1 =	sshll.u32 @!p1 s11, $0x3  }
0x38: {  	s2 =	sshll.u32 @!p1 s12, $0x7;
	p2 =	sgt.s32 @!p1 s13, $0xA10;
	s0 =	smul.u32 @!p1 $0x1800, s0  }
0x39: {  	s3 =	sshra.s32 @!p1 s13, $0x1F;
	p3 =	sgt.s32 @!p1 s12, $0xF;
	s1 =	sand.u32 @!p1 $0xFFFFFC00, s1  }
0x3a: {  	s6 =	sshra.s32 @!p1 s11, $0x1F;
	s0 =	sadd.s32 @!p1 s0, s1;
	s1 =	sand.u32 @!p1 $0x380, s2  }
0x3b: {  	p2 =	por !p2, p1;
	s0 =	sor.u32 @!p1 s1, s0;
	s1 =	smov.u32 s13  }
0x3c: {  	s3 =	sand.u32 @!p1 s3, s13;
	s6 =	sand.u32 @!p1 s6, s11;
	s1 =	simm.s32 @p2 $0xA10  }
0x3d: {  	s2 =	sand.u32 @!p1 $0x7F, s11;
	p2 =	por !p3, p1;
	s1 =	ssub.s32 @!p1 s1, s3  }
0x3e: {  	s4 =	simm.s32 @p2 $0xF;
	p2 =	sgt.s32 @!p1 s11, $0x280;
	s3 =	sshra.s32 @!p1 s12, $0x1F  }
0x3f: {  	s2 =	sor.u32 @!p1 s2, s0;
	p2 =	por !p2, p1;
	s3 =	sand.u32 @!p1 s3, s12  }
0x40: {  	s0 =	smulhi.u32 @!p1 $0xAAAAAAAB, s0;
	s5 =	simm.s32 @p2 $0x280;
	s3 =	ssub.s32 @!p1 s4, s3  }
0x41: {  	s4 =	sadd.s32 @!p1 $0xFFFFF5F0, s1;
	s1 =	ssub.s32 @!p1 $0xA90, s1;
	s5 =	ssub.s32 @!p1 s5, s6  }
0x42: {  	p2 =	sgt.s32 @!p1 s4, $0x7F;
	s4 =	sadd.s32 @!p1 $0xFFFFFFF1, s3;
	s3 =	ssub.s32 @!p1 $0x10, s3  }
0x43: {  	p3 =	sgt.s32 @!p1 s4, $0x0;
	s4 =	smulhi.u32 @!p1 $0xAAAAAAAB, s2;
	p2 =	por !p2, p1  }
0x44: {  	s6 =	sadd.s32 @!p1 $0xFFFFFD80, s5;
	s1 =	simm.s32 @!p2 $0x0;
	p2 =	por !p3, p1  }
0x45: {  	p4 =	sgt.s32 @!p1 s6, $0x7F;
	s3 =	simm.s32 @!p2 $0x0;
	s4 =	sshrl.u32 @!p1 s4, $0x9  }
0x46: {  	p2 =	por !p4, p1;
	s1 =	smul.u32 @!p1 s1, s3;
	s3 =	ssub.s32 @!p1 $0x300, s5  }
0x47: {  	s4 =	smul.u32 @!p1 $0x300, s4;
	s3 =	simm.s32 @!p2 $0x0  }
0x48: {  	s0 =	sshrl.u32 @!p1 s0, $0x9;
	s5 =	sxor.u32 @!p1 $0xFFFFFFFF, s8;
	s1 =	smul.u32 @!p1 s3, s1  }
0x49: {  	s0 =	sand.u32 @!p1 $0xF, s0;
	s3 =	sshll.u32 @!p1 s5, $0xE;
	s5 =	smul.u32 @!p1 $0x600, s13  }
0x4a: {  	s0 =	smul.u32 @!p1 $0x60, s0;
	s2 =	ssub.s32 @!p1 s2, s4;
	s3 =	sand.u32 @!p1 $0x4000, s3  }
0x4b: {  	s1 =	sand.u32 @!p1 $0x3FFFFFFF, s1;
	s4 =	sadd.s32 @!p1 s18, s5;
	s5 =	sand.u32 @!p1 $0x7, s2  }
0x4c: {  	s2 =	sshrl.u32 @!p1 s2, $0x3;
	s0 =	sadd.s32 @!p1 s0, s4;
	s4 =	sshll.u32 @!p1 s5, $0x12  }
0x4d: {  	s0 =	sadd.s32 @!p1 s2, s0;
	s2 =	sor.u32 @!p1 $0x80, s4;
	s4 =	simm.s32 @!p1 $0x3000  }
0x4e: {  	[tilespmem:s3], [sflag:$0x1] =	stream.strided.gather @!p1 [hbm4b:s0+s2], s1, s4, s2, $0x38;
	[tilespmem:$0x10100] =	vst v63  }
0x4f: {  	p1 =	seq.s32 s8, $0x0  }
0x50: {  	p2 =	seq.s32 @!p1 s8, $0x43  }
0x51: {  	p1 =	por p1, p2  }
.Ltmp2:
0x52: {  	_ = 	snop;
	(pc) =	sbr.rel @p1 .LBB1_15-.Ltmp2, $1  }
0x53: {  	_ =	sdelay $0x3  }
0x54: {  	s0 =	ssub.s32 $0x0, s10  }
0x55: {  	s1 =	sshra.s32 s10, $0x1F;
	p1 =	sgt.s32 s10, $0xA10;
	s2 =	smov.u32 s10  }
0x56: {  	s28 =	sshra.s32 s9, $0x1F;
	p2 =	sgt.s32 s7, $0x280;
	s4 =	ssub.s32 $0x0, s7  }
0x57: {  	s5 =	sshra.s32 s7, $0x1F;
	s17 =	sand.u32 s0, s1;
	s2 =	simm.s32 @!p1 $0xA10  }
0x58: {  	p1 =	sgt.s32 s9, $0xF;
	s1 =	smov.u32 s9;
	s0 =	sadd.s32 s17, s2  }
0x59: {  	s19 =	sand.u32 s4, s5;
	s1 =	simm.s32 @!p1 $0xF;
	s3 =	sadd.s32 $0xFFFFF5F0, s0  }
0x5a: {  	s2 =	sand.u32 s28, s9;
	p1 =	sgt.s32 s3, $0x7F;
	s3 =	smov.u32 s7  }
0x5b: {  	s1 =	ssub.s32 s1, s2;
	s0 =	ssub.s32 $0xA90, s0;
	s3 =	simm.s32 @!p2 $0x280  }
0x5c: {  	s2 =	sadd.s32 $0xFFFFFFF1, s1;
	s18 =	ssub.s32 $0x10, s1;
	s29 =	sadd.s32 s19, s3  }
0x5d: {  	p2 =	sgt.s32 s2, $0x0;
	s0 =	simm.s32 @p1 $0x0;
	s30 =	sadd.s32 $0xFFFFFD80, s29  }
0x5e: {  	s2 =	sadd.s32 $0x80, s10;
	s1 =	ssub.s32 $0x300, s29;
	p1 =	sgt.s32 s30, $0x7F  }
0x5f: {  	s3 =	sadd.s32 $0x1, s9;
	s1 =	simm.s32 @p1 $0x0;
	p1 =	slt.s32 s2, $0xA90  }
0x60: {  	s2 =	simm.s32 @!p1 $0xA90;
	p1 =	slt.s32 s3, $0x10  }
0x61: {  	s18 =	simm.s32 @p2 $0x0;
	s20 =	ssub.s32 s2, s10;
	s3 =	simm.s32 @!p1 $0x10  }
0x62: {  	s0 =	smul.u32 s0, s18;
	s21 =	ssub.s32 s3, s9;
	p1 =	slt.s32 s20, $0x1  }
0x63: {  	p2 =	slt.s32 @!p1 s21, $0x1  }
0x64: {  	s0 =	smul.u32 s1, s0;
	p2 =	por p1, p2  }
.Ltmp3:
0x65: {  	_ = 	snop;
	(pc) =	sbr.rel @p2 .LBB1_14-.Ltmp3, $4  }
0x66: {  	s31 =	simm.s32 $0x1;
	s0 =	sand.u32 $0x3FFFFFFF, s0  }
0x67: {  	_ =	swait.ge [sflag:s31], s0  }
0x68: {  	s0 =	ssub.s32 $0x0, s0;
	[sflag:s31] =	ssyncset.done $0x0  }
0x69: {  	s22 =	sand.u32 $0x1, s8;
	[sflag:s31] =	ssyncadd.s32 s0  }
0x6a: {  	s0 =	sadd.s32 $0x80, s7  }
0x6b: {  	p2 =	slt.s32 s0, $0x2FD  }
0x6c: {  	s0 =	simm.s32 @!p2 $0x2FD  }
0x6d: {  	s1 =	simm.s32 $0x1;
	s0 =	ssub.s32 s0, s7  }
0x6e: {  	s1 =	simm.s32 @!p0 $0x0;
	s0 =	sadd.s32 $0xF, s0  }
0x6f: {  	s1 =	smul.u32 $0x10200, s1;
	s2 =	sshrl.u32 s0, $0x8  }
0x70: {  	s2 =	smul.u32 $0x20400, s2  }
.Ltmp4:
0x71: {  	_ = 	snop;
	(pc) =	sbr.rel .LBB1_4-.Ltmp4, $4  }
0x72: {  	s25 =	sshll.u32 @!p1 s22, $0xE;
	s28 =	simm.s32 $0x0;
	s29 =	simm.s32 $0x0  }
0x73: {  	s23 =	sand.u32 $0xFFFFFFF0, s0;
	s24 =	sand.u32 @!p1 $0xFFFFFF00, s0;
	s2 =	sadd.s32 s1, s2  }
0x74: {  	p1 =	slt.s32 s0, $0x100;
	s1 =	sshrl.u32 s1, $0x2;
	s2 =	sshra.s32 s2, $0x2  }
0x75: {  	p2 =	sge.s32 s24, s23;
	s26 =	sor.u32 $0x8000, s1;
	s27 =	sadd.s32 $0x8000, s2  }
.LBB1_13:
0x76: {  	s29 =	sadd.s32 $0x1, s29  }
0x77: {  	p3 =	sne.s32 s29, s20  }
.Ltmp5:
0x78: {  	_ = 	snop;
	(pc) =	sbr.rel @!p3 .LBB1_14-.Ltmp5, $2  }
0x79: {  	_ =	sdelay $0x2  }
0x7a: {  	s28 =	sadd.s32 $0x1, s28  }
.LBB1_4:
.Ltmp6:
0x7b: {  	(pc) =	sbr.rel .LBB1_5-.Ltmp6, $4  }
0x7c: {  	_ = 	snop  }
0x7d: {  	s0 =	sshll.u32 s29, $0x9;
	s1 =	sand.u32 $0x7F, s28  }
0x7e: {  	s6 =	simm.s32 $0x0;
	s2 =	simm.s32 $0x0;
	s0 =	sshra.s32 s0, $0x2  }
0x7f: {  	s31 =	sadd.s32 s1, s26;
	s30 =	sadd.s32 s0, s25;
	s0 =	sadd.s32 s1, s27  }
.LBB1_12:
0x80: {  	s2 =	sadd.s32 $0x1, s2  }
0x81: {  	p3 =	sne.s32 s2, s21  }
.Ltmp7:
0x82: {  	_ = 	snop;
	(pc) =	sbr.rel @!p3 .LBB1_13-.Ltmp7, $2  }
0x83: {  	_ =	sdelay $0x2  }
0x84: {  	s6 =	sadd.s32 $0x1, s6  }
.LBB1_5:
.Ltmp8:
0x85: {  	(pc) =	sbr.rel @p1 .LBB1_9-.Ltmp8, $3  }
0x86: {  	s1 =	sand.u32 $0x7, s6  }
0x87: {  	s1 =	smul.u32 $0x204, s1;
	_ =	sdelay $0x1  }
0x88: {  	s1 =	sshrl.u32 s1, $0x2  }
0x89: {  	s3 =	sshll.u32 s2, $0x7  }
0x8a: {  	s4 =	sand.u32 $0x380, s3  }
0x8b: {  	s4 =	sadd.s32 s4, s30  }
0x8c: {  	v5 =	vld [tilespmem:s4+$0x70]  }
0x8d: {  	v6 =	vld [tilespmem:s4+$0x0]  }
0x8e: {  	v7 =	vld [tilespmem:s4+$0x10]  }
0x8f: {  	v1 =	vld [tilespmem:s4+$0x20]  }
0x90: {  	s3 =	sadd.s32 s1, s31;
	v0 =	vld [tilespmem:s4+$0x30]  }
0x91: {  	v2 =	vld [tilespmem:s4+$0x40];
	[tilespmem:s3+$0x78F0 ss:$0x81] =	vst.msk $0xffff, v5  }
0x92: {  	v3 =	vld [tilespmem:s4+$0x50];
	[tilespmem:s3+$0x0 ss:$0x81] =	vst.msk $0xffff, v6  }
0x93: {  	v4 =	vld [tilespmem:s4+$0x60];
	[tilespmem:s3+$0x810 ss:$0x81] =	vst.msk $0xffff, v7  }
0x94: {  	[tilespmem:s3+$0x1020 ss:$0x81] =	vst.msk $0xffff, v1  }
0x95: {  	[tilespmem:s3+$0x1830 ss:$0x81] =	vst.msk $0xffff, v0  }
0x96: {  	p3 =	sgt.s32 s24, $0x100;
	[tilespmem:s3+$0x2040 ss:$0x81] =	vst.msk $0xffff, v2  }
.Ltmp9:
0x97: {  	[tilespmem:s3+$0x2850 ss:$0x81] =	vst.msk $0xffff, v3;
	(pc) =	sbr.rel @!p3 .LBB1_8-.Ltmp9, $4  }
0x98: {  	[tilespmem:s3+$0x3060 ss:$0x81] =	vst.msk $0xffff, v4  }
0x99: {  	[tilespmem:s3+$0x3870 ss:$0x81] =	vst.msk $0xffff, v5  }
0x9a: {  	[tilespmem:s3+$0x4080 ss:$0x81] =	vst.msk $0xffff, v6  }
0x9b: {  	s5 =	simm.s32 $0x100;
	[tilespmem:s3+$0x4890 ss:$0x81] =	vst.msk $0xffff, v7  }
.LBB1_7:
0x9c: {  	v5 =	vld [tilespmem:s4+$0x70];
	s5 =	sadd.s32 $0x100, s5;
	[tilespmem:s3+$0x50A0 ss:$0x81] =	vst.msk $0xffff, v1  }
0x9d: {  	v6 =	vld [tilespmem:s4+$0x0];
	p3 =	slt.s32 s5, s24;
	[tilespmem:s3+$0x58B0 ss:$0x81] =	vst.msk $0xffff, v0  }
0x9e: {  	v7 =	vld [tilespmem:s4+$0x10];
	[tilespmem:s3+$0x60C0 ss:$0x81] =	vst.msk $0xffff, v2  }
0x9f: {  	v1 =	vld [tilespmem:s4+$0x20];
	[tilespmem:s3+$0x68D0 ss:$0x81] =	vst.msk $0xffff, v3  }
0xa0: {  	v0 =	vld [tilespmem:s4+$0x30];
	[tilespmem:s3+$0x70E0 ss:$0x81] =	vst.msk $0xffff, v4;
	s3 =	sadd.s32 $0x8100, s3  }
0xa1: {  	v2 =	vld [tilespmem:s4+$0x40];
	[tilespmem:s3+$0x78F0 ss:$0x81] =	vst.msk $0xffff, v5  }
0xa2: {  	[tilespmem:s3+$0x0 ss:$0x81] =	vst.msk $0xffff, v6;
	v3 =	vld [tilespmem:s4+$0x50]  }
0xa3: {  	[tilespmem:s3+$0x810 ss:$0x81] =	vst.msk $0xffff, v7;
	v4 =	vld [tilespmem:s4+$0x60]  }
0xa4: {  	[tilespmem:s3+$0x1020 ss:$0x81] =	vst.msk $0xffff, v1  }
0xa5: {  	[tilespmem:s3+$0x1830 ss:$0x81] =	vst.msk $0xffff, v0  }
0xa6: {  	[tilespmem:s3+$0x2040 ss:$0x81] =	vst.msk $0xffff, v2  }
.Ltmp10:
0xa7: {  	[tilespmem:s3+$0x2850 ss:$0x81] =	vst.msk $0xffff, v3;
	(pc) =	sbr.rel @p3 .LBB1_7-.Ltmp10, $4  }
0xa8: {  	[tilespmem:s3+$0x3060 ss:$0x81] =	vst.msk $0xffff, v4  }
0xa9: {  	[tilespmem:s3+$0x3870 ss:$0x81] =	vst.msk $0xffff, v5  }
0xaa: {  	[tilespmem:s3+$0x4080 ss:$0x81] =	vst.msk $0xffff, v6  }
0xab: {  	[tilespmem:s3+$0x4890 ss:$0x81] =	vst.msk $0xffff, v7  }
.LBB1_8:
0xac: {  	[tilespmem:s3+$0x50A0 ss:$0x81] =	vst.msk $0xffff, v1  }
0xad: {  	[tilespmem:s3+$0x58B0 ss:$0x81] =	vst.msk $0xffff, v0  }
0xae: {  	[tilespmem:s3+$0x60C0 ss:$0x81] =	vst.msk $0xffff, v2  }
0xaf: {  	[tilespmem:s3+$0x68D0 ss:$0x81] =	vst.msk $0xffff, v3  }
0xb0: {  	[tilespmem:s3+$0x70E0 ss:$0x81] =	vst.msk $0xffff, v4  }
.LBB1_9:
.Ltmp11:
0xb1: {  	(pc) =	sbr.rel @p2 .LBB1_12-.Ltmp11, $1  }
0xb2: {  	_ =	sdelay $0x3  }
0xb3: {  	s3 =	sand.u32 $0x7, s2  }
0xb4: {  	s3 =	sadd.s32 s29, s3  }
0xb5: {  	s3 =	sshll.u32 s3, $0x9  }
0xb6: {  	s3 =	sshra.s32 s3, $0x2  }
0xb7: {  	s3 =	sadd.s32 s3, s25  }
0xb8: {  	v0 =	vmov s3;
	_ =	sdelay $0x2  }
0xb9: {  	s1 =	sadd.s32 s1, s0;
	s3 =	smov.u32 s24  }
.LBB1_11:
0xba: {  	s4 =	sand.u32 $0x70, s3;
	s3 =	sadd.s32 $0x10, s3  }
0xbb: {  	v1 =	vld.idx.msk [tilespmem:v0+s4+$0x0 ss:$0x1], $0xffff;
	p3 =	slt.s32 s3, s23  }
.Ltmp12:
0xbc: {  	_ = 	snop;
	(pc) =	sbr.rel @p3 .LBB1_11-.Ltmp12, $2  }
0xbd: {  	_ =	sdelay $0x2  }
0xbe: {  	[tilespmem:s1+$0x0 ss:$0x81] =	vst.msk $0xffff, v1;
	s1 =	sadd.s32 $0x810, s1  }
.Ltmp13:
0xbf: {  	_ = 	snop;
	(pc) =	sbr.rel .LBB1_12-.Ltmp13, $1  }
0xc0: {  	_ =	sdelay $0x3  }
.LBB1_16:
0xc1: {  	_ =	sfence.sel $0x180000  }
0xc2: {  	s0 =	simm.s32 $0x1;
	[bflag:$0x0] =	sbarrier.arrive $0xFFFF  }
0xc3: {  	s31 =	simm.s32 $0x2;
	[sflag:s0] =	ssyncpa.u1 $0x1  }
0xc4: {  	[sflag:s31] =	ssyncpa.u1 $0x1  }
0xc5: {  	_ =	strace $0x90000047  }
0xc6: {  	[bflag:$0x2] =	sbarrier.arrive $0xFFFF  }
0xc7: {  	p0 =	sne.s32 s17, $0x0;
	s0 =	rddreg [dreg:$0x2]  }
0xc8: {  	s0 =	sadd.s32 @!p0 $0x100000, s0  }
0xc9: {  	[sflag:s0] =	ssyncadd.tile.s32 @!p0 $0x1;
	_ =	shalt  }
.Lfunc_end1:
_tile_overlayer_lowered:
.L_overlay_start_2:
0xca: {  	(tag) =	ssettag $0x2  }
0xcb: {  	s0 =	rddreg [dreg:$0x0];
	s2 =	stileid.u32  }
0xcc: {  	s1 =	rddreg [dreg:$0x1];
	p0 =	sne.s32 s2, $0x0  }
0xcd: {  	s3 =	rddreg [dreg:$0x2];
	[bflag:$0x3] =	sbarrier.arrive $0xFFFF;
	s2 =	simm.s32 @!p0 $0x1C01  }
0xce: {  	[timem:s3], [sflag:s2] =	dma.local @!p0 [hbm:s0], s1  }
0xcf: {  	s0 =	simm.s32 @!p0 $0x1  }
0xd0: {  	_ =	swait.ge @!p0 [sflag:s0], s1  }
0xd1: {  	s1 =	ssub.s32 @!p0 $0x0, s1;
	[sflag:s0] =	ssyncset.done @!p0 $0x0  }
0xd2: {  	[sflag:s0] =	ssyncadd.s32 @!p0 s1  }
0xd3: {  	[bflag:$0x3] =	sbarrier.arrive $0xFFFF  }
0xd4: {  	_ =	shalt  }

</sc_bundles>
